<compile_context>
chip_gen: v7x
topology: tpu7x:2x2x1
jax: 0.10.2.dev20260603
libtpu: 0.0.44.dev20260713+nightly
codegen_flags: <defaults>
</compile_context>

<pallas_src>
import jax
import jax.numpy as jnp
from jax import lax
from jax.experimental import pallas as pl
from jax.experimental.pallas import tpu as pltpu
from jax.experimental.pallas import tpu_sc as plsc

_B = 16384
_D = 64
_R = 64
_G = 128
_P = 24576
_NBLK = _P // _G

_PB = 2048
_NPB = _B // _PB

_NC = 2
_NS = 16
_NW = _NC * _NS
_IDXW = 128
_N_IDX = 3 * _B
_CHUNKS_PER_W = _N_IDX // (_NW * _IDXW)
_ROWS_PER_W = _CHUNKS_PER_W * _IDXW


def _pos_body(r_ref, dh_ref, dp_ref, dn_ref, brel_ref, bnv_ref,
              cnt_s, pos_s):
    i = pl.program_id(0)

    @pl.when(i == 0)
    def _():
        cnt_s[...] = jnp.zeros_like(cnt_s)

    @pl.when(i < _NPB)
    def _pass_a():
        rb = r_ref[...]
        oh = rb == lax.broadcasted_iota(jnp.int32, (_PB, _R), 1)
        o_f = oh.astype(jnp.float32)
        c = o_f
        s = 1
        while s < _PB:
            c = c + jnp.concatenate(
                [jnp.zeros((s, _R), jnp.float32), c[:_PB - s]], axis=0)
            s *= 2
        carry = cnt_s[...]
        pos = jnp.sum(o_f * (carry + c), axis=1, keepdims=True) - 1.0
        off = pl.multiple_of(i * _PB, _PB)
        pos_s[pl.ds(off, _PB), :] = pos
        cnt_s[...] = carry + c[_PB - 1:_PB, :]

    @pl.when(i >= _NPB)
    def _pass_b():
        j = i - _NPB
        cnt = cnt_s[...]
        padc = jnp.floor((cnt + (_G - 1.0)) / _G) * _G
        tri = (lax.broadcasted_iota(jnp.int32, (_R, _R), 0)
               < lax.broadcasted_iota(jnp.int32, (_R, _R), 1)).astype(jnp.float32)
        starts = jnp.dot(padc, tri, preferred_element_type=jnp.float32)

        rb = r_ref[...]
        oh = rb == lax.broadcasted_iota(jnp.int32, (_PB, _R), 1)
        o_f = oh.astype(jnp.float32)
        segstart = jnp.sum(o_f * starts, axis=1, keepdims=True)
        off = pl.multiple_of(j * _PB, _PB)
        d = segstart + pos_s[pl.ds(off, _PB), :]
        dh_ref[...] = d.astype(jnp.int32)
        dp_ref[...] = (d + float(_P)).astype(jnp.int32)
        dn_ref[...] = (d + float(2 * _P)).astype(jnp.int32)

        @pl.when(j == _NPB - 1)
        def _blocks():
            jr = (lax.broadcasted_iota(jnp.int32, (_NBLK, _R), 0) * _G
                  ).astype(jnp.float32)
            relc = lax.broadcasted_iota(jnp.int32, (_NBLK, _R), 1
                                        ).astype(jnp.float32)
            m = (starts <= jr) & (jr < starts + padc)
            m_f = m.astype(jnp.float32)
            brel_ref[...] = jnp.sum(m_f * relc, axis=1, keepdims=True
                                    ).astype(jnp.int32)
            nv = jnp.clip(cnt - (jr - starts), 0.0, float(_G))
            bnv_ref[...] = jnp.sum(m_f * nv, axis=1, keepdims=True
                                   ).astype(jnp.int32)


def _positions(r2):
    return pl.pallas_call(
        _pos_body,
        grid=(2 * _NPB,),
        in_specs=[
            pl.BlockSpec((_PB, 1), lambda i: (i % _NPB, 0)),
        ],
        out_specs=[
            pl.BlockSpec((_PB, 1), lambda i: (i % _NPB, 0)),
            pl.BlockSpec((_PB, 1), lambda i: (i % _NPB, 0)),
            pl.BlockSpec((_PB, 1), lambda i: (i % _NPB, 0)),
            pl.BlockSpec((_NBLK, 1), lambda i: (0, 0)),
            pl.BlockSpec((_NBLK, 1), lambda i: (0, 0)),
        ],
        out_shape=[
            jax.ShapeDtypeStruct((_B, 1), jnp.int32),
            jax.ShapeDtypeStruct((_B, 1), jnp.int32),
            jax.ShapeDtypeStruct((_B, 1), jnp.int32),
            jax.ShapeDtypeStruct((_NBLK, 1), jnp.int32),
            jax.ShapeDtypeStruct((_NBLK, 1), jnp.int32),
        ],
        scratch_shapes=[
            pltpu.VMEM((1, _R), jnp.float32),
            pltpu.VMEM((_B, 1), jnp.float32),
        ],
    )(r2)


_TPW = _B // _NW


def _sc_gs_body(table_ref, h_ref, p_ref, n_ref, dh_ref, dp_ref, dn_ref,
                out_ref, idx_v, dst_v, rows_v, gsem, ssem):
    wid = lax.axis_index("s") * _NC + lax.axis_index("c")
    base = wid * _TPW
    for t, (iref, dref) in enumerate(
            ((h_ref, dh_ref), (p_ref, dp_ref), (n_ref, dn_ref))):
        pltpu.sync_copy(iref.at[pl.ds(base, _TPW)],
                        idx_v.at[pl.ds(t * _TPW, _TPW)])
        pltpu.sync_copy(dref.at[pl.ds(base, _TPW)],
                        dst_v.at[pl.ds(t * _TPW, _TPW)])
    gd = []
    for c in range(_CHUNKS_PER_W):
        gd.append(
            pltpu.async_copy(
                table_ref.at[idx_v.at[pl.ds(c * _IDXW, _IDXW)]],
                rows_v.at[pl.ds(c * _IDXW, _IDXW)],
                gsem,
            )
        )
    for d in gd:
        d.wait()
    sd = []
    for c in range(_CHUNKS_PER_W):
        sd.append(
            pltpu.async_copy(
                rows_v.at[pl.ds(c * _IDXW, _IDXW)],
                out_ref.at[dst_v.at[pl.ds(c * _IDXW, _IDXW)]],
                ssem,
            )
        )
    for d in sd:
        d.wait()


def _sc_gather_scatter(table, h, p, n, dh, dp, dn):
    mesh = plsc.VectorSubcoreMesh(core_axis_name="c", subcore_axis_name="s")
    f = pl.kernel(
        _sc_gs_body,
        out_type=jax.ShapeDtypeStruct((3 * _P, _D), jnp.float32),
        mesh=mesh,
        scratch_types=[
            pltpu.VMEM((_ROWS_PER_W,), jnp.int32),
            pltpu.VMEM((_ROWS_PER_W,), jnp.int32),
            pltpu.VMEM((_ROWS_PER_W, _D), jnp.float32),
            pltpu.SemaphoreType.DMA,
            pltpu.SemaphoreType.DMA,
        ],
        compiler_params=pltpu.CompilerParams(use_tc_tiling_on_sc=False),
    )
    return f(table, h, p, n, dh, dp, dn)


_KB = 4
_LGRID = _NBLK // _KB
_LROWS = _KB * _G


def _loss_body(brel_ref, bnv_ref, eh_ref, ep_ref, en_ref,
               w0_ref, w1_ref, w2_ref, w3_ref,
               r0_ref, r1_ref, r2_ref, r3_ref, out_ref, loss_ref):
    i = pl.program_id(0)
    w_refs = (w0_ref, w1_ref, w2_ref, w3_ref)
    re_refs = (r0_ref, r1_ref, r2_ref, r3_ref)
    _H = _G // 2

    s_ls = jnp.float32(0.0)
    l2h = jnp.float32(0.0)
    l2p = jnp.float32(0.0)
    l2n = jnp.float32(0.0)
    l2re = jnp.float32(0.0)
    for k in range(_KB):
        nv = bnv_ref[i * _KB + k]
        w = w_refs[k][0].astype(jnp.bfloat16)
        zzb = jnp.zeros((_D, _D), jnp.bfloat16)
        w2 = jnp.concatenate(
            [jnp.concatenate([w, zzb], axis=1),
             jnp.concatenate([zzb, w], axis=1)], axis=0)
        sl = pl.ds(k * _H, _H)
        e3 = jnp.concatenate([eh_ref[sl, :], ep_ref[sl, :], en_ref[sl, :]],
                             axis=0)
        rm3 = jnp.dot(e3.astype(jnp.bfloat16), w2,
                      preferred_element_type=jnp.float32)
        re_row = re_refs[k][0]
        re2 = jnp.concatenate([re_row, re_row], axis=1)

        a = rm3[:_H] + re2
        dp_ = a - rm3[_H:2 * _H]
        dn_ = a - rm3[2 * _H:]
        dp2 = dp_ * dp_
        dn2 = dn_ * dn_
        pos_e = jnp.sum(dp2[:, :_D], axis=1, keepdims=True)
        pos_o = jnp.sum(dp2[:, _D:], axis=1, keepdims=True)
        neg_e = jnp.sum(dn2[:, :_D], axis=1, keepdims=True)
        neg_o = jnp.sum(dn2[:, _D:], axis=1, keepdims=True)
        pos = jnp.concatenate([pos_e, pos_o], axis=1)
        neg = jnp.concatenate([neg_e, neg_o], axis=1)
        z = neg - pos
        ls = jnp.minimum(z, 0.0) - jnp.log(1.0 + jnp.exp(-jnp.abs(z)))

        j2 = lax.broadcasted_iota(jnp.int32, (_H, 2), 0) * 2 \
            + lax.broadcasted_iota(jnp.int32, (_H, 2), 1)
        mrow = j2 < nv
        s_ls += jnp.sum(jnp.where(mrow, ls, jnp.zeros_like(ls)))

        je = lax.broadcasted_iota(jnp.int32, (_H, 2 * _D), 0) * 2 \
            + (lax.broadcasted_iota(jnp.int32, (_H, 2 * _D), 1) // _D)
        m2 = je < nv
        zz = jnp.zeros((_H, 2 * _D), jnp.float32)
        rm_h = rm3[:_H]
        rm_p = rm3[_H:2 * _H]
        rm_n = rm3[2 * _H:]
        l2h += jnp.sum(jnp.where(m2, rm_h * rm_h, zz))
        l2p += jnp.sum(jnp.where(m2, rm_p * rm_p, zz))
        l2n += jnp.sum(jnp.where(m2, rm_n * rm_n, zz))
        l2re += nv.astype(jnp.float32) * jnp.sum(re_row * re_row)

    li = lax.broadcasted_iota(jnp.int32, (8, 128), 1)
    si = lax.broadcasted_iota(jnp.int32, (8, 128), 0)
    row0 = si == 0
    vec = (
        jnp.where(row0 & (li == 0), s_ls, 0.0)
        + jnp.where(row0 & (li == 1), l2h, 0.0)
        + jnp.where(row0 & (li == 2), l2re, 0.0)
        + jnp.where(row0 & (li == 3), l2p, 0.0)
        + jnp.where(row0 & (li == 4), l2n, 0.0)
    )

    @pl.when(i == 0)
    def _():
        out_ref[...] = jnp.zeros_like(out_ref)

    out_ref[...] += vec

    @pl.when(i == _LGRID - 1)
    def _finish():
        acc = out_ref[...]
        t_ls = jnp.sum(jnp.where(row0 & (li == 0), acc, 0.0))
        t_l2 = jnp.sum(jnp.where(row0 & (li >= 1) & (li <= 4), acc, 0.0))
        loss_ref[...] = (-(t_ls / _B)
                         + 1e-5 * (t_l2 / (2.0 * _B))) * jnp.ones((1, 1),
                                                                  jnp.float32)


def _grouped_loss(brel, bnv, rows, W_R, rel_embed):
    w_specs = [
        pl.BlockSpec((1, _D, _D),
                     lambda i, brel, bnv, k=k: (brel[i * _KB + k], 0, 0))
        for k in range(_KB)
    ]
    re_specs = [
        pl.BlockSpec((1, 1, _D),
                     lambda i, brel, bnv, k=k: (brel[i * _KB + k], 0, 0))
        for k in range(_KB)
    ]
    grid_spec = pltpu.PrefetchScalarGridSpec(
        num_scalar_prefetch=2,
        grid=(_LGRID,),
        in_specs=[
            pl.BlockSpec((_LROWS // 2, 2 * _D), lambda i, brel, bnv: (i, 0)),
            pl.BlockSpec((_LROWS // 2, 2 * _D),
                         lambda i, brel, bnv: (i + _LGRID, 0)),
            pl.BlockSpec((_LROWS // 2, 2 * _D),
                         lambda i, brel, bnv: (i + 2 * _LGRID, 0)),
            *w_specs,
            *re_specs,
        ],
        out_specs=[
            pl.BlockSpec((8, 128), lambda i, brel, bnv: (0, 0)),
            pl.BlockSpec((1, 1), lambda i, brel, bnv: (0, 0)),
        ],
    )
    return pl.pallas_call(
        _loss_body,
        grid_spec=grid_spec,
        out_shape=[
            jax.ShapeDtypeStruct((8, 128), jnp.float32),
            jax.ShapeDtypeStruct((1, 1), jnp.float32),
        ],
    )(brel, bnv, rows, rows, rows, W_R, W_R, W_R, W_R,
      *([rel_embed.reshape(_R, 1, _D)] * 4))


def kernel(h, r, pos_t, neg_t, user_entity_embed, relation_embed, W_R):
    r2 = r.astype(jnp.int32).reshape(_B, 1)
    dh, dp, dn, brel, bnv = _positions(r2)

    rows = _sc_gather_scatter(
        user_entity_embed,
        h.astype(jnp.int32), pos_t.astype(jnp.int32), neg_t.astype(jnp.int32),
        dh.reshape(_B), dp.reshape(_B), dn.reshape(_B))

    rows_packed = rows.reshape(3 * _P * _D // (2 * _D), 2 * _D)
    _, loss = _grouped_loss(brel.reshape(_NBLK), bnv.reshape(_NBLK),
                            rows_packed, W_R, relation_embed)
    return loss[0, 0]

# --- scband reference (transcript-rebuilt; emitter-appended) ---
"""Pipeline reference for scband-kgat-85323820302857 (READ-ONLY COPY).

The authoritative reference and input builder live on the scoring server;
editing this copy changes nothing except your own understanding.
"""

import jax, jax.numpy as jnp
import numpy as np

N_USERS = 100000
N_ENTITIES = 100000
ENTITY_DIM = 64
N_RELATIONS = 64
RELATION_DIM = 64
BATCH = 16384
KG_L2_LAMBDA = 1e-05


def setup_inputs(seed: int = 0) -> dict:
    key = jax.random.key(seed)
    k1, k2, k3, k4, k5, k6, k7 = jax.random.split(key, 7)
    n_rows = N_USERS + N_ENTITIES
    h = jax.random.randint(k1, (BATCH,), 0, n_rows)
    r = jax.random.randint(k2, (BATCH,), 0, N_RELATIONS)
    pos_t = jax.random.randint(k3, (BATCH,), 0, n_rows)
    neg_t = jax.random.randint(k4, (BATCH,), 0, n_rows)
    user_entity_embed = jax.random.normal(k5, (n_rows, ENTITY_DIM), dtype=jnp.float32) * 0.05
    relation_embed = jax.random.normal(k6, (N_RELATIONS, RELATION_DIM), dtype=jnp.float32) * 0.05
    # xavier_uniform with gain for relu ~ sqrt(2) * sqrt(6/(fan_in+fan_out))
    gain = float(np.sqrt(2.0))
    bound = gain * float(np.sqrt(6.0 / (ENTITY_DIM + RELATION_DIM)))
    W_R = jax.random.uniform(k7, (N_RELATIONS, ENTITY_DIM, RELATION_DIM), dtype=jnp.float32, minval=-bound, maxval=bound)
    return {"h": h, "r": r, "pos_t": pos_t, "neg_t": neg_t,
            "user_entity_embed": user_entity_embed,
            "relation_embed": relation_embed,
            "W_R": W_R}


def _l2_loss_mean(x):
    return jnp.mean(jnp.sum(x * x, axis=1) / 2.0)


def reference(h, r, pos_t, neg_t, user_entity_embed, relation_embed, W_R):
    # KGAT.ckg_embedding: TransR-style knowledge-graph triple scoring + BPR-style loss
    r_embed = relation_embed[r]                # (B, relation_dim) gather
    W_r = W_R[r]                               # (B, entity_dim, relation_dim) gather
    h_embed = user_entity_embed[h]             # (B, entity_dim) gather
    pos_t_embed = user_entity_embed[pos_t]     # (B, entity_dim) gather
    neg_t_embed = user_entity_embed[neg_t]     # (B, entity_dim) gather

    r_mul_h = jnp.einsum('bd,bdk->bk', h_embed, W_r)
    r_mul_pos_t = jnp.einsum('bd,bdk->bk', pos_t_embed, W_r)
    r_mul_neg_t = jnp.einsum('bd,bdk->bk', neg_t_embed, W_r)

    pos_score = jnp.sum(jnp.square(r_mul_h + r_embed - r_mul_pos_t), axis=1, keepdims=True)
    neg_score = jnp.sum(jnp.square(r_mul_h + r_embed - r_mul_neg_t), axis=1, keepdims=True)

    kg_loss = -1.0 * jnp.mean(jax.nn.log_sigmoid(neg_score - pos_score))
    l2_loss = (_l2_loss_mean(r_mul_h) + _l2_loss_mean(r_embed)
               + _l2_loss_mean(r_mul_pos_t) + _l2_loss_mean(r_mul_neg_t))
    loss = kg_loss + KG_L2_LAMBDA * l2_loss
    return loss

if __name__ == "__main__":
    import jax
    _d = setup_inputs()
    print(jax.jit(kernel)(*tuple(_d.values())))

</pallas_src>

<mosaic_0001>
#map = affine_map<(d0, d1) -> (0, 0)>
#map1 = affine_map<(d0, d1) -> (0)>
module attributes {stable_mosaic.version = 14 : i64} {
  func.func @_sc_gs_body(%arg0: i32, %arg1: i32, %arg2: memref<200000x64xf32, #tpu.memory_space<hbm>>, %arg3: memref<16384xi32, #tpu.memory_space<hbm>>, %arg4: memref<16384xi32, #tpu.memory_space<hbm>>, %arg5: memref<16384xi32, #tpu.memory_space<hbm>>, %arg6: memref<16384xi32, #tpu.memory_space<hbm>>, %arg7: memref<16384xi32, #tpu.memory_space<hbm>>, %arg8: memref<16384xi32, #tpu.memory_space<hbm>>, %arg9: memref<73728x64xf32, #tpu.memory_space<hbm>>, %arg10: memref<1536xi32, #tpu.memory_space<vmem>>, %arg11: memref<1536xi32, #tpu.memory_space<vmem>>, %arg12: memref<1536x64xf32, #tpu.memory_space<vmem>>, %arg13: memref<!tpu.dma_semaphore, #tpu.memory_space<semaphore_mem>>, %arg14: memref<!tpu.dma_semaphore, #tpu.memory_space<semaphore_mem>>) attributes {dimension_semantics = [#tpu.dimension_semantics<core_parallel>, #tpu.dimension_semantics<subcore_parallel>], iteration_bounds = array<i64: 2, 16>, scalar_prefetch = 0 : i64, scratch_operands = 5 : i64, tpu.core_type = #tpu.core_type<sc_vector_subcore>, window_params = [{transform_indices = #map}, {transform_indices = #map1}, {transform_indices = #map1}, {transform_indices = #map1}, {transform_indices = #map1}, {transform_indices = #map1}, {transform_indices = #map1}, {transform_indices = #map}]} {
    %mul3A = arith.constant 2 : i32
    %mul3A_0 = arith.muli %arg1, %mul3A : i32
    %add3A = arith.addi %mul3A_0, %arg0 : i32
    %mul3A_1 = arith.constant 512 : i32
    %mul3A_2 = arith.muli %add3A, %mul3A_1 : i32
    "tpu.region"() ({
      %run_scoped3A = tpu.sem_alloc : memref<!tpu.dma_semaphore, #tpu.memory_space<semaphore_mem>>
      %dma_start3A_385 = arith.constant 0 : i32
      %dma_start3A_386 = tpu.memref_slice %arg10[%dma_start3A_385] : memref<1536xi32, #tpu.memory_space<vmem>> -> memref<512xi32, #tpu.memory_space<vmem>>
      %dma_start3A_387 = tpu.memref_slice %arg3[%mul3A_2] : memref<16384xi32, #tpu.memory_space<hbm>> -> memref<512xi32, #tpu.memory_space<hbm>>
      %dma_start3A_388 = arith.constant 0 : i32
      %dma_start3A_389 = tpu.memref_slice %arg10[%dma_start3A_388] : memref<1536xi32, #tpu.memory_space<vmem>> -> memref<512xi32, #tpu.memory_space<vmem>>
      %dma_start3A_390 = tpu.memref_slice %arg3[%mul3A_2] : memref<16384xi32, #tpu.memory_space<hbm>> -> memref<512xi32, #tpu.memory_space<hbm>>
      tpu.enqueue_dma source(%dma_start3A_390 : memref<512xi32, #tpu.memory_space<hbm>>) target(%dma_start3A_389 : memref<512xi32, #tpu.memory_space<vmem>>) target_semaphore(%run_scoped3A : memref<!tpu.dma_semaphore, #tpu.memory_space<semaphore_mem>>)
      %dma_wait3A_391 = arith.constant 0 : i32
      %dma_wait3A_392 = tpu.memref_slice %arg10[%dma_wait3A_391] : memref<1536xi32, #tpu.memory_space<vmem>> -> memref<512xi32, #tpu.memory_space<vmem>>
      %dma_wait3A_393 = tpu.memref_slice %arg3[%mul3A_2] : memref<16384xi32, #tpu.memory_space<hbm>> -> memref<512xi32, #tpu.memory_space<hbm>>
      %dma_wait3A_394 = arith.constant 0 : i32
      %dma_wait3A_395 = tpu.memref_slice %arg10[%dma_wait3A_394] : memref<1536xi32, #tpu.memory_space<vmem>> -> memref<512xi32, #tpu.memory_space<vmem>>
      %dma_wait3A_396 = tpu.memref_slice %arg3[%mul3A_2] : memref<16384xi32, #tpu.memory_space<hbm>> -> memref<512xi32, #tpu.memory_space<hbm>>
      tpu.wait_dma2 semaphore(%run_scoped3A : memref<!tpu.dma_semaphore, #tpu.memory_space<semaphore_mem>>) src(%dma_wait3A_396 : memref<512xi32, #tpu.memory_space<hbm>>) dst(%dma_wait3A_395 : memref<512xi32, #tpu.memory_space<vmem>>)
      tpu.yield
    }) : () -> ()
    "tpu.region"() ({
      %run_scoped3A = tpu.sem_alloc : memref<!tpu.dma_semaphore, #tpu.memory_space<semaphore_mem>>
      %dma_start3A_385 = arith.constant 0 : i32
      %dma_start3A_386 = tpu.memref_slice %arg11[%dma_start3A_385] : memref<1536xi32, #tpu.memory_space<vmem>> -> memref<512xi32, #tpu.memory_space<vmem>>
      %dma_start3A_387 = tpu.memref_slice %arg6[%mul3A_2] : memref<16384xi32, #tpu.memory_space<hbm>> -> memref<512xi32, #tpu.memory_space<hbm>>
      %dma_start3A_388 = arith.constant 0 : i32
      %dma_start3A_389 = tpu.memref_slice %arg11[%dma_start3A_388] : memref<1536xi32, #tpu.memory_space<vmem>> -> memref<512xi32, #tpu.memory_space<vmem>>
      %dma_start3A_390 = tpu.memref_slice %arg6[%mul3A_2] : memref<16384xi32, #tpu.memory_space<hbm>> -> memref<512xi32, #tpu.memory_space<hbm>>
      tpu.enqueue_dma source(%dma_start3A_390 : memref<512xi32, #tpu.memory_space<hbm>>) target(%dma_start3A_389 : memref<512xi32, #tpu.memory_space<vmem>>) target_semaphore(%run_scoped3A : memref<!tpu.dma_semaphore, #tpu.memory_space<semaphore_mem>>)
      %dma_wait3A_391 = arith.constant 0 : i32
      %dma_wait3A_392 = tpu.memref_slice %arg11[%dma_wait3A_391] : memref<1536xi32, #tpu.memory_space<vmem>> -> memref<512xi32, #tpu.memory_space<vmem>>
      %dma_wait3A_393 = tpu.memref_slice %arg6[%mul3A_2] : memref<16384xi32, #tpu.memory_space<hbm>> -> memref<512xi32, #tpu.memory_space<hbm>>
      %dma_wait3A_394 = arith.constant 0 : i32
      %dma_wait3A_395 = tpu.memref_slice %arg11[%dma_wait3A_394] : memref<1536xi32, #tpu.memory_space<vmem>> -> memref<512xi32, #tpu.memory_space<vmem>>
      %dma_wait3A_396 = tpu.memref_slice %arg6[%mul3A_2] : memref<16384xi32, #tpu.memory_space<hbm>> -> memref<512xi32, #tpu.memory_space<hbm>>
      tpu.wait_dma2 semaphore(%run_scoped3A : memref<!tpu.dma_semaphore, #tpu.memory_space<semaphore_mem>>) src(%dma_wait3A_396 : memref<512xi32, #tpu.memory_space<hbm>>) dst(%dma_wait3A_395 : memref<512xi32, #tpu.memory_space<vmem>>)
      tpu.yield
    }) : () -> ()
    "tpu.region"() ({
      %run_scoped3A = tpu.sem_alloc : memref<!tpu.dma_semaphore, #tpu.memory_space<semaphore_mem>>
      %dma_start3A_385 = arith.constant 512 : i32
      %dma_start3A_386 = tpu.memref_slice %arg10[%dma_start3A_385] : memref<1536xi32, #tpu.memory_space<vmem>> -> memref<512xi32, #tpu.memory_space<vmem>>
      %dma_start3A_387 = tpu.memref_slice %arg4[%mul3A_2] : memref<16384xi32, #tpu.memory_space<hbm>> -> memref<512xi32, #tpu.memory_space<hbm>>
      %dma_start3A_388 = arith.constant 512 : i32
      %dma_start3A_389 = tpu.memref_slice %arg10[%dma_start3A_388] : memref<1536xi32, #tpu.memory_space<vmem>> -> memref<512xi32, #tpu.memory_space<vmem>>
      %dma_start3A_390 = tpu.memref_slice %arg4[%mul3A_2] : memref<16384xi32, #tpu.memory_space<hbm>> -> memref<512xi32, #tpu.memory_space<hbm>>
      tpu.enqueue_dma source(%dma_start3A_390 : memref<512xi32, #tpu.memory_space<hbm>>) target(%dma_start3A_389 : memref<512xi32, #tpu.memory_space<vmem>>) target_semaphore(%run_scoped3A : memref<!tpu.dma_semaphore, #tpu.memory_space<semaphore_mem>>)
      %dma_wait3A_391 = arith.constant 512 : i32
      %dma_wait3A_392 = tpu.memref_slice %arg10[%dma_wait3A_391] : memref<1536xi32, #tpu.memory_space<vmem>> -> memref<512xi32, #tpu.memory_space<vmem>>
      %dma_wait3A_393 = tpu.memref_slice %arg4[%mul3A_2] : memref<16384xi32, #tpu.memory_space<hbm>> -> memref<512xi32, #tpu.memory_space<hbm>>
      %dma_wait3A_394 = arith.constant 512 : i32
      %dma_wait3A_395 = tpu.memref_slice %arg10[%dma_wait3A_394] : memref<1536xi32, #tpu.memory_space<vmem>> -> memref<512xi32, #tpu.memory_space<vmem>>
      %dma_wait3A_396 = tpu.memref_slice %arg4[%mul3A_2] : memref<16384xi32, #tpu.memory_space<hbm>> -> memref<512xi32, #tpu.memory_space<hbm>>
      tpu.wait_dma2 semaphore(%run_scoped3A : memref<!tpu.dma_semaphore, #tpu.memory_space<semaphore_mem>>) src(%dma_wait3A_396 : memref<512xi32, #tpu.memory_space<hbm>>) dst(%dma_wait3A_395 : memref<512xi32, #tpu.memory_space<vmem>>)
      tpu.yield
    }) : () -> ()
    "tpu.region"() ({
      %run_scoped3A = tpu.sem_alloc : memref<!tpu.dma_semaphore, #tpu.memory_space<semaphore_mem>>
      %dma_start3A_385 = arith.constant 512 : i32
      %dma_start3A_386 = tpu.memref_slice %arg11[%dma_start3A_385] : memref<1536xi32, #tpu.memory_space<vmem>> -> memref<512xi32, #tpu.memory_space<vmem>>
      %dma_start3A_387 = tpu.memref_slice %arg7[%mul3A_2] : memref<16384xi32, #tpu.memory_space<hbm>> -> memref<512xi32, #tpu.memory_space<hbm>>
      %dma_start3A_388 = arith.constant 512 : i32
      %dma_start3A_389 = tpu.memref_slice %arg11[%dma_start3A_388] : memref<1536xi32, #tpu.memory_space<vmem>> -> memref<512xi32, #tpu.memory_space<vmem>>
      %dma_start3A_390 = tpu.memref_slice %arg7[%mul3A_2] : memref<16384xi32, #tpu.memory_space<hbm>> -> memref<512xi32, #tpu.memory_space<hbm>>
      tpu.enqueue_dma source(%dma_start3A_390 : memref<512xi32, #tpu.memory_space<hbm>>) target(%dma_start3A_389 : memref<512xi32, #tpu.memory_space<vmem>>) target_semaphore(%run_scoped3A : memref<!tpu.dma_semaphore, #tpu.memory_space<semaphore_mem>>)
      %dma_wait3A_391 = arith.constant 512 : i32
      %dma_wait3A_392 = tpu.memref_slice %arg11[%dma_wait3A_391] : memref<1536xi32, #tpu.memory_space<vmem>> -> memref<512xi32, #tpu.memory_space<vmem>>
      %dma_wait3A_393 = tpu.memref_slice %arg7[%mul3A_2] : memref<16384xi32, #tpu.memory_space<hbm>> -> memref<512xi32, #tpu.memory_space<hbm>>
      %dma_wait3A_394 = arith.constant 512 : i32
      %dma_wait3A_395 = tpu.memref_slice %arg11[%dma_wait3A_394] : memref<1536xi32, #tpu.memory_space<vmem>> -> memref<512xi32, #tpu.memory_space<vmem>>
      %dma_wait3A_396 = tpu.memref_slice %arg7[%mul3A_2] : memref<16384xi32, #tpu.memory_space<hbm>> -> memref<512xi32, #tpu.memory_space<hbm>>
      tpu.wait_dma2 semaphore(%run_scoped3A : memref<!tpu.dma_semaphore, #tpu.memory_space<semaphore_mem>>) src(%dma_wait3A_396 : memref<512xi32, #tpu.memory_space<hbm>>) dst(%dma_wait3A_395 : memref<512xi32, #tpu.memory_space<vmem>>)
      tpu.yield
    }) : () -> ()
    "tpu.region"() ({
      %run_scoped3A = tpu.sem_alloc : memref<!tpu.dma_semaphore, #tpu.memory_space<semaphore_mem>>
      %dma_start3A_385 = arith.constant 1024 : i32
      %dma_start3A_386 = tpu.memref_slice %arg10[%dma_start3A_385] : memref<1536xi32, #tpu.memory_space<vmem>> -> memref<512xi32, #tpu.memory_space<vmem>>
      %dma_start3A_387 = tpu.memref_slice %arg5[%mul3A_2] : memref<16384xi32, #tpu.memory_space<hbm>> -> memref<512xi32, #tpu.memory_space<hbm>>
      %dma_start3A_388 = arith.constant 1024 : i32
      %dma_start3A_389 = tpu.memref_slice %arg10[%dma_start3A_388] : memref<1536xi32, #tpu.memory_space<vmem>> -> memref<512xi32, #tpu.memory_space<vmem>>
      %dma_start3A_390 = tpu.memref_slice %arg5[%mul3A_2] : memref<16384xi32, #tpu.memory_space<hbm>> -> memref<512xi32, #tpu.memory_space<hbm>>
      tpu.enqueue_dma source(%dma_start3A_390 : memref<512xi32, #tpu.memory_space<hbm>>) target(%dma_start3A_389 : memref<512xi32, #tpu.memory_space<vmem>>) target_semaphore(%run_scoped3A : memref<!tpu.dma_semaphore, #tpu.memory_space<semaphore_mem>>)
      %dma_wait3A_391 = arith.constant 1024 : i32
      %dma_wait3A_392 = tpu.memref_slice %arg10[%dma_wait3A_391] : memref<1536xi32, #tpu.memory_space<vmem>> -> memref<512xi32, #tpu.memory_space<vmem>>
      %dma_wait3A_393 = tpu.memref_slice %arg5[%mul3A_2] : memref<16384xi32, #tpu.memory_space<hbm>> -> memref<512xi32, #tpu.memory_space<hbm>>
      %dma_wait3A_394 = arith.constant 1024 : i32
      %dma_wait3A_395 = tpu.memref_slice %arg10[%dma_wait3A_394] : memref<1536xi32, #tpu.memory_space<vmem>> -> memref<512xi32, #tpu.memory_space<vmem>>
      %dma_wait3A_396 = tpu.memref_slice %arg5[%mul3A_2] : memref<16384xi32, #tpu.memory_space<hbm>> -> memref<512xi32, #tpu.memory_space<hbm>>
      tpu.wait_dma2 semaphore(%run_scoped3A : memref<!tpu.dma_semaphore, #tpu.memory_space<semaphore_mem>>) src(%dma_wait3A_396 : memref<512xi32, #tpu.memory_space<hbm>>) dst(%dma_wait3A_395 : memref<512xi32, #tpu.memory_space<vmem>>)
      tpu.yield
    }) : () -> ()
    "tpu.region"() ({
      %run_scoped3A = tpu.sem_alloc : memref<!tpu.dma_semaphore, #tpu.memory_space<semaphore_mem>>
      %dma_start3A_385 = arith.constant 1024 : i32
      %dma_start3A_386 = tpu.memref_slice %arg11[%dma_start3A_385] : memref<1536xi32, #tpu.memory_space<vmem>> -> memref<512xi32, #tpu.memory_space<vmem>>
      %dma_start3A_387 = tpu.memref_slice %arg8[%mul3A_2] : memref<16384xi32, #tpu.memory_space<hbm>> -> memref<512xi32, #tpu.memory_space<hbm>>
      %dma_start3A_388 = arith.constant 1024 : i32
      %dma_start3A_389 = tpu.memref_slice %arg11[%dma_start3A_388] : memref<1536xi32, #tpu.memory_space<vmem>> -> memref<512xi32, #tpu.memory_space<vmem>>
      %dma_start3A_390 = tpu.memref_slice %arg8[%mul3A_2] : memref<16384xi32, #tpu.memory_space<hbm>> -> memref<512xi32, #tpu.memory_space<hbm>>
      tpu.enqueue_dma source(%dma_start3A_390 : memref<512xi32, #tpu.memory_space<hbm>>) target(%dma_start3A_389 : memref<512xi32, #tpu.memory_space<vmem>>) target_semaphore(%run_scoped3A : memref<!tpu.dma_semaphore, #tpu.memory_space<semaphore_mem>>)
      %dma_wait3A_391 = arith.constant 1024 : i32
      %dma_wait3A_392 = tpu.memref_slice %arg11[%dma_wait3A_391] : memref<1536xi32, #tpu.memory_space<vmem>> -> memref<512xi32, #tpu.memory_space<vmem>>
      %dma_wait3A_393 = tpu.memref_slice %arg8[%mul3A_2] : memref<16384xi32, #tpu.memory_space<hbm>> -> memref<512xi32, #tpu.memory_space<hbm>>
      %dma_wait3A_394 = arith.constant 1024 : i32
      %dma_wait3A_395 = tpu.memref_slice %arg11[%dma_wait3A_394] : memref<1536xi32, #tpu.memory_space<vmem>> -> memref<512xi32, #tpu.memory_space<vmem>>
      %dma_wait3A_396 = tpu.memref_slice %arg8[%mul3A_2] : memref<16384xi32, #tpu.memory_space<hbm>> -> memref<512xi32, #tpu.memory_space<hbm>>
      tpu.wait_dma2 semaphore(%run_scoped3A : memref<!tpu.dma_semaphore, #tpu.memory_space<semaphore_mem>>) src(%dma_wait3A_396 : memref<512xi32, #tpu.memory_space<hbm>>) dst(%dma_wait3A_395 : memref<512xi32, #tpu.memory_space<vmem>>)
      tpu.yield
    }) : () -> ()
    %dma_start3A = arith.constant 0 : i32
    %dma_start3A_3 = arith.constant 0 : i32
    %dma_start3A_4 = tpu.memref_slice %arg12[%dma_start3A, %dma_start3A_3] : memref<1536x64xf32, #tpu.memory_space<vmem>> -> memref<128x64xf32, #tpu.memory_space<vmem>>
    %dma_start3A_5 = arith.constant 0 : i32
    %dma_start3A_6 = tpu.memref_slice %arg10[%dma_start3A_5] : memref<1536xi32, #tpu.memory_space<vmem>> -> memref<128xi32, #tpu.memory_space<vmem>>
    %dma_start3A_7 = arith.constant 0 : i32
    %dma_start3A_8 = arith.constant 0 : i32
    %dma_start3A_9 = tpu.memref_slice %arg2[%dma_start3A_7, %dma_start3A_8] : memref<200000x64xf32, #tpu.memory_space<hbm>> -> memref<200000x64xf32, #tpu.memory_space<hbm>>
    tpu.enqueue_indirect_dma source(%dma_start3A_9 : memref<200000x64xf32, #tpu.memory_space<hbm>>) target(%dma_start3A_4 : memref<128x64xf32, #tpu.memory_space<vmem>>) offsets(%dma_start3A_6 : memref<128xi32, #tpu.memory_space<vmem>>) semaphore(%arg13 : memref<!tpu.dma_semaphore, #tpu.memory_space<semaphore_mem>>)
    %dma_start3A_10 = arith.constant 128 : i32
    %dma_start3A_11 = arith.constant 0 : i32
    %dma_start3A_12 = tpu.memref_slice %arg12[%dma_start3A_10, %dma_start3A_11] : memref<1536x64xf32, #tpu.memory_space<vmem>> -> memref<128x64xf32, #tpu.memory_space<vmem>>
    %dma_start3A_13 = arith.constant 128 : i32
    %dma_start3A_14 = tpu.memref_slice %arg10[%dma_start3A_13] : memref<1536xi32, #tpu.memory_space<vmem>> -> memref<128xi32, #tpu.memory_space<vmem>>
    %dma_start3A_15 = arith.constant 0 : i32
    %dma_start3A_16 = arith.constant 0 : i32
    %dma_start3A_17 = tpu.memref_slice %arg2[%dma_start3A_15, %dma_start3A_16] : memref<200000x64xf32, #tpu.memory_space<hbm>> -> memref<200000x64xf32, #tpu.memory_space<hbm>>
    tpu.enqueue_indirect_dma source(%dma_start3A_17 : memref<200000x64xf32, #tpu.memory_space<hbm>>) target(%dma_start3A_12 : memref<128x64xf32, #tpu.memory_space<vmem>>) offsets(%dma_start3A_14 : memref<128xi32, #tpu.memory_space<vmem>>) semaphore(%arg13 : memref<!tpu.dma_semaphore, #tpu.memory_space<semaphore_mem>>)
    %dma_start3A_18 = arith.constant 256 : i32
    %dma_start3A_19 = arith.constant 0 : i32
    %dma_start3A_20 = tpu.memref_slice %arg12[%dma_start3A_18, %dma_start3A_19] : memref<1536x64xf32, #tpu.memory_space<vmem>> -> memref<128x64xf32, #tpu.memory_space<vmem>>
    %dma_start3A_21 = arith.constant 256 : i32
    %dma_start3A_22 = tpu.memref_slice %arg10[%dma_start3A_21] : memref<1536xi32, #tpu.memory_space<vmem>> -> memref<128xi32, #tpu.memory_space<vmem>>
    %dma_start3A_23 = arith.constant 0 : i32
    %dma_start3A_24 = arith.constant 0 : i32
    %dma_start3A_25 = tpu.memref_slice %arg2[%dma_start3A_23, %dma_start3A_24] : memref<200000x64xf32, #tpu.memory_space<hbm>> -> memref<200000x64xf32, #tpu.memory_space<hbm>>
    tpu.enqueue_indirect_dma source(%dma_start3A_25 : memref<200000x64xf32, #tpu.memory_space<hbm>>) target(%dma_start3A_20 : memref<128x64xf32, #tpu.memory_space<vmem>>) offsets(%dma_start3A_22 : memref<128xi32, #tpu.memory_space<vmem>>) semaphore(%arg13 : memref<!tpu.dma_semaphore, #tpu.memory_space<semaphore_mem>>)
    %dma_start3A_26 = arith.constant 384 : i32
    %dma_start3A_27 = arith.constant 0 : i32
    %dma_start3A_28 = tpu.memref_slice %arg12[%dma_start3A_26, %dma_start3A_27] : memref<1536x64xf32, #tpu.memory_space<vmem>> -> memref<128x64xf32, #tpu.memory_space<vmem>>
    %dma_start3A_29 = arith.constant 384 : i32
    %dma_start3A_30 = tpu.memref_slice %arg10[%dma_start3A_29] : memref<1536xi32, #tpu.memory_space<vmem>> -> memref<128xi32, #tpu.memory_space<vmem>>
    %dma_start3A_31 = arith.constant 0 : i32
    %dma_start3A_32 = arith.constant 0 : i32
    %dma_start3A_33 = tpu.memref_slice %arg2[%dma_start3A_31, %dma_start3A_32] : memref<200000x64xf32, #tpu.memory_space<hbm>> -> memref<200000x64xf32, #tpu.memory_space<hbm>>
    tpu.enqueue_indirect_dma source(%dma_start3A_33 : memref<200000x64xf32, #tpu.memory_space<hbm>>) target(%dma_start3A_28 : memref<128x64xf32, #tpu.memory_space<vmem>>) offsets(%dma_start3A_30 : memref<128xi32, #tpu.memory_space<vmem>>) semaphore(%arg13 : memref<!tpu.dma_semaphore, #tpu.memory_space<semaphore_mem>>)
    %dma_start3A_34 = arith.constant 512 : i32
    %dma_start3A_35 = arith.constant 0 : i32
    %dma_start3A_36 = tpu.memref_slice %arg12[%dma_start3A_34, %dma_start3A_35] : memref<1536x64xf32, #tpu.memory_space<vmem>> -> memref<128x64xf32, #tpu.memory_space<vmem>>
    %dma_start3A_37 = arith.constant 512 : i32
    %dma_start3A_38 = tpu.memref_slice %arg10[%dma_start3A_37] : memref<1536xi32, #tpu.memory_space<vmem>> -> memref<128xi32, #tpu.memory_space<vmem>>
    %dma_start3A_39 = arith.constant 0 : i32
    %dma_start3A_40 = arith.constant 0 : i32
    %dma_start3A_41 = tpu.memref_slice %arg2[%dma_start3A_39, %dma_start3A_40] : memref<200000x64xf32, #tpu.memory_space<hbm>> -> memref<200000x64xf32, #tpu.memory_space<hbm>>
    tpu.enqueue_indirect_dma source(%dma_start3A_41 : memref<200000x64xf32, #tpu.memory_space<hbm>>) target(%dma_start3A_36 : memref<128x64xf32, #tpu.memory_space<vmem>>) offsets(%dma_start3A_38 : memref<128xi32, #tpu.memory_space<vmem>>) semaphore(%arg13 : memref<!tpu.dma_semaphore, #tpu.memory_space<semaphore_mem>>)
    %dma_start3A_42 = arith.constant 640 : i32
    %dma_start3A_43 = arith.constant 0 : i32
    %dma_start3A_44 = tpu.memref_slice %arg12[%dma_start3A_42, %dma_start3A_43] : memref<1536x64xf32, #tpu.memory_space<vmem>> -> memref<128x64xf32, #tpu.memory_space<vmem>>
    %dma_start3A_45 = arith.constant 640 : i32
    %dma_start3A_46 = tpu.memref_slice %arg10[%dma_start3A_45] : memref<1536xi32, #tpu.memory_space<vmem>> -> memref<128xi32, #tpu.memory_space<vmem>>
    %dma_start3A_47 = arith.constant 0 : i32
    %dma_start3A_48 = arith.constant 0 : i32
    %dma_start3A_49 = tpu.memref_slice %arg2[%dma_start3A_47, %dma_start3A_48] : memref<200000x64xf32, #tpu.memory_space<hbm>> -> memref<200000x64xf32, #tpu.memory_space<hbm>>
    tpu.enqueue_indirect_dma source(%dma_start3A_49 : memref<200000x64xf32, #tpu.memory_space<hbm>>) target(%dma_start3A_44 : memref<128x64xf32, #tpu.memory_space<vmem>>) offsets(%dma_start3A_46 : memref<128xi32, #tpu.memory_space<vmem>>) semaphore(%arg13 : memref<!tpu.dma_semaphore, #tpu.memory_space<semaphore_mem>>)
    %dma_start3A_50 = arith.constant 768 : i32
    %dma_start3A_51 = arith.constant 0 : i32
    %dma_start3A_52 = tpu.memref_slice %arg12[%dma_start3A_50, %dma_start3A_51] : memref<1536x64xf32, #tpu.memory_space<vmem>> -> memref<128x64xf32, #tpu.memory_space<vmem>>
    %dma_start3A_53 = arith.constant 768 : i32
    %dma_start3A_54 = tpu.memref_slice %arg10[%dma_start3A_53] : memref<1536xi32, #tpu.memory_space<vmem>> -> memref<128xi32, #tpu.memory_space<vmem>>
    %dma_start3A_55 = arith.constant 0 : i32
    %dma_start3A_56 = arith.constant 0 : i32
    %dma_start3A_57 = tpu.memref_slice %arg2[%dma_start3A_55, %dma_start3A_56] : memref<200000x64xf32, #tpu.memory_space<hbm>> -> memref<200000x64xf32, #tpu.memory_space<hbm>>
    tpu.enqueue_indirect_dma source(%dma_start3A_57 : memref<200000x64xf32, #tpu.memory_space<hbm>>) target(%dma_start3A_52 : memref<128x64xf32, #tpu.memory_space<vmem>>) offsets(%dma_start3A_54 : memref<128xi32, #tpu.memory_space<vmem>>) semaphore(%arg13 : memref<!tpu.dma_semaphore, #tpu.memory_space<semaphore_mem>>)
    %dma_start3A_58 = arith.constant 896 : i32
    %dma_start3A_59 = arith.constant 0 : i32
    %dma_start3A_60 = tpu.memref_slice %arg12[%dma_start3A_58, %dma_start3A_59] : memref<1536x64xf32, #tpu.memory_space<vmem>> -> memref<128x64xf32, #tpu.memory_space<vmem>>
    %dma_start3A_61 = arith.constant 896 : i32
    %dma_start3A_62 = tpu.memref_slice %arg10[%dma_start3A_61] : memref<1536xi32, #tpu.memory_space<vmem>> -> memref<128xi32, #tpu.memory_space<vmem>>
    %dma_start3A_63 = arith.constant 0 : i32
    %dma_start3A_64 = arith.constant 0 : i32
    %dma_start3A_65 = tpu.memref_slice %arg2[%dma_start3A_63, %dma_start3A_64] : memref<200000x64xf32, #tpu.memory_space<hbm>> -> memref<200000x64xf32, #tpu.memory_space<hbm>>
    tpu.enqueue_indirect_dma source(%dma_start3A_65 : memref<200000x64xf32, #tpu.memory_space<hbm>>) target(%dma_start3A_60 : memref<128x64xf32, #tpu.memory_space<vmem>>) offsets(%dma_start3A_62 : memref<128xi32, #tpu.memory_space<vmem>>) semaphore(%arg13 : memref<!tpu.dma_semaphore, #tpu.memory_space<semaphore_mem>>)
    %dma_start3A_66 = arith.constant 1024 : i32
    %dma_start3A_67 = arith.constant 0 : i32
    %dma_start3A_68 = tpu.memref_slice %arg12[%dma_start3A_66, %dma_start3A_67] : memref<1536x64xf32, #tpu.memory_space<vmem>> -> memref<128x64xf32, #tpu.memory_space<vmem>>
    %dma_start3A_69 = arith.constant 1024 : i32
    %dma_start3A_70 = tpu.memref_slice %arg10[%dma_start3A_69] : memref<1536xi32, #tpu.memory_space<vmem>> -> memref<128xi32, #tpu.memory_space<vmem>>
    %dma_start3A_71 = arith.constant 0 : i32
    %dma_start3A_72 = arith.constant 0 : i32
    %dma_start3A_73 = tpu.memref_slice %arg2[%dma_start3A_71, %dma_start3A_72] : memref<200000x64xf32, #tpu.memory_space<hbm>> -> memref<200000x64xf32, #tpu.memory_space<hbm>>
    tpu.enqueue_indirect_dma source(%dma_start3A_73 : memref<200000x64xf32, #tpu.memory_space<hbm>>) target(%dma_start3A_68 : memref<128x64xf32, #tpu.memory_space<vmem>>) offsets(%dma_start3A_70 : memref<128xi32, #tpu.memory_space<vmem>>) semaphore(%arg13 : memref<!tpu.dma_semaphore, #tpu.memory_space<semaphore_mem>>)
    %dma_start3A_74 = arith.constant 1152 : i32
    %dma_start3A_75 = arith.constant 0 : i32
    %dma_start3A_76 = tpu.memref_slice %arg12[%dma_start3A_74, %dma_start3A_75] : memref<1536x64xf32, #tpu.memory_space<vmem>> -> memref<128x64xf32, #tpu.memory_space<vmem>>
    %dma_start3A_77 = arith.constant 1152 : i32
    %dma_start3A_78 = tpu.memref_slice %arg10[%dma_start3A_77] : memref<1536xi32, #tpu.memory_space<vmem>> -> memref<128xi32, #tpu.memory_space<vmem>>
    %dma_start3A_79 = arith.constant 0 : i32
    %dma_start3A_80 = arith.constant 0 : i32
    %dma_start3A_81 = tpu.memref_slice %arg2[%dma_start3A_79, %dma_start3A_80] : memref<200000x64xf32, #tpu.memory_space<hbm>> -> memref<200000x64xf32, #tpu.memory_space<hbm>>
    tpu.enqueue_indirect_dma source(%dma_start3A_81 : memref<200000x64xf32, #tpu.memory_space<hbm>>) target(%dma_start3A_76 : memref<128x64xf32, #tpu.memory_space<vmem>>) offsets(%dma_start3A_78 : memref<128xi32, #tpu.memory_space<vmem>>) semaphore(%arg13 : memref<!tpu.dma_semaphore, #tpu.memory_space<semaphore_mem>>)
    %dma_start3A_82 = arith.constant 1280 : i32
    %dma_start3A_83 = arith.constant 0 : i32
    %dma_start3A_84 = tpu.memref_slice %arg12[%dma_start3A_82, %dma_start3A_83] : memref<1536x64xf32, #tpu.memory_space<vmem>> -> memref<128x64xf32, #tpu.memory_space<vmem>>
    %dma_start3A_85 = arith.constant 1280 : i32
    %dma_start3A_86 = tpu.memref_slice %arg10[%dma_start3A_85] : memref<1536xi32, #tpu.memory_space<vmem>> -> memref<128xi32, #tpu.memory_space<vmem>>
    %dma_start3A_87 = arith.constant 0 : i32
    %dma_start3A_88 = arith.constant 0 : i32
    %dma_start3A_89 = tpu.memref_slice %arg2[%dma_start3A_87, %dma_start3A_88] : memref<200000x64xf32, #tpu.memory_space<hbm>> -> memref<200000x64xf32, #tpu.memory_space<hbm>>
    tpu.enqueue_indirect_dma source(%dma_start3A_89 : memref<200000x64xf32, #tpu.memory_space<hbm>>) target(%dma_start3A_84 : memref<128x64xf32, #tpu.memory_space<vmem>>) offsets(%dma_start3A_86 : memref<128xi32, #tpu.memory_space<vmem>>) semaphore(%arg13 : memref<!tpu.dma_semaphore, #tpu.memory_space<semaphore_mem>>)
    %dma_start3A_90 = arith.constant 1408 : i32
    %dma_start3A_91 = arith.constant 0 : i32
    %dma_start3A_92 = tpu.memref_slice %arg12[%dma_start3A_90, %dma_start3A_91] : memref<1536x64xf32, #tpu.memory_space<vmem>> -> memref<128x64xf32, #tpu.memory_space<vmem>>
    %dma_start3A_93 = arith.constant 1408 : i32
    %dma_start3A_94 = tpu.memref_slice %arg10[%dma_start3A_93] : memref<1536xi32, #tpu.memory_space<vmem>> -> memref<128xi32, #tpu.memory_space<vmem>>
    %dma_start3A_95 = arith.constant 0 : i32
    %dma_start3A_96 = arith.constant 0 : i32
    %dma_start3A_97 = tpu.memref_slice %arg2[%dma_start3A_95, %dma_start3A_96] : memref<200000x64xf32, #tpu.memory_space<hbm>> -> memref<200000x64xf32, #tpu.memory_space<hbm>>
    tpu.enqueue_indirect_dma source(%dma_start3A_97 : memref<200000x64xf32, #tpu.memory_space<hbm>>) target(%dma_start3A_92 : memref<128x64xf32, #tpu.memory_space<vmem>>) offsets(%dma_start3A_94 : memref<128xi32, #tpu.memory_space<vmem>>) semaphore(%arg13 : memref<!tpu.dma_semaphore, #tpu.memory_space<semaphore_mem>>)
    %dma_wait3A = arith.constant 0 : i32
    %dma_wait3A_98 = arith.constant 0 : i32
    %dma_wait3A_99 = tpu.memref_slice %arg12[%dma_wait3A, %dma_wait3A_98] : memref<1536x64xf32, #tpu.memory_space<vmem>> -> memref<128x64xf32, #tpu.memory_space<vmem>>
    %dma_wait3A_100 = arith.constant 0 : i32
    %dma_wait3A_101 = tpu.memref_slice %arg10[%dma_wait3A_100] : memref<1536xi32, #tpu.memory_space<vmem>> -> memref<128xi32, #tpu.memory_space<vmem>>
    %dma_wait3A_102 = arith.constant 0 : i32
    %dma_wait3A_103 = arith.constant 0 : i32
    %dma_wait3A_104 = tpu.memref_slice %arg2[%dma_wait3A_102, %dma_wait3A_103] : memref<200000x64xf32, #tpu.memory_space<hbm>> -> memref<200000x64xf32, #tpu.memory_space<hbm>>
    tpu.wait_indirect_dma semaphore(%arg13 : memref<!tpu.dma_semaphore, #tpu.memory_space<semaphore_mem>>) src(%dma_wait3A_104 : memref<200000x64xf32, #tpu.memory_space<hbm>>) dst(%dma_wait3A_99 : memref<128x64xf32, #tpu.memory_space<vmem>>)
    %dma_wait3A_105 = arith.constant 128 : i32
    %dma_wait3A_106 = arith.constant 0 : i32
    %dma_wait3A_107 = tpu.memref_slice %arg12[%dma_wait3A_105, %dma_wait3A_106] : memref<1536x64xf32, #tpu.memory_space<vmem>> -> memref<128x64xf32, #tpu.memory_space<vmem>>
    %dma_wait3A_108 = arith.constant 128 : i32
    %dma_wait3A_109 = tpu.memref_slice %arg10[%dma_wait3A_108] : memref<1536xi32, #tpu.memory_space<vmem>> -> memref<128xi32, #tpu.memory_space<vmem>>
    %dma_wait3A_110 = arith.constant 0 : i32
    %dma_wait3A_111 = arith.constant 0 : i32
    %dma_wait3A_112 = tpu.memref_slice %arg2[%dma_wait3A_110, %dma_wait3A_111] : memref<200000x64xf32, #tpu.memory_space<hbm>> -> memref<200000x64xf32, #tpu.memory_space<hbm>>
    tpu.wait_indirect_dma semaphore(%arg13 : memref<!tpu.dma_semaphore, #tpu.memory_space<semaphore_mem>>) src(%dma_wait3A_112 : memref<200000x64xf32, #tpu.memory_space<hbm>>) dst(%dma_wait3A_107 : memref<128x64xf32, #tpu.memory_space<vmem>>)
    %dma_wait3A_113 = arith.constant 256 : i32
    %dma_wait3A_114 = arith.constant 0 : i32
    %dma_wait3A_115 = tpu.memref_slice %arg12[%dma_wait3A_113, %dma_wait3A_114] : memref<1536x64xf32, #tpu.memory_space<vmem>> -> memref<128x64xf32, #tpu.memory_space<vmem>>
    %dma_wait3A_116 = arith.constant 256 : i32
    %dma_wait3A_117 = tpu.memref_slice %arg10[%dma_wait3A_116] : memref<1536xi32, #tpu.memory_space<vmem>> -> memref<128xi32, #tpu.memory_space<vmem>>
    %dma_wait3A_118 = arith.constant 0 : i32
    %dma_wait3A_119 = arith.constant 0 : i32
    %dma_wait3A_120 = tpu.memref_slice %arg2[%dma_wait3A_118, %dma_wait3A_119] : memref<200000x64xf32, #tpu.memory_space<hbm>> -> memref<200000x64xf32, #tpu.memory_space<hbm>>
    tpu.wait_indirect_dma semaphore(%arg13 : memref<!tpu.dma_semaphore, #tpu.memory_space<semaphore_mem>>) src(%dma_wait3A_120 : memref<200000x64xf32, #tpu.memory_space<hbm>>) dst(%dma_wait3A_115 : memref<128x64xf32, #tpu.memory_space<vmem>>)
    %dma_wait3A_121 = arith.constant 384 : i32
    %dma_wait3A_122 = arith.constant 0 : i32
    %dma_wait3A_123 = tpu.memref_slice %arg12[%dma_wait3A_121, %dma_wait3A_122] : memref<1536x64xf32, #tpu.memory_space<vmem>> -> memref<128x64xf32, #tpu.memory_space<vmem>>
    %dma_wait3A_124 = arith.constant 384 : i32
    %dma_wait3A_125 = tpu.memref_slice %arg10[%dma_wait3A_124] : memref<1536xi32, #tpu.memory_space<vmem>> -> memref<128xi32, #tpu.memory_space<vmem>>
    %dma_wait3A_126 = arith.constant 0 : i32
    %dma_wait3A_127 = arith.constant 0 : i32
    %dma_wait3A_128 = tpu.memref_slice %arg2[%dma_wait3A_126, %dma_wait3A_127] : memref<200000x64xf32, #tpu.memory_space<hbm>> -> memref<200000x64xf32, #tpu.memory_space<hbm>>
    tpu.wait_indirect_dma semaphore(%arg13 : memref<!tpu.dma_semaphore, #tpu.memory_space<semaphore_mem>>) src(%dma_wait3A_128 : memref<200000x64xf32, #tpu.memory_space<hbm>>) dst(%dma_wait3A_123 : memref<128x64xf32, #tpu.memory_space<vmem>>)
    %dma_wait3A_129 = arith.constant 512 : i32
    %dma_wait3A_130 = arith.constant 0 : i32
    %dma_wait3A_131 = tpu.memref_slice %arg12[%dma_wait3A_129, %dma_wait3A_130] : memref<1536x64xf32, #tpu.memory_space<vmem>> -> memref<128x64xf32, #tpu.memory_space<vmem>>
    %dma_wait3A_132 = arith.constant 512 : i32
    %dma_wait3A_133 = tpu.memref_slice %arg10[%dma_wait3A_132] : memref<1536xi32, #tpu.memory_space<vmem>> -> memref<128xi32, #tpu.memory_space<vmem>>
    %dma_wait3A_134 = arith.constant 0 : i32
    %dma_wait3A_135 = arith.constant 0 : i32
    %dma_wait3A_136 = tpu.memref_slice %arg2[%dma_wait3A_134, %dma_wait3A_135] : memref<200000x64xf32, #tpu.memory_space<hbm>> -> memref<200000x64xf32, #tpu.memory_space<hbm>>
    tpu.wait_indirect_dma semaphore(%arg13 : memref<!tpu.dma_semaphore, #tpu.memory_space<semaphore_mem>>) src(%dma_wait3A_136 : memref<200000x64xf32, #tpu.memory_space<hbm>>) dst(%dma_wait3A_131 : memref<128x64xf32, #tpu.memory_space<vmem>>)
    %dma_wait3A_137 = arith.constant 640 : i32
    %dma_wait3A_138 = arith.constant 0 : i32
    %dma_wait3A_139 = tpu.memref_slice %arg12[%dma_wait3A_137, %dma_wait3A_138] : memref<1536x64xf32, #tpu.memory_space<vmem>> -> memref<128x64xf32, #tpu.memory_space<vmem>>
    %dma_wait3A_140 = arith.constant 640 : i32
    %dma_wait3A_141 = tpu.memref_slice %arg10[%dma_wait3A_140] : memref<1536xi32, #tpu.memory_space<vmem>> -> memref<128xi32, #tpu.memory_space<vmem>>
    %dma_wait3A_142 = arith.constant 0 : i32
    %dma_wait3A_143 = arith.constant 0 : i32
    %dma_wait3A_144 = tpu.memref_slice %arg2[%dma_wait3A_142, %dma_wait3A_143] : memref<200000x64xf32, #tpu.memory_space<hbm>> -> memref<200000x64xf32, #tpu.memory_space<hbm>>
    tpu.wait_indirect_dma semaphore(%arg13 : memref<!tpu.dma_semaphore, #tpu.memory_space<semaphore_mem>>) src(%dma_wait3A_144 : memref<200000x64xf32, #tpu.memory_space<hbm>>) dst(%dma_wait3A_139 : memref<128x64xf32, #tpu.memory_space<vmem>>)
    %dma_wait3A_145 = arith.constant 768 : i32
    %dma_wait3A_146 = arith.constant 0 : i32
    %dma_wait3A_147 = tpu.memref_slice %arg12[%dma_wait3A_145, %dma_wait3A_146] : memref<1536x64xf32, #tpu.memory_space<vmem>> -> memref<128x64xf32, #tpu.memory_space<vmem>>
    %dma_wait3A_148 = arith.constant 768 : i32
    %dma_wait3A_149 = tpu.memref_slice %arg10[%dma_wait3A_148] : memref<1536xi32, #tpu.memory_space<vmem>> -> memref<128xi32, #tpu.memory_space<vmem>>
    %dma_wait3A_150 = arith.constant 0 : i32
    %dma_wait3A_151 = arith.constant 0 : i32
    %dma_wait3A_152 = tpu.memref_slice %arg2[%dma_wait3A_150, %dma_wait3A_151] : memref<200000x64xf32, #tpu.memory_space<hbm>> -> memref<200000x64xf32, #tpu.memory_space<hbm>>
    tpu.wait_indirect_dma semaphore(%arg13 : memref<!tpu.dma_semaphore, #tpu.memory_space<semaphore_mem>>) src(%dma_wait3A_152 : memref<200000x64xf32, #tpu.memory_space<hbm>>) dst(%dma_wait3A_147 : memref<128x64xf32, #tpu.memory_space<vmem>>)
    %dma_wait3A_153 = arith.constant 896 : i32
    %dma_wait3A_154 = arith.constant 0 : i32
    %dma_wait3A_155 = tpu.memref_slice %arg12[%dma_wait3A_153, %dma_wait3A_154] : memref<1536x64xf32, #tpu.memory_space<vmem>> -> memref<128x64xf32, #tpu.memory_space<vmem>>
    %dma_wait3A_156 = arith.constant 896 : i32
    %dma_wait3A_157 = tpu.memref_slice %arg10[%dma_wait3A_156] : memref<1536xi32, #tpu.memory_space<vmem>> -> memref<128xi32, #tpu.memory_space<vmem>>
    %dma_wait3A_158 = arith.constant 0 : i32
    %dma_wait3A_159 = arith.constant 0 : i32
    %dma_wait3A_160 = tpu.memref_slice %arg2[%dma_wait3A_158, %dma_wait3A_159] : memref<200000x64xf32, #tpu.memory_space<hbm>> -> memref<200000x64xf32, #tpu.memory_space<hbm>>
    tpu.wait_indirect_dma semaphore(%arg13 : memref<!tpu.dma_semaphore, #tpu.memory_space<semaphore_mem>>) src(%dma_wait3A_160 : memref<200000x64xf32, #tpu.memory_space<hbm>>) dst(%dma_wait3A_155 : memref<128x64xf32, #tpu.memory_space<vmem>>)
    %dma_wait3A_161 = arith.constant 1024 : i32
    %dma_wait3A_162 = arith.constant 0 : i32
    %dma_wait3A_163 = tpu.memref_slice %arg12[%dma_wait3A_161, %dma_wait3A_162] : memref<1536x64xf32, #tpu.memory_space<vmem>> -> memref<128x64xf32, #tpu.memory_space<vmem>>
    %dma_wait3A_164 = arith.constant 1024 : i32
    %dma_wait3A_165 = tpu.memref_slice %arg10[%dma_wait3A_164] : memref<1536xi32, #tpu.memory_space<vmem>> -> memref<128xi32, #tpu.memory_space<vmem>>
    %dma_wait3A_166 = arith.constant 0 : i32
    %dma_wait3A_167 = arith.constant 0 : i32
    %dma_wait3A_168 = tpu.memref_slice %arg2[%dma_wait3A_166, %dma_wait3A_167] : memref<200000x64xf32, #tpu.memory_space<hbm>> -> memref<200000x64xf32, #tpu.memory_space<hbm>>
    tpu.wait_indirect_dma semaphore(%arg13 : memref<!tpu.dma_semaphore, #tpu.memory_space<semaphore_mem>>) src(%dma_wait3A_168 : memref<200000x64xf32, #tpu.memory_space<hbm>>) dst(%dma_wait3A_163 : memref<128x64xf32, #tpu.memory_space<vmem>>)
    %dma_wait3A_169 = arith.constant 1152 : i32
    %dma_wait3A_170 = arith.constant 0 : i32
    %dma_wait3A_171 = tpu.memref_slice %arg12[%dma_wait3A_169, %dma_wait3A_170] : memref<1536x64xf32, #tpu.memory_space<vmem>> -> memref<128x64xf32, #tpu.memory_space<vmem>>
    %dma_wait3A_172 = arith.constant 1152 : i32
    %dma_wait3A_173 = tpu.memref_slice %arg10[%dma_wait3A_172] : memref<1536xi32, #tpu.memory_space<vmem>> -> memref<128xi32, #tpu.memory_space<vmem>>
    %dma_wait3A_174 = arith.constant 0 : i32
    %dma_wait3A_175 = arith.constant 0 : i32
    %dma_wait3A_176 = tpu.memref_slice %arg2[%dma_wait3A_174, %dma_wait3A_175] : memref<200000x64xf32, #tpu.memory_space<hbm>> -> memref<200000x64xf32, #tpu.memory_space<hbm>>
    tpu.wait_indirect_dma semaphore(%arg13 : memref<!tpu.dma_semaphore, #tpu.memory_space<semaphore_mem>>) src(%dma_wait3A_176 : memref<200000x64xf32, #tpu.memory_space<hbm>>) dst(%dma_wait3A_171 : memref<128x64xf32, #tpu.memory_space<vmem>>)
    %dma_wait3A_177 = arith.constant 1280 : i32
    %dma_wait3A_178 = arith.constant 0 : i32
    %dma_wait3A_179 = tpu.memref_slice %arg12[%dma_wait3A_177, %dma_wait3A_178] : memref<1536x64xf32, #tpu.memory_space<vmem>> -> memref<128x64xf32, #tpu.memory_space<vmem>>
    %dma_wait3A_180 = arith.constant 1280 : i32
    %dma_wait3A_181 = tpu.memref_slice %arg10[%dma_wait3A_180] : memref<1536xi32, #tpu.memory_space<vmem>> -> memref<128xi32, #tpu.memory_space<vmem>>
    %dma_wait3A_182 = arith.constant 0 : i32
    %dma_wait3A_183 = arith.constant 0 : i32
    %dma_wait3A_184 = tpu.memref_slice %arg2[%dma_wait3A_182, %dma_wait3A_183] : memref<200000x64xf32, #tpu.memory_space<hbm>> -> memref<200000x64xf32, #tpu.memory_space<hbm>>
    tpu.wait_indirect_dma semaphore(%arg13 : memref<!tpu.dma_semaphore, #tpu.memory_space<semaphore_mem>>) src(%dma_wait3A_184 : memref<200000x64xf32, #tpu.memory_space<hbm>>) dst(%dma_wait3A_179 : memref<128x64xf32, #tpu.memory_space<vmem>>)
    %dma_wait3A_185 = arith.constant 1408 : i32
    %dma_wait3A_186 = arith.constant 0 : i32
    %dma_wait3A_187 = tpu.memref_slice %arg12[%dma_wait3A_185, %dma_wait3A_186] : memref<1536x64xf32, #tpu.memory_space<vmem>> -> memref<128x64xf32, #tpu.memory_space<vmem>>
    %dma_wait3A_188 = arith.constant 1408 : i32
    %dma_wait3A_189 = tpu.memref_slice %arg10[%dma_wait3A_188] : memref<1536xi32, #tpu.memory_space<vmem>> -> memref<128xi32, #tpu.memory_space<vmem>>
    %dma_wait3A_190 = arith.constant 0 : i32
    %dma_wait3A_191 = arith.constant 0 : i32
    %dma_wait3A_192 = tpu.memref_slice %arg2[%dma_wait3A_190, %dma_wait3A_191] : memref<200000x64xf32, #tpu.memory_space<hbm>> -> memref<200000x64xf32, #tpu.memory_space<hbm>>
    tpu.wait_indirect_dma semaphore(%arg13 : memref<!tpu.dma_semaphore, #tpu.memory_space<semaphore_mem>>) src(%dma_wait3A_192 : memref<200000x64xf32, #tpu.memory_space<hbm>>) dst(%dma_wait3A_187 : memref<128x64xf32, #tpu.memory_space<vmem>>)
    %dma_start3A_193 = arith.constant 0 : i32
    %dma_start3A_194 = arith.constant 0 : i32
    %dma_start3A_195 = tpu.memref_slice %arg12[%dma_start3A_193, %dma_start3A_194] : memref<1536x64xf32, #tpu.memory_space<vmem>> -> memref<128x64xf32, #tpu.memory_space<vmem>>
    %dma_start3A_196 = arith.constant 0 : i32
    %dma_start3A_197 = tpu.memref_slice %arg11[%dma_start3A_196] : memref<1536xi32, #tpu.memory_space<vmem>> -> memref<128xi32, #tpu.memory_space<vmem>>
    %dma_start3A_198 = arith.constant 0 : i32
    %dma_start3A_199 = arith.constant 0 : i32
    %dma_start3A_200 = tpu.memref_slice %arg9[%dma_start3A_198, %dma_start3A_199] : memref<73728x64xf32, #tpu.memory_space<hbm>> -> memref<73728x64xf32, #tpu.memory_space<hbm>>
    tpu.enqueue_indirect_dma source(%dma_start3A_195 : memref<128x64xf32, #tpu.memory_space<vmem>>) target(%dma_start3A_200 : memref<73728x64xf32, #tpu.memory_space<hbm>>) offsets(%dma_start3A_197 : memref<128xi32, #tpu.memory_space<vmem>>) semaphore(%arg14 : memref<!tpu.dma_semaphore, #tpu.memory_space<semaphore_mem>>)
    %dma_start3A_201 = arith.constant 128 : i32
    %dma_start3A_202 = arith.constant 0 : i32
    %dma_start3A_203 = tpu.memref_slice %arg12[%dma_start3A_201, %dma_start3A_202] : memref<1536x64xf32, #tpu.memory_space<vmem>> -> memref<128x64xf32, #tpu.memory_space<vmem>>
    %dma_start3A_204 = arith.constant 128 : i32
    %dma_start3A_205 = tpu.memref_slice %arg11[%dma_start3A_204] : memref<1536xi32, #tpu.memory_space<vmem>> -> memref<128xi32, #tpu.memory_space<vmem>>
    %dma_start3A_206 = arith.constant 0 : i32
    %dma_start3A_207 = arith.constant 0 : i32
    %dma_start3A_208 = tpu.memref_slice %arg9[%dma_start3A_206, %dma_start3A_207] : memref<73728x64xf32, #tpu.memory_space<hbm>> -> memref<73728x64xf32, #tpu.memory_space<hbm>>
    tpu.enqueue_indirect_dma source(%dma_start3A_203 : memref<128x64xf32, #tpu.memory_space<vmem>>) target(%dma_start3A_208 : memref<73728x64xf32, #tpu.memory_space<hbm>>) offsets(%dma_start3A_205 : memref<128xi32, #tpu.memory_space<vmem>>) semaphore(%arg14 : memref<!tpu.dma_semaphore, #tpu.memory_space<semaphore_mem>>)
    %dma_start3A_209 = arith.constant 256 : i32
    %dma_start3A_210 = arith.constant 0 : i32
    %dma_start3A_211 = tpu.memref_slice %arg12[%dma_start3A_209, %dma_start3A_210] : memref<1536x64xf32, #tpu.memory_space<vmem>> -> memref<128x64xf32, #tpu.memory_space<vmem>>
    %dma_start3A_212 = arith.constant 256 : i32
    %dma_start3A_213 = tpu.memref_slice %arg11[%dma_start3A_212] : memref<1536xi32, #tpu.memory_space<vmem>> -> memref<128xi32, #tpu.memory_space<vmem>>
    %dma_start3A_214 = arith.constant 0 : i32
    %dma_start3A_215 = arith.constant 0 : i32
    %dma_start3A_216 = tpu.memref_slice %arg9[%dma_start3A_214, %dma_start3A_215] : memref<73728x64xf32, #tpu.memory_space<hbm>> -> memref<73728x64xf32, #tpu.memory_space<hbm>>
    tpu.enqueue_indirect_dma source(%dma_start3A_211 : memref<128x64xf32, #tpu.memory_space<vmem>>) target(%dma_start3A_216 : memref<73728x64xf32, #tpu.memory_space<hbm>>) offsets(%dma_start3A_213 : memref<128xi32, #tpu.memory_space<vmem>>) semaphore(%arg14 : memref<!tpu.dma_semaphore, #tpu.memory_space<semaphore_mem>>)
    %dma_start3A_217 = arith.constant 384 : i32
    %dma_start3A_218 = arith.constant 0 : i32
    %dma_start3A_219 = tpu.memref_slice %arg12[%dma_start3A_217, %dma_start3A_218] : memref<1536x64xf32, #tpu.memory_space<vmem>> -> memref<128x64xf32, #tpu.memory_space<vmem>>
    %dma_start3A_220 = arith.constant 384 : i32
    %dma_start3A_221 = tpu.memref_slice %arg11[%dma_start3A_220] : memref<1536xi32, #tpu.memory_space<vmem>> -> memref<128xi32, #tpu.memory_space<vmem>>
    %dma_start3A_222 = arith.constant 0 : i32
    %dma_start3A_223 = arith.constant 0 : i32
    %dma_start3A_224 = tpu.memref_slice %arg9[%dma_start3A_222, %dma_start3A_223] : memref<73728x64xf32, #tpu.memory_space<hbm>> -> memref<73728x64xf32, #tpu.memory_space<hbm>>
    tpu.enqueue_indirect_dma source(%dma_start3A_219 : memref<128x64xf32, #tpu.memory_space<vmem>>) target(%dma_start3A_224 : memref<73728x64xf32, #tpu.memory_space<hbm>>) offsets(%dma_start3A_221 : memref<128xi32, #tpu.memory_space<vmem>>) semaphore(%arg14 : memref<!tpu.dma_semaphore, #tpu.memory_space<semaphore_mem>>)
    %dma_start3A_225 = arith.constant 512 : i32
    %dma_start3A_226 = arith.constant 0 : i32
    %dma_start3A_227 = tpu.memref_slice %arg12[%dma_start3A_225, %dma_start3A_226] : memref<1536x64xf32, #tpu.memory_space<vmem>> -> memref<128x64xf32, #tpu.memory_space<vmem>>
    %dma_start3A_228 = arith.constant 512 : i32
    %dma_start3A_229 = tpu.memref_slice %arg11[%dma_start3A_228] : memref<1536xi32, #tpu.memory_space<vmem>> -> memref<128xi32, #tpu.memory_space<vmem>>
    %dma_start3A_230 = arith.constant 0 : i32
    %dma_start3A_231 = arith.constant 0 : i32
    %dma_start3A_232 = tpu.memref_slice %arg9[%dma_start3A_230, %dma_start3A_231] : memref<73728x64xf32, #tpu.memory_space<hbm>> -> memref<73728x64xf32, #tpu.memory_space<hbm>>
    tpu.enqueue_indirect_dma source(%dma_start3A_227 : memref<128x64xf32, #tpu.memory_space<vmem>>) target(%dma_start3A_232 : memref<73728x64xf32, #tpu.memory_space<hbm>>) offsets(%dma_start3A_229 : memref<128xi32, #tpu.memory_space<vmem>>) semaphore(%arg14 : memref<!tpu.dma_semaphore, #tpu.memory_space<semaphore_mem>>)
    %dma_start3A_233 = arith.constant 640 : i32
    %dma_start3A_234 = arith.constant 0 : i32
    %dma_start3A_235 = tpu.memref_slice %arg12[%dma_start3A_233, %dma_start3A_234] : memref<1536x64xf32, #tpu.memory_space<vmem>> -> memref<128x64xf32, #tpu.memory_space<vmem>>
    %dma_start3A_236 = arith.constant 640 : i32
    %dma_start3A_237 = tpu.memref_slice %arg11[%dma_start3A_236] : memref<1536xi32, #tpu.memory_space<vmem>> -> memref<128xi32, #tpu.memory_space<vmem>>
    %dma_start3A_238 = arith.constant 0 : i32
    %dma_start3A_239 = arith.constant 0 : i32
    %dma_start3A_240 = tpu.memref_slice %arg9[%dma_start3A_238, %dma_start3A_239] : memref<73728x64xf32, #tpu.memory_space<hbm>> -> memref<73728x64xf32, #tpu.memory_space<hbm>>
    tpu.enqueue_indirect_dma source(%dma_start3A_235 : memref<128x64xf32, #tpu.memory_space<vmem>>) target(%dma_start3A_240 : memref<73728x64xf32, #tpu.memory_space<hbm>>) offsets(%dma_start3A_237 : memref<128xi32, #tpu.memory_space<vmem>>) semaphore(%arg14 : memref<!tpu.dma_semaphore, #tpu.memory_space<semaphore_mem>>)
    %dma_start3A_241 = arith.constant 768 : i32
    %dma_start3A_242 = arith.constant 0 : i32
    %dma_start3A_243 = tpu.memref_slice %arg12[%dma_start3A_241, %dma_start3A_242] : memref<1536x64xf32, #tpu.memory_space<vmem>> -> memref<128x64xf32, #tpu.memory_space<vmem>>
    %dma_start3A_244 = arith.constant 768 : i32
    %dma_start3A_245 = tpu.memref_slice %arg11[%dma_start3A_244] : memref<1536xi32, #tpu.memory_space<vmem>> -> memref<128xi32, #tpu.memory_space<vmem>>
    %dma_start3A_246 = arith.constant 0 : i32
    %dma_start3A_247 = arith.constant 0 : i32
    %dma_start3A_248 = tpu.memref_slice %arg9[%dma_start3A_246, %dma_start3A_247] : memref<73728x64xf32, #tpu.memory_space<hbm>> -> memref<73728x64xf32, #tpu.memory_space<hbm>>
    tpu.enqueue_indirect_dma source(%dma_start3A_243 : memref<128x64xf32, #tpu.memory_space<vmem>>) target(%dma_start3A_248 : memref<73728x64xf32, #tpu.memory_space<hbm>>) offsets(%dma_start3A_245 : memref<128xi32, #tpu.memory_space<vmem>>) semaphore(%arg14 : memref<!tpu.dma_semaphore, #tpu.memory_space<semaphore_mem>>)
    %dma_start3A_249 = arith.constant 896 : i32
    %dma_start3A_250 = arith.constant 0 : i32
    %dma_start3A_251 = tpu.memref_slice %arg12[%dma_start3A_249, %dma_start3A_250] : memref<1536x64xf32, #tpu.memory_space<vmem>> -> memref<128x64xf32, #tpu.memory_space<vmem>>
    %dma_start3A_252 = arith.constant 896 : i32
    %dma_start3A_253 = tpu.memref_slice %arg11[%dma_start3A_252] : memref<1536xi32, #tpu.memory_space<vmem>> -> memref<128xi32, #tpu.memory_space<vmem>>
    %dma_start3A_254 = arith.constant 0 : i32
    %dma_start3A_255 = arith.constant 0 : i32
    %dma_start3A_256 = tpu.memref_slice %arg9[%dma_start3A_254, %dma_start3A_255] : memref<73728x64xf32, #tpu.memory_space<hbm>> -> memref<73728x64xf32, #tpu.memory_space<hbm>>
    tpu.enqueue_indirect_dma source(%dma_start3A_251 : memref<128x64xf32, #tpu.memory_space<vmem>>) target(%dma_start3A_256 : memref<73728x64xf32, #tpu.memory_space<hbm>>) offsets(%dma_start3A_253 : memref<128xi32, #tpu.memory_space<vmem>>) semaphore(%arg14 : memref<!tpu.dma_semaphore, #tpu.memory_space<semaphore_mem>>)
    %dma_start3A_257 = arith.constant 1024 : i32
    %dma_start3A_258 = arith.constant 0 : i32
    %dma_start3A_259 = tpu.memref_slice %arg12[%dma_start3A_257, %dma_start3A_258] : memref<1536x64xf32, #tpu.memory_space<vmem>> -> memref<128x64xf32, #tpu.memory_space<vmem>>
    %dma_start3A_260 = arith.constant 1024 : i32
    %dma_start3A_261 = tpu.memref_slice %arg11[%dma_start3A_260] : memref<1536xi32, #tpu.memory_space<vmem>> -> memref<128xi32, #tpu.memory_space<vmem>>
    %dma_start3A_262 = arith.constant 0 : i32
    %dma_start3A_263 = arith.constant 0 : i32
    %dma_start3A_264 = tpu.memref_slice %arg9[%dma_start3A_262, %dma_start3A_263] : memref<73728x64xf32, #tpu.memory_space<hbm>> -> memref<73728x64xf32, #tpu.memory_space<hbm>>
    tpu.enqueue_indirect_dma source(%dma_start3A_259 : memref<128x64xf32, #tpu.memory_space<vmem>>) target(%dma_start3A_264 : memref<73728x64xf32, #tpu.memory_space<hbm>>) offsets(%dma_start3A_261 : memref<128xi32, #tpu.memory_space<vmem>>) semaphore(%arg14 : memref<!tpu.dma_semaphore, #tpu.memory_space<semaphore_mem>>)
    %dma_start3A_265 = arith.constant 1152 : i32
    %dma_start3A_266 = arith.constant 0 : i32
    %dma_start3A_267 = tpu.memref_slice %arg12[%dma_start3A_265, %dma_start3A_266] : memref<1536x64xf32, #tpu.memory_space<vmem>> -> memref<128x64xf32, #tpu.memory_space<vmem>>
    %dma_start3A_268 = arith.constant 1152 : i32
    %dma_start3A_269 = tpu.memref_slice %arg11[%dma_start3A_268] : memref<1536xi32, #tpu.memory_space<vmem>> -> memref<128xi32, #tpu.memory_space<vmem>>
    %dma_start3A_270 = arith.constant 0 : i32
    %dma_start3A_271 = arith.constant 0 : i32
    %dma_start3A_272 = tpu.memref_slice %arg9[%dma_start3A_270, %dma_start3A_271] : memref<73728x64xf32, #tpu.memory_space<hbm>> -> memref<73728x64xf32, #tpu.memory_space<hbm>>
    tpu.enqueue_indirect_dma source(%dma_start3A_267 : memref<128x64xf32, #tpu.memory_space<vmem>>) target(%dma_start3A_272 : memref<73728x64xf32, #tpu.memory_space<hbm>>) offsets(%dma_start3A_269 : memref<128xi32, #tpu.memory_space<vmem>>) semaphore(%arg14 : memref<!tpu.dma_semaphore, #tpu.memory_space<semaphore_mem>>)
    %dma_start3A_273 = arith.constant 1280 : i32
    %dma_start3A_274 = arith.constant 0 : i32
    %dma_start3A_275 = tpu.memref_slice %arg12[%dma_start3A_273, %dma_start3A_274] : memref<1536x64xf32, #tpu.memory_space<vmem>> -> memref<128x64xf32, #tpu.memory_space<vmem>>
    %dma_start3A_276 = arith.constant 1280 : i32
    %dma_start3A_277 = tpu.memref_slice %arg11[%dma_start3A_276] : memref<1536xi32, #tpu.memory_space<vmem>> -> memref<128xi32, #tpu.memory_space<vmem>>
    %dma_start3A_278 = arith.constant 0 : i32
    %dma_start3A_279 = arith.constant 0 : i32
    %dma_start3A_280 = tpu.memref_slice %arg9[%dma_start3A_278, %dma_start3A_279] : memref<73728x64xf32, #tpu.memory_space<hbm>> -> memref<73728x64xf32, #tpu.memory_space<hbm>>
    tpu.enqueue_indirect_dma source(%dma_start3A_275 : memref<128x64xf32, #tpu.memory_space<vmem>>) target(%dma_start3A_280 : memref<73728x64xf32, #tpu.memory_space<hbm>>) offsets(%dma_start3A_277 : memref<128xi32, #tpu.memory_space<vmem>>) semaphore(%arg14 : memref<!tpu.dma_semaphore, #tpu.memory_space<semaphore_mem>>)
    %dma_start3A_281 = arith.constant 1408 : i32
    %dma_start3A_282 = arith.constant 0 : i32
    %dma_start3A_283 = tpu.memref_slice %arg12[%dma_start3A_281, %dma_start3A_282] : memref<1536x64xf32, #tpu.memory_space<vmem>> -> memref<128x64xf32, #tpu.memory_space<vmem>>
    %dma_start3A_284 = arith.constant 1408 : i32
    %dma_start3A_285 = tpu.memref_slice %arg11[%dma_start3A_284] : memref<1536xi32, #tpu.memory_space<vmem>> -> memref<128xi32, #tpu.memory_space<vmem>>
    %dma_start3A_286 = arith.constant 0 : i32
    %dma_start3A_287 = arith.constant 0 : i32
    %dma_start3A_288 = tpu.memref_slice %arg9[%dma_start3A_286, %dma_start3A_287] : memref<73728x64xf32, #tpu.memory_space<hbm>> -> memref<73728x64xf32, #tpu.memory_space<hbm>>
    tpu.enqueue_indirect_dma source(%dma_start3A_283 : memref<128x64xf32, #tpu.memory_space<vmem>>) target(%dma_start3A_288 : memref<73728x64xf32, #tpu.memory_space<hbm>>) offsets(%dma_start3A_285 : memref<128xi32, #tpu.memory_space<vmem>>) semaphore(%arg14 : memref<!tpu.dma_semaphore, #tpu.memory_space<semaphore_mem>>)
    %dma_wait3A_289 = arith.constant 0 : i32
    %dma_wait3A_290 = arith.constant 0 : i32
    %dma_wait3A_291 = tpu.memref_slice %arg12[%dma_wait3A_289, %dma_wait3A_290] : memref<1536x64xf32, #tpu.memory_space<vmem>> -> memref<128x64xf32, #tpu.memory_space<vmem>>
    %dma_wait3A_292 = arith.constant 0 : i32
    %dma_wait3A_293 = tpu.memref_slice %arg11[%dma_wait3A_292] : memref<1536xi32, #tpu.memory_space<vmem>> -> memref<128xi32, #tpu.memory_space<vmem>>
    %dma_wait3A_294 = arith.constant 0 : i32
    %dma_wait3A_295 = arith.constant 0 : i32
    %dma_wait3A_296 = tpu.memref_slice %arg9[%dma_wait3A_294, %dma_wait3A_295] : memref<73728x64xf32, #tpu.memory_space<hbm>> -> memref<73728x64xf32, #tpu.memory_space<hbm>>
    tpu.wait_indirect_dma semaphore(%arg14 : memref<!tpu.dma_semaphore, #tpu.memory_space<semaphore_mem>>) src(%dma_wait3A_291 : memref<128x64xf32, #tpu.memory_space<vmem>>) dst(%dma_wait3A_296 : memref<73728x64xf32, #tpu.memory_space<hbm>>)
    %dma_wait3A_297 = arith.constant 128 : i32
    %dma_wait3A_298 = arith.constant 0 : i32
    %dma_wait3A_299 = tpu.memref_slice %arg12[%dma_wait3A_297, %dma_wait3A_298] : memref<1536x64xf32, #tpu.memory_space<vmem>> -> memref<128x64xf32, #tpu.memory_space<vmem>>
    %dma_wait3A_300 = arith.constant 128 : i32
    %dma_wait3A_301 = tpu.memref_slice %arg11[%dma_wait3A_300] : memref<1536xi32, #tpu.memory_space<vmem>> -> memref<128xi32, #tpu.memory_space<vmem>>
    %dma_wait3A_302 = arith.constant 0 : i32
    %dma_wait3A_303 = arith.constant 0 : i32
    %dma_wait3A_304 = tpu.memref_slice %arg9[%dma_wait3A_302, %dma_wait3A_303] : memref<73728x64xf32, #tpu.memory_space<hbm>> -> memref<73728x64xf32, #tpu.memory_space<hbm>>
    tpu.wait_indirect_dma semaphore(%arg14 : memref<!tpu.dma_semaphore, #tpu.memory_space<semaphore_mem>>) src(%dma_wait3A_299 : memref<128x64xf32, #tpu.memory_space<vmem>>) dst(%dma_wait3A_304 : memref<73728x64xf32, #tpu.memory_space<hbm>>)
    %dma_wait3A_305 = arith.constant 256 : i32
    %dma_wait3A_306 = arith.constant 0 : i32
    %dma_wait3A_307 = tpu.memref_slice %arg12[%dma_wait3A_305, %dma_wait3A_306] : memref<1536x64xf32, #tpu.memory_space<vmem>> -> memref<128x64xf32, #tpu.memory_space<vmem>>
    %dma_wait3A_308 = arith.constant 256 : i32
    %dma_wait3A_309 = tpu.memref_slice %arg11[%dma_wait3A_308] : memref<1536xi32, #tpu.memory_space<vmem>> -> memref<128xi32, #tpu.memory_space<vmem>>
    %dma_wait3A_310 = arith.constant 0 : i32
    %dma_wait3A_311 = arith.constant 0 : i32
    %dma_wait3A_312 = tpu.memref_slice %arg9[%dma_wait3A_310, %dma_wait3A_311] : memref<73728x64xf32, #tpu.memory_space<hbm>> -> memref<73728x64xf32, #tpu.memory_space<hbm>>
    tpu.wait_indirect_dma semaphore(%arg14 : memref<!tpu.dma_semaphore, #tpu.memory_space<semaphore_mem>>) src(%dma_wait3A_307 : memref<128x64xf32, #tpu.memory_space<vmem>>) dst(%dma_wait3A_312 : memref<73728x64xf32, #tpu.memory_space<hbm>>)
    %dma_wait3A_313 = arith.constant 384 : i32
    %dma_wait3A_314 = arith.constant 0 : i32
    %dma_wait3A_315 = tpu.memref_slice %arg12[%dma_wait3A_313, %dma_wait3A_314] : memref<1536x64xf32, #tpu.memory_space<vmem>> -> memref<128x64xf32, #tpu.memory_space<vmem>>
    %dma_wait3A_316 = arith.constant 384 : i32
    %dma_wait3A_317 = tpu.memref_slice %arg11[%dma_wait3A_316] : memref<1536xi32, #tpu.memory_space<vmem>> -> memref<128xi32, #tpu.memory_space<vmem>>
    %dma_wait3A_318 = arith.constant 0 : i32
    %dma_wait3A_319 = arith.constant 0 : i32
    %dma_wait3A_320 = tpu.memref_slice %arg9[%dma_wait3A_318, %dma_wait3A_319] : memref<73728x64xf32, #tpu.memory_space<hbm>> -> memref<73728x64xf32, #tpu.memory_space<hbm>>
    tpu.wait_indirect_dma semaphore(%arg14 : memref<!tpu.dma_semaphore, #tpu.memory_space<semaphore_mem>>) src(%dma_wait3A_315 : memref<128x64xf32, #tpu.memory_space<vmem>>) dst(%dma_wait3A_320 : memref<73728x64xf32, #tpu.memory_space<hbm>>)
    %dma_wait3A_321 = arith.constant 512 : i32
    %dma_wait3A_322 = arith.constant 0 : i32
    %dma_wait3A_323 = tpu.memref_slice %arg12[%dma_wait3A_321, %dma_wait3A_322] : memref<1536x64xf32, #tpu.memory_space<vmem>> -> memref<128x64xf32, #tpu.memory_space<vmem>>
    %dma_wait3A_324 = arith.constant 512 : i32
    %dma_wait3A_325 = tpu.memref_slice %arg11[%dma_wait3A_324] : memref<1536xi32, #tpu.memory_space<vmem>> -> memref<128xi32, #tpu.memory_space<vmem>>
    %dma_wait3A_326 = arith.constant 0 : i32
    %dma_wait3A_327 = arith.constant 0 : i32
    %dma_wait3A_328 = tpu.memref_slice %arg9[%dma_wait3A_326, %dma_wait3A_327] : memref<73728x64xf32, #tpu.memory_space<hbm>> -> memref<73728x64xf32, #tpu.memory_space<hbm>>
    tpu.wait_indirect_dma semaphore(%arg14 : memref<!tpu.dma_semaphore, #tpu.memory_space<semaphore_mem>>) src(%dma_wait3A_323 : memref<128x64xf32, #tpu.memory_space<vmem>>) dst(%dma_wait3A_328 : memref<73728x64xf32, #tpu.memory_space<hbm>>)
    %dma_wait3A_329 = arith.constant 640 : i32
    %dma_wait3A_330 = arith.constant 0 : i32
    %dma_wait3A_331 = tpu.memref_slice %arg12[%dma_wait3A_329, %dma_wait3A_330] : memref<1536x64xf32, #tpu.memory_space<vmem>> -> memref<128x64xf32, #tpu.memory_space<vmem>>
    %dma_wait3A_332 = arith.constant 640 : i32
    %dma_wait3A_333 = tpu.memref_slice %arg11[%dma_wait3A_332] : memref<1536xi32, #tpu.memory_space<vmem>> -> memref<128xi32, #tpu.memory_space<vmem>>
    %dma_wait3A_334 = arith.constant 0 : i32
    %dma_wait3A_335 = arith.constant 0 : i32
    %dma_wait3A_336 = tpu.memref_slice %arg9[%dma_wait3A_334, %dma_wait3A_335] : memref<73728x64xf32, #tpu.memory_space<hbm>> -> memref<73728x64xf32, #tpu.memory_space<hbm>>
    tpu.wait_indirect_dma semaphore(%arg14 : memref<!tpu.dma_semaphore, #tpu.memory_space<semaphore_mem>>) src(%dma_wait3A_331 : memref<128x64xf32, #tpu.memory_space<vmem>>) dst(%dma_wait3A_336 : memref<73728x64xf32, #tpu.memory_space<hbm>>)
    %dma_wait3A_337 = arith.constant 768 : i32
    %dma_wait3A_338 = arith.constant 0 : i32
    %dma_wait3A_339 = tpu.memref_slice %arg12[%dma_wait3A_337, %dma_wait3A_338] : memref<1536x64xf32, #tpu.memory_space<vmem>> -> memref<128x64xf32, #tpu.memory_space<vmem>>
    %dma_wait3A_340 = arith.constant 768 : i32
    %dma_wait3A_341 = tpu.memref_slice %arg11[%dma_wait3A_340] : memref<1536xi32, #tpu.memory_space<vmem>> -> memref<128xi32, #tpu.memory_space<vmem>>
    %dma_wait3A_342 = arith.constant 0 : i32
    %dma_wait3A_343 = arith.constant 0 : i32
    %dma_wait3A_344 = tpu.memref_slice %arg9[%dma_wait3A_342, %dma_wait3A_343] : memref<73728x64xf32, #tpu.memory_space<hbm>> -> memref<73728x64xf32, #tpu.memory_space<hbm>>
    tpu.wait_indirect_dma semaphore(%arg14 : memref<!tpu.dma_semaphore, #tpu.memory_space<semaphore_mem>>) src(%dma_wait3A_339 : memref<128x64xf32, #tpu.memory_space<vmem>>) dst(%dma_wait3A_344 : memref<73728x64xf32, #tpu.memory_space<hbm>>)
    %dma_wait3A_345 = arith.constant 896 : i32
    %dma_wait3A_346 = arith.constant 0 : i32
    %dma_wait3A_347 = tpu.memref_slice %arg12[%dma_wait3A_345, %dma_wait3A_346] : memref<1536x64xf32, #tpu.memory_space<vmem>> -> memref<128x64xf32, #tpu.memory_space<vmem>>
    %dma_wait3A_348 = arith.constant 896 : i32
    %dma_wait3A_349 = tpu.memref_slice %arg11[%dma_wait3A_348] : memref<1536xi32, #tpu.memory_space<vmem>> -> memref<128xi32, #tpu.memory_space<vmem>>
    %dma_wait3A_350 = arith.constant 0 : i32
    %dma_wait3A_351 = arith.constant 0 : i32
    %dma_wait3A_352 = tpu.memref_slice %arg9[%dma_wait3A_350, %dma_wait3A_351] : memref<73728x64xf32, #tpu.memory_space<hbm>> -> memref<73728x64xf32, #tpu.memory_space<hbm>>
    tpu.wait_indirect_dma semaphore(%arg14 : memref<!tpu.dma_semaphore, #tpu.memory_space<semaphore_mem>>) src(%dma_wait3A_347 : memref<128x64xf32, #tpu.memory_space<vmem>>) dst(%dma_wait3A_352 : memref<73728x64xf32, #tpu.memory_space<hbm>>)
    %dma_wait3A_353 = arith.constant 1024 : i32
    %dma_wait3A_354 = arith.constant 0 : i32
    %dma_wait3A_355 = tpu.memref_slice %arg12[%dma_wait3A_353, %dma_wait3A_354] : memref<1536x64xf32, #tpu.memory_space<vmem>> -> memref<128x64xf32, #tpu.memory_space<vmem>>
    %dma_wait3A_356 = arith.constant 1024 : i32
    %dma_wait3A_357 = tpu.memref_slice %arg11[%dma_wait3A_356] : memref<1536xi32, #tpu.memory_space<vmem>> -> memref<128xi32, #tpu.memory_space<vmem>>
    %dma_wait3A_358 = arith.constant 0 : i32
    %dma_wait3A_359 = arith.constant 0 : i32
    %dma_wait3A_360 = tpu.memref_slice %arg9[%dma_wait3A_358, %dma_wait3A_359] : memref<73728x64xf32, #tpu.memory_space<hbm>> -> memref<73728x64xf32, #tpu.memory_space<hbm>>
    tpu.wait_indirect_dma semaphore(%arg14 : memref<!tpu.dma_semaphore, #tpu.memory_space<semaphore_mem>>) src(%dma_wait3A_355 : memref<128x64xf32, #tpu.memory_space<vmem>>) dst(%dma_wait3A_360 : memref<73728x64xf32, #tpu.memory_space<hbm>>)
    %dma_wait3A_361 = arith.constant 1152 : i32
    %dma_wait3A_362 = arith.constant 0 : i32
    %dma_wait3A_363 = tpu.memref_slice %arg12[%dma_wait3A_361, %dma_wait3A_362] : memref<1536x64xf32, #tpu.memory_space<vmem>> -> memref<128x64xf32, #tpu.memory_space<vmem>>
    %dma_wait3A_364 = arith.constant 1152 : i32
    %dma_wait3A_365 = tpu.memref_slice %arg11[%dma_wait3A_364] : memref<1536xi32, #tpu.memory_space<vmem>> -> memref<128xi32, #tpu.memory_space<vmem>>
    %dma_wait3A_366 = arith.constant 0 : i32
    %dma_wait3A_367 = arith.constant 0 : i32
    %dma_wait3A_368 = tpu.memref_slice %arg9[%dma_wait3A_366, %dma_wait3A_367] : memref<73728x64xf32, #tpu.memory_space<hbm>> -> memref<73728x64xf32, #tpu.memory_space<hbm>>
    tpu.wait_indirect_dma semaphore(%arg14 : memref<!tpu.dma_semaphore, #tpu.memory_space<semaphore_mem>>) src(%dma_wait3A_363 : memref<128x64xf32, #tpu.memory_space<vmem>>) dst(%dma_wait3A_368 : memref<73728x64xf32, #tpu.memory_space<hbm>>)
    %dma_wait3A_369 = arith.constant 1280 : i32
    %dma_wait3A_370 = arith.constant 0 : i32
    %dma_wait3A_371 = tpu.memref_slice %arg12[%dma_wait3A_369, %dma_wait3A_370] : memref<1536x64xf32, #tpu.memory_space<vmem>> -> memref<128x64xf32, #tpu.memory_space<vmem>>
    %dma_wait3A_372 = arith.constant 1280 : i32
    %dma_wait3A_373 = tpu.memref_slice %arg11[%dma_wait3A_372] : memref<1536xi32, #tpu.memory_space<vmem>> -> memref<128xi32, #tpu.memory_space<vmem>>
    %dma_wait3A_374 = arith.constant 0 : i32
    %dma_wait3A_375 = arith.constant 0 : i32
    %dma_wait3A_376 = tpu.memref_slice %arg9[%dma_wait3A_374, %dma_wait3A_375] : memref<73728x64xf32, #tpu.memory_space<hbm>> -> memref<73728x64xf32, #tpu.memory_space<hbm>>
    tpu.wait_indirect_dma semaphore(%arg14 : memref<!tpu.dma_semaphore, #tpu.memory_space<semaphore_mem>>) src(%dma_wait3A_371 : memref<128x64xf32, #tpu.memory_space<vmem>>) dst(%dma_wait3A_376 : memref<73728x64xf32, #tpu.memory_space<hbm>>)
    %dma_wait3A_377 = arith.constant 1408 : i32
    %dma_wait3A_378 = arith.constant 0 : i32
    %dma_wait3A_379 = tpu.memref_slice %arg12[%dma_wait3A_377, %dma_wait3A_378] : memref<1536x64xf32, #tpu.memory_space<vmem>> -> memref<128x64xf32, #tpu.memory_space<vmem>>
    %dma_wait3A_380 = arith.constant 1408 : i32
    %dma_wait3A_381 = tpu.memref_slice %arg11[%dma_wait3A_380] : memref<1536xi32, #tpu.memory_space<vmem>> -> memref<128xi32, #tpu.memory_space<vmem>>
    %dma_wait3A_382 = arith.constant 0 : i32
    %dma_wait3A_383 = arith.constant 0 : i32
    %dma_wait3A_384 = tpu.memref_slice %arg9[%dma_wait3A_382, %dma_wait3A_383] : memref<73728x64xf32, #tpu.memory_space<hbm>> -> memref<73728x64xf32, #tpu.memory_space<hbm>>
    tpu.wait_indirect_dma semaphore(%arg14 : memref<!tpu.dma_semaphore, #tpu.memory_space<semaphore_mem>>) src(%dma_wait3A_379 : memref<128x64xf32, #tpu.memory_space<vmem>>) dst(%dma_wait3A_384 : memref<73728x64xf32, #tpu.memory_space<hbm>>)
    return
  }
}

module attributes {stable_mosaic.version = 14 : i64} {
  func.func @_pos_body(%arg0: i32, %arg1: memref<2048x1xi32, #tpu.memory_space<vmem>>, %arg2: memref<2048x1xi32, #tpu.memory_space<vmem>>, %arg3: memref<2048x1xi32, #tpu.memory_space<vmem>>, %arg4: memref<2048x1xi32, #tpu.memory_space<vmem>>, %arg5: memref<192x1xi32, #tpu.memory_space<vmem>>, %arg6: memref<192x1xi32, #tpu.memory_space<vmem>>, %arg7: memref<1x64xf32, #tpu.memory_space<vmem>>, %arg8: memref<16384x1xf32, #tpu.memory_space<vmem>>) attributes {dimension_semantics = [#tpu.dimension_semantics<arbitrary>], iteration_bounds = array<i64: 16>, scalar_prefetch = 0 : i64, scratch_operands = 2 : i64, tpu.core_type = #tpu.core_type<tc>, window_params = [{transform_indices = @transform_0, window_bounds = array<i64: 2048, 1>}, {transform_indices = @transform_1, window_bounds = array<i64: 2048, 1>}, {transform_indices = @transform_2, window_bounds = array<i64: 2048, 1>}, {transform_indices = @transform_3, window_bounds = array<i64: 2048, 1>}, {pipeline_mode = #tpu.pipeline_mode<synchronous>, transform_indices = @transform_4, window_bounds = array<i64: 192, 1>}, {pipeline_mode = #tpu.pipeline_mode<synchronous>, transform_indices = @transform_5, window_bounds = array<i64: 192, 1>}]} {
    %eq3A = arith.constant 0 : i32
    %eq3A_0 = arith.cmpi eq, %arg0, %eq3A : i32
    %convert_element_type3A = arith.extui %eq3A_0 : i1 to i32
    %cond3A = arith.constant 0 : i32
    %cond3A_1 = arith.cmpi ne, %convert_element_type3A, %cond3A : i32
    scf.if %cond3A_1 {
      %broadcast_in_dim3A = arith.constant 0.000000e+00 : f32
      %broadcast_in_dim3A_10 = vector.broadcast %broadcast_in_dim3A : f32 to vector<1x64xf32>
      %swap3A = arith.constant 0 : index
      %swap3A_11 = arith.constant 0 : index
      %swap3A_12 = vector.load %arg7[%swap3A, %swap3A_11] : memref<1x64xf32, #tpu.memory_space<vmem>>, vector<1x64xf32>
      tpu.vector_store %arg7[%swap3A, %swap3A_11], %broadcast_in_dim3A_10 {strides = array<i32>} : memref<1x64xf32, #tpu.memory_space<vmem>>, vector<1x64xf32>,
    } else {
    }
    %lt3A = arith.constant 8 : i32
    %lt3A_2 = arith.cmpi slt, %arg0, %lt3A : i32
    %convert_element_type3A_3 = arith.extui %lt3A_2 : i1 to i32
    %cond3A_4 = arith.constant 0 : i32
    %cond3A_5 = arith.cmpi ne, %convert_element_type3A_3, %cond3A_4 : i32
    scf.if %cond3A_5 {
      %get3A = arith.constant 0 : index
      %get3A_10 = arith.constant 0 : index
      %get3A_11 = vector.load %arg1[%get3A, %get3A_10] : memref<2048x1xi32, #tpu.memory_space<vmem>>, vector<2048x1xi32>
      %iota3A = tpu.iota {dimensions = array<i32: 1>} : vector<2048x64xi32>
      %eq3A_12 = vector.broadcast %get3A_11 : vector<2048x1xi32> to vector<2048x64xi32>
      %eq3A_13 = arith.cmpi eq, %eq3A_12, %iota3A : vector<2048x64xi32>
      %convert_element_type3A_14 = arith.extui %eq3A_13 : vector<2048x64xi1> to vector<2048x64xi32>
      %convert_element_type3A_15 = arith.sitofp %convert_element_type3A_14 : vector<2048x64xi32> to vector<2048x64xf32>
      %broadcast_in_dim3A = arith.constant 0.000000e+00 : f32
      %broadcast_in_dim3A_16 = vector.broadcast %broadcast_in_dim3A : f32 to vector<1x64xf32>
      %slice3A = vector.extract_strided_slice %convert_element_type3A_15 {offsets = [0, 0], sizes = [2047, 64], strides = [1, 1]} : vector<2048x64xf32> to vector<2047x64xf32>
      %concatenate3A = tpu.concatenate %broadcast_in_dim3A_16, %slice3A in 0 : vector<1x64xf32>, vector<2047x64xf32> -> vector<2048x64xf32>
      %add3A = arith.addf %convert_element_type3A_15, %concatenate3A : vector<2048x64xf32>
      %broadcast_in_dim3A_17 = arith.constant 0.000000e+00 : f32
      %broadcast_in_dim3A_18 = vector.broadcast %broadcast_in_dim3A_17 : f32 to vector<2x64xf32>
      %slice3A_19 = vector.extract_strided_slice %add3A {offsets = [0, 0], sizes = [2046, 64], strides = [1, 1]} : vector<2048x64xf32> to vector<2046x64xf32>
      %concatenate3A_20 = tpu.concatenate %broadcast_in_dim3A_18, %slice3A_19 in 0 : vector<2x64xf32>, vector<2046x64xf32> -> vector<2048x64xf32>
      %add3A_21 = arith.addf %add3A, %concatenate3A_20 : vector<2048x64xf32>
      %broadcast_in_dim3A_22 = arith.constant 0.000000e+00 : f32
      %broadcast_in_dim3A_23 = vector.broadcast %broadcast_in_dim3A_22 : f32 to vector<4x64xf32>
      %slice3A_24 = vector.extract_strided_slice %add3A_21 {offsets = [0, 0], sizes = [2044, 64], strides = [1, 1]} : vector<2048x64xf32> to vector<2044x64xf32>
      %concatenate3A_25 = tpu.concatenate %broadcast_in_dim3A_23, %slice3A_24 in 0 : vector<4x64xf32>, vector<2044x64xf32> -> vector<2048x64xf32>
      %add3A_26 = arith.addf %add3A_21, %concatenate3A_25 : vector<2048x64xf32>
      %broadcast_in_dim3A_27 = arith.constant 0.000000e+00 : f32
      %broadcast_in_dim3A_28 = vector.broadcast %broadcast_in_dim3A_27 : f32 to vector<8x64xf32>
      %slice3A_29 = vector.extract_strided_slice %add3A_26 {offsets = [0, 0], sizes = [2040, 64], strides = [1, 1]} : vector<2048x64xf32> to vector<2040x64xf32>
      %concatenate3A_30 = tpu.concatenate %broadcast_in_dim3A_28, %slice3A_29 in 0 : vector<8x64xf32>, vector<2040x64xf32> -> vector<2048x64xf32>
      %add3A_31 = arith.addf %add3A_26, %concatenate3A_30 : vector<2048x64xf32>
      %broadcast_in_dim3A_32 = arith.constant 0.000000e+00 : f32
      %broadcast_in_dim3A_33 = vector.broadcast %broadcast_in_dim3A_32 : f32 to vector<16x64xf32>
      %slice3A_34 = vector.extract_strided_slice %add3A_31 {offsets = [0, 0], sizes = [2032, 64], strides = [1, 1]} : vector<2048x64xf32> to vector<2032x64xf32>
      %concatenate3A_35 = tpu.concatenate %broadcast_in_dim3A_33, %slice3A_34 in 0 : vector<16x64xf32>, vector<2032x64xf32> -> vector<2048x64xf32>
      %add3A_36 = arith.addf %add3A_31, %concatenate3A_35 : vector<2048x64xf32>
      %broadcast_in_dim3A_37 = arith.constant 0.000000e+00 : f32
      %broadcast_in_dim3A_38 = vector.broadcast %broadcast_in_dim3A_37 : f32 to vector<32x64xf32>
      %slice3A_39 = vector.extract_strided_slice %add3A_36 {offsets = [0, 0], sizes = [2016, 64], strides = [1, 1]} : vector<2048x64xf32> to vector<2016x64xf32>
      %concatenate3A_40 = tpu.concatenate %broadcast_in_dim3A_38, %slice3A_39 in 0 : vector<32x64xf32>, vector<2016x64xf32> -> vector<2048x64xf32>
      %add3A_41 = arith.addf %add3A_36, %concatenate3A_40 : vector<2048x64xf32>
      %broadcast_in_dim3A_42 = arith.constant 0.000000e+00 : f32
      %broadcast_in_dim3A_43 = vector.broadcast %broadcast_in_dim3A_42 : f32 to vector<64x64xf32>
      %slice3A_44 = vector.extract_strided_slice %add3A_41 {offsets = [0, 0], sizes = [1984, 64], strides = [1, 1]} : vector<2048x64xf32> to vector<1984x64xf32>
      %concatenate3A_45 = tpu.concatenate %broadcast_in_dim3A_43, %slice3A_44 in 0 : vector<64x64xf32>, vector<1984x64xf32> -> vector<2048x64xf32>
      %add3A_46 = arith.addf %add3A_41, %concatenate3A_45 : vector<2048x64xf32>
      %broadcast_in_dim3A_47 = arith.constant 0.000000e+00 : f32
      %broadcast_in_dim3A_48 = vector.broadcast %broadcast_in_dim3A_47 : f32 to vector<128x64xf32>
      %slice3A_49 = vector.extract_strided_slice %add3A_46 {offsets = [0, 0], sizes = [1920, 64], strides = [1, 1]} : vector<2048x64xf32> to vector<1920x64xf32>
      %concatenate3A_50 = tpu.concatenate %broadcast_in_dim3A_48, %slice3A_49 in 0 : vector<128x64xf32>, vector<1920x64xf32> -> vector<2048x64xf32>
      %add3A_51 = arith.addf %add3A_46, %concatenate3A_50 : vector<2048x64xf32>
      %broadcast_in_dim3A_52 = arith.constant 0.000000e+00 : f32
      %broadcast_in_dim3A_53 = vector.broadcast %broadcast_in_dim3A_52 : f32 to vector<256x64xf32>
      %slice3A_54 = vector.extract_strided_slice %add3A_51 {offsets = [0, 0], sizes = [1792, 64], strides = [1, 1]} : vector<2048x64xf32> to vector<1792x64xf32>
      %concatenate3A_55 = tpu.concatenate %broadcast_in_dim3A_53, %slice3A_54 in 0 : vector<256x64xf32>, vector<1792x64xf32> -> vector<2048x64xf32>
      %add3A_56 = arith.addf %add3A_51, %concatenate3A_55 : vector<2048x64xf32>
      %broadcast_in_dim3A_57 = arith.constant 0.000000e+00 : f32
      %broadcast_in_dim3A_58 = vector.broadcast %broadcast_in_dim3A_57 : f32 to vector<512x64xf32>
      %slice3A_59 = vector.extract_strided_slice %add3A_56 {offsets = [0, 0], sizes = [1536, 64], strides = [1, 1]} : vector<2048x64xf32> to vector<1536x64xf32>
      %concatenate3A_60 = tpu.concatenate %broadcast_in_dim3A_58, %slice3A_59 in 0 : vector<512x64xf32>, vector<1536x64xf32> -> vector<2048x64xf32>
      %add3A_61 = arith.addf %add3A_56, %concatenate3A_60 : vector<2048x64xf32>
      %broadcast_in_dim3A_62 = arith.constant 0.000000e+00 : f32
      %broadcast_in_dim3A_63 = vector.broadcast %broadcast_in_dim3A_62 : f32 to vector<1024x64xf32>
      %slice3A_64 = vector.extract_strided_slice %add3A_61 {offsets = [0, 0], sizes = [1024, 64], strides = [1, 1]} : vector<2048x64xf32> to vector<1024x64xf32>
      %concatenate3A_65 = tpu.concatenate %broadcast_in_dim3A_63, %slice3A_64 in 0 : vector<1024x64xf32>, vector<1024x64xf32> -> vector<2048x64xf32>
      %add3A_66 = arith.addf %add3A_61, %concatenate3A_65 : vector<2048x64xf32>
      %get3A_67 = arith.constant 0 : index
      %get3A_68 = arith.constant 0 : index
      %get3A_69 = vector.load %arg7[%get3A_67, %get3A_68] : memref<1x64xf32, #tpu.memory_space<vmem>>, vector<1x64xf32>
      %add3A_70 = vector.broadcast %get3A_69 : vector<1x64xf32> to vector<2048x64xf32>
      %add3A_71 = arith.addf %add3A_70, %add3A_66 : vector<2048x64xf32>
      %mul3A = arith.mulf %convert_element_type3A_15, %add3A_71 : vector<2048x64xf32>
      %reduce_sum3A = arith.constant dense<0.000000e+00> : vector<2048xf32>
      %reduce_sum3A_72 = vector.multi_reduction <add>, %mul3A, %reduce_sum3A [1] : vector<2048x64xf32> to vector<2048xf32>
      %broadcast_in_dim3A_73 = vector.shape_cast %reduce_sum3A_72 : vector<2048xf32> to vector<2048x1xf32>
      %sub3A = arith.constant 1.000000e+00 : f32
      %sub3A_74 = vector.broadcast %sub3A : f32 to vector<2048x1xf32>
      %sub3A_75 = arith.subf %broadcast_in_dim3A_73, %sub3A_74 : vector<2048x1xf32>
      %mul3A_76 = arith.constant 2048 : i32
      %mul3A_77 = arith.muli %arg0, %mul3A_76 : i32
      %multiple_of3A = tpu.assume_multiple %mul3A_77, 2048 : i32
      %swap3A = arith.index_cast %multiple_of3A : i32 to index
      %swap3A_78 = arith.constant 0 : index
      %swap3A_79 = vector.load %arg8[%swap3A, %swap3A_78] : memref<16384x1xf32, #tpu.memory_space<vmem>>, vector<2048x1xf32>
      tpu.vector_store %arg8[%swap3A, %swap3A_78], %sub3A_75 {strides = array<i32>} : memref<16384x1xf32, #tpu.memory_space<vmem>>, vector<2048x1xf32>,
      %slice3A_80 = vector.extract_strided_slice %add3A_66 {offsets = [2047, 0], sizes = [1, 64], strides = [1, 1]} : vector<2048x64xf32> to vector<1x64xf32>
      %add3A_81 = arith.addf %get3A_69, %slice3A_80 : vector<1x64xf32>
      %swap3A_82 = arith.constant 0 : index
      %swap3A_83 = arith.constant 0 : index
      %swap3A_84 = vector.load %arg7[%swap3A_82, %swap3A_83] : memref<1x64xf32, #tpu.memory_space<vmem>>, vector<1x64xf32>
      tpu.vector_store %arg7[%swap3A_82, %swap3A_83], %add3A_81 {strides = array<i32>} : memref<1x64xf32, #tpu.memory_space<vmem>>, vector<1x64xf32>,
    } else {
    }
    %ge3A = arith.constant 8 : i32
    %ge3A_6 = arith.cmpi sge, %arg0, %ge3A : i32
    %convert_element_type3A_7 = arith.extui %ge3A_6 : i1 to i32
    %cond3A_8 = arith.constant 0 : i32
    %cond3A_9 = arith.cmpi ne, %convert_element_type3A_7, %cond3A_8 : i32
    scf.if %cond3A_9 {
      %sub3A = arith.constant 8 : i32
      %sub3A_10 = arith.subi %arg0, %sub3A : i32
      %get3A = arith.constant 0 : index
      %get3A_11 = arith.constant 0 : index
      %get3A_12 = vector.load %arg7[%get3A, %get3A_11] : memref<1x64xf32, #tpu.memory_space<vmem>>, vector<1x64xf32>
      %add3A = arith.constant 1.270000e+02 : f32
      %add3A_13 = vector.broadcast %add3A : f32 to vector<1x64xf32>
      %add3A_14 = arith.addf %get3A_12, %add3A_13 : vector<1x64xf32>
      %div3A = arith.constant 1.280000e+02 : f32
      %div3A_15 = vector.broadcast %div3A : f32 to vector<1x64xf32>
      %div3A_16 = arith.divf %add3A_14, %div3A_15 : vector<1x64xf32>
      %floor3A = math.floor %div3A_16 : vector<1x64xf32>
      %mul3A = arith.constant 1.280000e+02 : f32
      %mul3A_17 = vector.broadcast %mul3A : f32 to vector<1x64xf32>
      %mul3A_18 = arith.mulf %floor3A, %mul3A_17 : vector<1x64xf32>
      %iota3A = tpu.iota {dimensions = array<i32: 0>} : vector<64x64xi32>
      %iota3A_19 = tpu.iota {dimensions = array<i32: 1>} : vector<64x64xi32>
      %lt3A_20 = arith.cmpi slt, %iota3A, %iota3A_19 : vector<64x64xi32>
      %convert_element_type3A_21 = arith.extui %lt3A_20 : vector<64x64xi1> to vector<64x64xi32>
      %convert_element_type3A_22 = arith.sitofp %convert_element_type3A_21 : vector<64x64xi32> to vector<64x64xf32>
      %dot_general3A = arith.constant dense<0.000000e+00> : vector<1x64xf32>
      %dot_general3A_23 = tpu.matmul %mul3A_18, %convert_element_type3A_22, %dot_general3A {dimension_numbers = #tpu.dot_dimension_numbers<[1], [0], [0], [1], [0, 0, 1, 1], [], []>, transpose_lhs_hint = false} : vector<1x64xf32>, vector<64x64xf32>, vector<1x64xf32> -> vector<1x64xf32>
      %get3A_24 = arith.constant 0 : index
      %get3A_25 = arith.constant 0 : index
      %get3A_26 = vector.load %arg1[%get3A_24, %get3A_25] : memref<2048x1xi32, #tpu.memory_space<vmem>>, vector<2048x1xi32>
      %iota3A_27 = tpu.iota {dimensions = array<i32: 1>} : vector<2048x64xi32>
      %eq3A_28 = vector.broadcast %get3A_26 : vector<2048x1xi32> to vector<2048x64xi32>
      %eq3A_29 = arith.cmpi eq, %eq3A_28, %iota3A_27 : vector<2048x64xi32>
      %convert_element_type3A_30 = arith.extui %eq3A_29 : vector<2048x64xi1> to vector<2048x64xi32>
      %convert_element_type3A_31 = arith.sitofp %convert_element_type3A_30 : vector<2048x64xi32> to vector<2048x64xf32>
      %mul3A_32 = vector.broadcast %dot_general3A_23 : vector<1x64xf32> to vector<2048x64xf32>
      %mul3A_33 = arith.mulf %convert_element_type3A_31, %mul3A_32 : vector<2048x64xf32>
      %reduce_sum3A = arith.constant dense<0.000000e+00> : vector<2048xf32>
      %reduce_sum3A_34 = vector.multi_reduction <add>, %mul3A_33, %reduce_sum3A [1] : vector<2048x64xf32> to vector<2048xf32>
      %broadcast_in_dim3A = vector.shape_cast %reduce_sum3A_34 : vector<2048xf32> to vector<2048x1xf32>
      %mul3A_35 = arith.constant 2048 : i32
      %mul3A_36 = arith.muli %sub3A_10, %mul3A_35 : i32
      %multiple_of3A = tpu.assume_multiple %mul3A_36, 2048 : i32
      %get3A_37 = arith.index_cast %multiple_of3A : i32 to index
      %get3A_38 = arith.constant 0 : index
      %get3A_39 = vector.load %arg8[%get3A_37, %get3A_38] : memref<16384x1xf32, #tpu.memory_space<vmem>>, vector<2048x1xf32>
      %add3A_40 = arith.addf %broadcast_in_dim3A, %get3A_39 : vector<2048x1xf32>
      %convert_element_type3A_41 = arith.fptosi %add3A_40 : vector<2048x1xf32> to vector<2048x1xi32>
      %swap3A = arith.constant 0 : index
      %swap3A_42 = arith.constant 0 : index
      %swap3A_43 = vector.load %arg2[%swap3A, %swap3A_42] : memref<2048x1xi32, #tpu.memory_space<vmem>>, vector<2048x1xi32>
      tpu.vector_store %arg2[%swap3A, %swap3A_42], %convert_element_type3A_41 {strides = array<i32>} : memref<2048x1xi32, #tpu.memory_space<vmem>>, vector<2048x1xi32>,
      %add3A_44 = arith.constant 2.457600e+04 : f32
      %add3A_45 = vector.broadcast %add3A_44 : f32 to vector<2048x1xf32>
      %add3A_46 = arith.addf %add3A_40, %add3A_45 : vector<2048x1xf32>
      %convert_element_type3A_47 = arith.fptosi %add3A_46 : vector<2048x1xf32> to vector<2048x1xi32>
      %swap3A_48 = arith.constant 0 : index
      %swap3A_49 = arith.constant 0 : index
      %swap3A_50 = vector.load %arg3[%swap3A_48, %swap3A_49] : memref<2048x1xi32, #tpu.memory_space<vmem>>, vector<2048x1xi32>
      tpu.vector_store %arg3[%swap3A_48, %swap3A_49], %convert_element_type3A_47 {strides = array<i32>} : memref<2048x1xi32, #tpu.memory_space<vmem>>, vector<2048x1xi32>,
      %add3A_51 = arith.constant 4.915200e+04 : f32
      %add3A_52 = vector.broadcast %add3A_51 : f32 to vector<2048x1xf32>
      %add3A_53 = arith.addf %add3A_40, %add3A_52 : vector<2048x1xf32>
      %convert_element_type3A_54 = arith.fptosi %add3A_53 : vector<2048x1xf32> to vector<2048x1xi32>
      %swap3A_55 = arith.constant 0 : index
      %swap3A_56 = arith.constant 0 : index
      %swap3A_57 = vector.load %arg4[%swap3A_55, %swap3A_56] : memref<2048x1xi32, #tpu.memory_space<vmem>>, vector<2048x1xi32>
      tpu.vector_store %arg4[%swap3A_55, %swap3A_56], %convert_element_type3A_54 {strides = array<i32>} : memref<2048x1xi32, #tpu.memory_space<vmem>>, vector<2048x1xi32>,
      %eq3A_58 = arith.constant 7 : i32
      %eq3A_59 = arith.cmpi eq, %sub3A_10, %eq3A_58 : i32
      %convert_element_type3A_60 = arith.extui %eq3A_59 : i1 to i32
      %cond3A_61 = arith.constant 0 : i32
      %cond3A_62 = arith.cmpi ne, %convert_element_type3A_60, %cond3A_61 : i32
      scf.if %cond3A_62 {
        %iota3A_63 = tpu.iota {dimensions = array<i32: 0>} : vector<192x64xi32>
        %mul3A_64 = arith.constant 128 : i32
        %mul3A_65 = vector.broadcast %mul3A_64 : i32 to vector<192x64xi32>
        %mul3A_66 = arith.muli %iota3A_63, %mul3A_65 : vector<192x64xi32>
        %convert_element_type3A_67 = arith.sitofp %mul3A_66 : vector<192x64xi32> to vector<192x64xf32>
        %iota3A_68 = tpu.iota {dimensions = array<i32: 1>} : vector<192x64xi32>
        %convert_element_type3A_69 = arith.sitofp %iota3A_68 : vector<192x64xi32> to vector<192x64xf32>
        %le3A = vector.broadcast %dot_general3A_23 : vector<1x64xf32> to vector<192x64xf32>
        %le3A_70 = arith.cmpf ole, %le3A, %convert_element_type3A_67 : vector<192x64xf32>
        %add3A_71 = arith.addf %dot_general3A_23, %mul3A_18 : vector<1x64xf32>
        %lt3A_72 = vector.broadcast %add3A_71 : vector<1x64xf32> to vector<192x64xf32>
        %lt3A_73 = arith.cmpf olt, %convert_element_type3A_67, %lt3A_72 : vector<192x64xf32>
        %and3A = arith.andi %le3A_70, %lt3A_73 : vector<192x64xi1>
        %convert_element_type3A_74 = arith.extui %and3A : vector<192x64xi1> to vector<192x64xi32>
        %convert_element_type3A_75 = arith.sitofp %convert_element_type3A_74 : vector<192x64xi32> to vector<192x64xf32>
        %mul3A_76 = arith.mulf %convert_element_type3A_75, %convert_element_type3A_69 : vector<192x64xf32>
        %reduce_sum3A_77 = arith.constant dense<0.000000e+00> : vector<192xf32>
        %reduce_sum3A_78 = vector.multi_reduction <add>, %mul3A_76, %reduce_sum3A_77 [1] : vector<192x64xf32> to vector<192xf32>
        %broadcast_in_dim3A_79 = vector.shape_cast %reduce_sum3A_78 : vector<192xf32> to vector<192x1xf32>
        %convert_element_type3A_80 = arith.fptosi %broadcast_in_dim3A_79 : vector<192x1xf32> to vector<192x1xi32>
        %swap3A_81 = arith.constant 0 : index
        %swap3A_82 = arith.constant 0 : index
        %swap3A_83 = vector.load %arg5[%swap3A_81, %swap3A_82] : memref<192x1xi32, #tpu.memory_space<vmem>>, vector<192x1xi32>
        tpu.vector_store %arg5[%swap3A_81, %swap3A_82], %convert_element_type3A_80 {strides = array<i32>} : memref<192x1xi32, #tpu.memory_space<vmem>>, vector<192x1xi32>,
        %sub3A_84 = vector.broadcast %dot_general3A_23 : vector<1x64xf32> to vector<192x64xf32>
        %sub3A_85 = arith.subf %convert_element_type3A_67, %sub3A_84 : vector<192x64xf32>
        %sub3A_86 = vector.broadcast %get3A_12 : vector<1x64xf32> to vector<192x64xf32>
        %sub3A_87 = arith.subf %sub3A_86, %sub3A_85 : vector<192x64xf32>
        %jit3A = arith.constant 0.000000e+00 : f32
        %jit3A_88 = arith.constant 1.280000e+02 : f32
        %max3A = vector.broadcast %jit3A : f32 to vector<192x64xf32>
        %max3A_89 = arith.maximumf %max3A, %sub3A_87 : vector<192x64xf32>
        %min3A = vector.broadcast %jit3A_88 : f32 to vector<192x64xf32>
        %min3A_90 = arith.minimumf %min3A, %max3A_89 : vector<192x64xf32>
        %mul3A_91 = arith.mulf %convert_element_type3A_75, %min3A_90 : vector<192x64xf32>
        %reduce_sum3A_92 = arith.constant dense<0.000000e+00> : vector<192xf32>
        %reduce_sum3A_93 = vector.multi_reduction <add>, %mul3A_91, %reduce_sum3A_92 [1] : vector<192x64xf32> to vector<192xf32>
        %broadcast_in_dim3A_94 = vector.shape_cast %reduce_sum3A_93 : vector<192xf32> to vector<192x1xf32>
        %convert_element_type3A_95 = arith.fptosi %broadcast_in_dim3A_94 : vector<192x1xf32> to vector<192x1xi32>
        %swap3A_96 = arith.constant 0 : index
        %swap3A_97 = arith.constant 0 : index
        %swap3A_98 = vector.load %arg6[%swap3A_96, %swap3A_97] : memref<192x1xi32, #tpu.memory_space<vmem>>, vector<192x1xi32>
        tpu.vector_store %arg6[%swap3A_96, %swap3A_97], %convert_element_type3A_95 {strides = array<i32>} : memref<192x1xi32, #tpu.memory_space<vmem>>, vector<192x1xi32>,
      } else {
      }
    } else {
    }
    return
  }
  func.func @transform_0(%arg0: i32) -> (i32, i32) {
    %jit3A = arith.constant 8 : i32
    %eq3A = arith.constant 0 : i32
    %eq3A_0 = arith.cmpi eq, %jit3A, %eq3A : i32
    %jit3A_1 = arith.constant 1 : i32
    %select_n3A = arith.select %eq3A_0, %jit3A_1, %jit3A : i32
    %rem3A = arith.remsi %arg0, %select_n3A : i32
    %ne3A = arith.constant 0 : i32
    %ne3A_2 = arith.cmpi ne, %rem3A, %ne3A : i32
    %lt3A = arith.constant 0 : i32
    %lt3A_3 = arith.cmpi slt, %rem3A, %lt3A : i32
    %lt3A_4 = arith.constant 0 : i32
    %lt3A_5 = arith.cmpi slt, %select_n3A, %lt3A_4 : i32
    %ne3A_6 = arith.xori %lt3A_3, %lt3A_5 : i1
    %and3A = arith.andi %ne3A_6, %ne3A_2 : i1
    %add3A = arith.addi %rem3A, %select_n3A : i32
    %select_n3A_7 = arith.select %and3A, %add3A, %rem3A : i32
    %c0_i32 = arith.constant 0 : i32
    %c0_i32_8 = arith.constant 0 : i32
    return %select_n3A_7, %c0_i32 : i32, i32
  }
  func.func @transform_1(%arg0: i32) -> (i32, i32) {
    %jit3A = arith.constant 8 : i32
    %eq3A = arith.constant 0 : i32
    %eq3A_0 = arith.cmpi eq, %jit3A, %eq3A : i32
    %jit3A_1 = arith.constant 1 : i32
    %select_n3A = arith.select %eq3A_0, %jit3A_1, %jit3A : i32
    %rem3A = arith.remsi %arg0, %select_n3A : i32
    %ne3A = arith.constant 0 : i32
    %ne3A_2 = arith.cmpi ne, %rem3A, %ne3A : i32
    %lt3A = arith.constant 0 : i32
    %lt3A_3 = arith.cmpi slt, %rem3A, %lt3A : i32
    %lt3A_4 = arith.constant 0 : i32
    %lt3A_5 = arith.cmpi slt, %select_n3A, %lt3A_4 : i32
    %ne3A_6 = arith.xori %lt3A_3, %lt3A_5 : i1
    %and3A = arith.andi %ne3A_6, %ne3A_2 : i1
    %add3A = arith.addi %rem3A, %select_n3A : i32
    %select_n3A_7 = arith.select %and3A, %add3A, %rem3A : i32
    %c0_i32 = arith.constant 0 : i32
    %c0_i32_8 = arith.constant 0 : i32
    return %select_n3A_7, %c0_i32 : i32, i32
  }
  func.func @transform_2(%arg0: i32) -> (i32, i32) {
    %jit3A = arith.constant 8 : i32
    %eq3A = arith.constant 0 : i32
    %eq3A_0 = arith.cmpi eq, %jit3A, %eq3A : i32
    %jit3A_1 = arith.constant 1 : i32
    %select_n3A = arith.select %eq3A_0, %jit3A_1, %jit3A : i32
    %rem3A = arith.remsi %arg0, %select_n3A : i32
    %ne3A = arith.constant 0 : i32
    %ne3A_2 = arith.cmpi ne, %rem3A, %ne3A : i32
    %lt3A = arith.constant 0 : i32
    %lt3A_3 = arith.cmpi slt, %rem3A, %lt3A : i32
    %lt3A_4 = arith.constant 0 : i32
    %lt3A_5 = arith.cmpi slt, %select_n3A, %lt3A_4 : i32
    %ne3A_6 = arith.xori %lt3A_3, %lt3A_5 : i1
    %and3A = arith.andi %ne3A_6, %ne3A_2 : i1
    %add3A = arith.addi %rem3A, %select_n3A : i32
    %select_n3A_7 = arith.select %and3A, %add3A, %rem3A : i32
    %c0_i32 = arith.constant 0 : i32
    %c0_i32_8 = arith.constant 0 : i32
    return %select_n3A_7, %c0_i32 : i32, i32
  }
  func.func @transform_3(%arg0: i32) -> (i32, i32) {
    %jit3A = arith.constant 8 : i32
    %eq3A = arith.constant 0 : i32
    %eq3A_0 = arith.cmpi eq, %jit3A, %eq3A : i32
    %jit3A_1 = arith.constant 1 : i32
    %select_n3A = arith.select %eq3A_0, %jit3A_1, %jit3A : i32
    %rem3A = arith.remsi %arg0, %select_n3A : i32
    %ne3A = arith.constant 0 : i32
    %ne3A_2 = arith.cmpi ne, %rem3A, %ne3A : i32
    %lt3A = arith.constant 0 : i32
    %lt3A_3 = arith.cmpi slt, %rem3A, %lt3A : i32
    %lt3A_4 = arith.constant 0 : i32
    %lt3A_5 = arith.cmpi slt, %select_n3A, %lt3A_4 : i32
    %ne3A_6 = arith.xori %lt3A_3, %lt3A_5 : i1
    %and3A = arith.andi %ne3A_6, %ne3A_2 : i1
    %add3A = arith.addi %rem3A, %select_n3A : i32
    %select_n3A_7 = arith.select %and3A, %add3A, %rem3A : i32
    %c0_i32 = arith.constant 0 : i32
    %c0_i32_8 = arith.constant 0 : i32
    return %select_n3A_7, %c0_i32 : i32, i32
  }
  func.func @transform_4(%arg0: i32) -> (i32, i32) {
    %c0_i32 = arith.constant 0 : i32
    %c0_i32_0 = arith.constant 0 : i32
    %c0_i32_1 = arith.constant 0 : i32
    return %c0_i32, %c0_i32_0 : i32, i32
  }
  func.func @transform_5(%arg0: i32) -> (i32, i32) {
    %c0_i32 = arith.constant 0 : i32
    %c0_i32_0 = arith.constant 0 : i32
    %c0_i32_1 = arith.constant 0 : i32
    return %c0_i32, %c0_i32_0 : i32, i32
  }
}

module attributes {stable_mosaic.version = 14 : i64} {
  func.func @_loss_body(%arg0: i32, %arg1: memref<192xi32, #tpu.memory_space<smem>>, %arg2: memref<192xi32, #tpu.memory_space<smem>>, %arg3: memref<256x128xf32, #tpu.memory_space<vmem>>, %arg4: memref<256x128xf32, #tpu.memory_space<vmem>>, %arg5: memref<256x128xf32, #tpu.memory_space<vmem>>, %arg6: memref<1x64x64xf32, #tpu.memory_space<vmem>>, %arg7: memref<1x64x64xf32, #tpu.memory_space<vmem>>, %arg8: memref<1x64x64xf32, #tpu.memory_space<vmem>>, %arg9: memref<1x64x64xf32, #tpu.memory_space<vmem>>, %arg10: memref<1x1x64xf32, #tpu.memory_space<vmem>>, %arg11: memref<1x1x64xf32, #tpu.memory_space<vmem>>, %arg12: memref<1x1x64xf32, #tpu.memory_space<vmem>>, %arg13: memref<1x1x64xf32, #tpu.memory_space<vmem>>, %arg14: memref<8x128xf32, #tpu.memory_space<vmem>>, %arg15: memref<1x1xf32, #tpu.memory_space<vmem>>) attributes {dimension_semantics = [#tpu.dimension_semantics<arbitrary>], iteration_bounds = array<i64: 48>, scalar_prefetch = 2 : i64, scratch_operands = 0 : i64, tpu.core_type = #tpu.core_type<tc>, window_params = [{transform_indices = @transform_0, window_bounds = array<i64: 256, 128>}, {transform_indices = @transform_1, window_bounds = array<i64: 256, 128>}, {transform_indices = @transform_2, window_bounds = array<i64: 256, 128>}, {transform_indices = @transform_3, window_bounds = array<i64: 1, 64, 64>}, {transform_indices = @transform_4, window_bounds = array<i64: 1, 64, 64>}, {transform_indices = @transform_5, window_bounds = array<i64: 1, 64, 64>}, {transform_indices = @transform_6, window_bounds = array<i64: 1, 64, 64>}, {transform_indices = @transform_7, window_bounds = array<i64: 1, 1, 64>}, {transform_indices = @transform_8, window_bounds = array<i64: 1, 1, 64>}, {transform_indices = @transform_9, window_bounds = array<i64: 1, 1, 64>}, {transform_indices = @transform_10, window_bounds = array<i64: 1, 1, 64>}, {pipeline_mode = #tpu.pipeline_mode<synchronous>, transform_indices = @transform_11, window_bounds = array<i64: 8, 128>}, {pipeline_mode = #tpu.pipeline_mode<synchronous>, transform_indices = @transform_12, window_bounds = array<i64: 1, 1>}]} {
    %mul3A = arith.constant 4 : i32
    %mul3A_0 = arith.muli %arg0, %mul3A : i32
    %add3A = arith.constant 0 : i32
    %add3A_1 = arith.addi %mul3A_0, %add3A : i32
    %get3A = arith.index_cast %add3A_1 : i32 to index
    %get3A_2 = memref.load %arg2[%get3A] : memref<192xi32, #tpu.memory_space<smem>>
    %get3A_3 = arith.constant 0 : index
    %get3A_4 = arith.constant 0 : index
    %get3A_5 = arith.constant 0 : index
    %get3A_6 = vector.load %arg6[%get3A_3, %get3A_4, %get3A_5] : memref<1x64x64xf32, #tpu.memory_space<vmem>>, vector<1x64x64xf32>
    %get3A_7 = vector.shape_cast %get3A_6 : vector<1x64x64xf32> to vector<64x64xf32>
    %convert_element_type3A = arith.truncf %get3A_7 : vector<64x64xf32> to vector<64x64xbf16>
    %broadcast_in_dim3A = arith.constant 0.000000e+00 : bf16
    %broadcast_in_dim3A_8 = vector.broadcast %broadcast_in_dim3A : bf16 to vector<64x64xbf16>
    %concatenate3A = tpu.concatenate %convert_element_type3A, %broadcast_in_dim3A_8 in 1 : vector<64x64xbf16>, vector<64x64xbf16> -> vector<64x128xbf16>
    %concatenate3A_9 = tpu.concatenate %broadcast_in_dim3A_8, %convert_element_type3A in 1 : vector<64x64xbf16>, vector<64x64xbf16> -> vector<64x128xbf16>
    %concatenate3A_10 = tpu.concatenate %concatenate3A, %concatenate3A_9 in 0 : vector<64x128xbf16>, vector<64x128xbf16> -> vector<128x128xbf16>
    %get3A_11 = arith.constant 0 : index
    %get3A_12 = arith.constant 0 : index
    %get3A_13 = vector.load %arg3[%get3A_11, %get3A_12] : memref<256x128xf32, #tpu.memory_space<vmem>>, vector<64x128xf32>
    %get3A_14 = arith.constant 0 : index
    %get3A_15 = arith.constant 0 : index
    %get3A_16 = vector.load %arg4[%get3A_14, %get3A_15] : memref<256x128xf32, #tpu.memory_space<vmem>>, vector<64x128xf32>
    %get3A_17 = arith.constant 0 : index
    %get3A_18 = arith.constant 0 : index
    %get3A_19 = vector.load %arg5[%get3A_17, %get3A_18] : memref<256x128xf32, #tpu.memory_space<vmem>>, vector<64x128xf32>
    %concatenate3A_20 = tpu.concatenate %get3A_13, %get3A_16, %get3A_19 in 0 : vector<64x128xf32>, vector<64x128xf32>, vector<64x128xf32> -> vector<192x128xf32>
    %convert_element_type3A_21 = arith.truncf %concatenate3A_20 : vector<192x128xf32> to vector<192x128xbf16>
    %dot_general3A = arith.constant dense<0.000000e+00> : vector<192x128xf32>
    %dot_general3A_22 = tpu.matmul %convert_element_type3A_21, %concatenate3A_10, %dot_general3A {dimension_numbers = #tpu.dot_dimension_numbers<[1], [0], [0], [1], [0, 0, 1, 1], [], []>, transpose_lhs_hint = false} : vector<192x128xbf16>, vector<128x128xbf16>, vector<192x128xf32> -> vector<192x128xf32>
    %get3A_23 = arith.constant 0 : index
    %get3A_24 = arith.constant 0 : index
    %get3A_25 = arith.constant 0 : index
    %get3A_26 = vector.load %arg10[%get3A_23, %get3A_24, %get3A_25] : memref<1x1x64xf32, #tpu.memory_space<vmem>>, vector<1x1x64xf32>
    %get3A_27 = vector.shape_cast %get3A_26 : vector<1x1x64xf32> to vector<1x64xf32>
    %concatenate3A_28 = tpu.concatenate %get3A_27, %get3A_27 in 1 : vector<1x64xf32>, vector<1x64xf32> -> vector<1x128xf32>
    %slice3A = vector.extract_strided_slice %dot_general3A_22 {offsets = [0, 0], sizes = [64, 128], strides = [1, 1]} : vector<192x128xf32> to vector<64x128xf32>
    %add3A_29 = vector.broadcast %concatenate3A_28 : vector<1x128xf32> to vector<64x128xf32>
    %add3A_30 = arith.addf %slice3A, %add3A_29 : vector<64x128xf32>
    %slice3A_31 = vector.extract_strided_slice %dot_general3A_22 {offsets = [64, 0], sizes = [64, 128], strides = [1, 1]} : vector<192x128xf32> to vector<64x128xf32>
    %sub3A = arith.subf %add3A_30, %slice3A_31 : vector<64x128xf32>
    %slice3A_32 = vector.extract_strided_slice %dot_general3A_22 {offsets = [128, 0], sizes = [64, 128], strides = [1, 1]} : vector<192x128xf32> to vector<64x128xf32>
    %sub3A_33 = arith.subf %add3A_30, %slice3A_32 : vector<64x128xf32>
    %mul3A_34 = arith.mulf %sub3A, %sub3A : vector<64x128xf32>
    %mul3A_35 = arith.mulf %sub3A_33, %sub3A_33 : vector<64x128xf32>
    %slice3A_36 = vector.extract_strided_slice %mul3A_34 {offsets = [0, 0], sizes = [64, 64], strides = [1, 1]} : vector<64x128xf32> to vector<64x64xf32>
    %reduce_sum3A = arith.constant dense<0.000000e+00> : vector<64xf32>
    %reduce_sum3A_37 = vector.multi_reduction <add>, %slice3A_36, %reduce_sum3A [1] : vector<64x64xf32> to vector<64xf32>
    %broadcast_in_dim3A_38 = vector.shape_cast %reduce_sum3A_37 : vector<64xf32> to vector<64x1xf32>
    %slice3A_39 = vector.extract_strided_slice %mul3A_34 {offsets = [0, 64], sizes = [64, 64], strides = [1, 1]} : vector<64x128xf32> to vector<64x64xf32>
    %reduce_sum3A_40 = arith.constant dense<0.000000e+00> : vector<64xf32>
    %reduce_sum3A_41 = vector.multi_reduction <add>, %slice3A_39, %reduce_sum3A_40 [1] : vector<64x64xf32> to vector<64xf32>
    %broadcast_in_dim3A_42 = vector.shape_cast %reduce_sum3A_41 : vector<64xf32> to vector<64x1xf32>
    %slice3A_43 = vector.extract_strided_slice %mul3A_35 {offsets = [0, 0], sizes = [64, 64], strides = [1, 1]} : vector<64x128xf32> to vector<64x64xf32>
    %reduce_sum3A_44 = arith.constant dense<0.000000e+00> : vector<64xf32>
    %reduce_sum3A_45 = vector.multi_reduction <add>, %slice3A_43, %reduce_sum3A_44 [1] : vector<64x64xf32> to vector<64xf32>
    %broadcast_in_dim3A_46 = vector.shape_cast %reduce_sum3A_45 : vector<64xf32> to vector<64x1xf32>
    %slice3A_47 = vector.extract_strided_slice %mul3A_35 {offsets = [0, 64], sizes = [64, 64], strides = [1, 1]} : vector<64x128xf32> to vector<64x64xf32>
    %reduce_sum3A_48 = arith.constant dense<0.000000e+00> : vector<64xf32>
    %reduce_sum3A_49 = vector.multi_reduction <add>, %slice3A_47, %reduce_sum3A_48 [1] : vector<64x64xf32> to vector<64xf32>
    %broadcast_in_dim3A_50 = vector.shape_cast %reduce_sum3A_49 : vector<64xf32> to vector<64x1xf32>
    %concatenate3A_51 = tpu.concatenate %broadcast_in_dim3A_38, %broadcast_in_dim3A_42 in 1 : vector<64x1xf32>, vector<64x1xf32> -> vector<64x2xf32>
    %concatenate3A_52 = tpu.concatenate %broadcast_in_dim3A_46, %broadcast_in_dim3A_50 in 1 : vector<64x1xf32>, vector<64x1xf32> -> vector<64x2xf32>
    %sub3A_53 = arith.subf %concatenate3A_52, %concatenate3A_51 : vector<64x2xf32>
    %min3A = arith.constant 0.000000e+00 : f32
    %min3A_54 = vector.broadcast %min3A : f32 to vector<64x2xf32>
    %min3A_55 = arith.minimumf %sub3A_53, %min3A_54 : vector<64x2xf32>
    %abs3A = math.absf %sub3A_53 : vector<64x2xf32>
    %neg3A = arith.constant 0.000000e+00 : f32
    %neg3A_56 = vector.broadcast %neg3A : f32 to vector<64x2xf32>
    %neg3A_57 = arith.subf %neg3A_56, %abs3A : vector<64x2xf32>
    %exp3A = math.exp %neg3A_57 : vector<64x2xf32>
    %add3A_58 = arith.constant 1.000000e+00 : f32
    %add3A_59 = vector.broadcast %add3A_58 : f32 to vector<64x2xf32>
    %add3A_60 = arith.addf %add3A_59, %exp3A : vector<64x2xf32>
    %log3A = math.log %add3A_60 : vector<64x2xf32>
    %sub3A_61 = arith.subf %min3A_55, %log3A : vector<64x2xf32>
    %iota3A = tpu.iota {dimensions = array<i32: 0>} : vector<64x2xi32>
    %mul3A_62 = arith.constant 2 : i32
    %mul3A_63 = vector.broadcast %mul3A_62 : i32 to vector<64x2xi32>
    %mul3A_64 = arith.muli %iota3A, %mul3A_63 : vector<64x2xi32>
    %iota3A_65 = tpu.iota {dimensions = array<i32: 1>} : vector<64x2xi32>
    %add3A_66 = arith.addi %mul3A_64, %iota3A_65 : vector<64x2xi32>
    %lt3A = vector.broadcast %get3A_2 : i32 to vector<64x2xi32>
    %lt3A_67 = arith.cmpi slt, %add3A_66, %lt3A : vector<64x2xi32>
    %broadcast_in_dim3A_68 = arith.constant 0.000000e+00 : f32
    %broadcast_in_dim3A_69 = vector.broadcast %broadcast_in_dim3A_68 : f32 to vector<64x2xf32>
    %select_n3A = arith.select %lt3A_67, %sub3A_61, %broadcast_in_dim3A_69 : vector<64x2xi1>, vector<64x2xf32>
    %reduce_sum3A_70 = vector.shape_cast %select_n3A : vector<64x2xf32> to vector<1x64x2xf32>
    %reduce_sum3A_71 = arith.constant dense<0.000000e+00> : vector<1xf32>
    %reduce_sum3A_72 = vector.multi_reduction <add>, %reduce_sum3A_70, %reduce_sum3A_71 [1, 2] : vector<1x64x2xf32> to vector<1xf32>
    %reduce_sum3A_73 = vector.shape_cast %reduce_sum3A_72 : vector<1xf32> to vector<1x1x1xf32>
    %reduce_sum3A_74 = vector.extract %reduce_sum3A_73[0, 0, 0] : f32 from vector<1x1x1xf32>
    %add3A_75 = arith.constant 0.000000e+00 : f32
    %add3A_76 = arith.addf %add3A_75, %reduce_sum3A_74 : f32
    %iota3A_77 = tpu.iota {dimensions = array<i32: 0>} : vector<64x128xi32>
    %mul3A_78 = arith.constant 2 : i32
    %mul3A_79 = vector.broadcast %mul3A_78 : i32 to vector<64x128xi32>
    %mul3A_80 = arith.muli %iota3A_77, %mul3A_79 : vector<64x128xi32>
    %iota3A_81 = tpu.iota {dimensions = array<i32: 1>} : vector<64x128xi32>
    %jit3A = arith.constant 64 : i32
    %div3A = vector.broadcast %jit3A : i32 to vector<64x128xi32>
    %div3A_82 = arith.divsi %iota3A_81, %div3A : vector<64x128xi32>
    %sign3A = arith.constant 0 : i32
    %sign3A_83 = vector.broadcast %sign3A : i32 to vector<64x128xi32>
    %sign3A_84 = arith.cmpi sgt, %iota3A_81, %sign3A_83 : vector<64x128xi32>
    %sign3A_85 = arith.extui %sign3A_84 : vector<64x128xi1> to vector<64x128xi32>
    %sign3A_86 = arith.constant 0 : i32
    %sign3A_87 = vector.broadcast %sign3A_86 : i32 to vector<64x128xi32>
    %sign3A_88 = arith.cmpi slt, %iota3A_81, %sign3A_87 : vector<64x128xi32>
    %sign3A_89 = arith.extui %sign3A_88 : vector<64x128xi1> to vector<64x128xi32>
    %sign3A_90 = arith.subi %sign3A_85, %sign3A_89 : vector<64x128xi32>
    %sign3A_91 = arith.constant 0 : i32
    %sign3A_92 = arith.cmpi sgt, %jit3A, %sign3A_91 : i32
    %sign3A_93 = arith.extui %sign3A_92 : i1 to i32
    %sign3A_94 = arith.constant 0 : i32
    %sign3A_95 = arith.cmpi slt, %jit3A, %sign3A_94 : i32
    %sign3A_96 = arith.extui %sign3A_95 : i1 to i32
    %sign3A_97 = arith.subi %sign3A_93, %sign3A_96 : i32
    %ne3A = vector.broadcast %sign3A_97 : i32 to vector<64x128xi32>
    %ne3A_98 = arith.cmpi ne, %sign3A_90, %ne3A : vector<64x128xi32>
    %rem3A = vector.broadcast %jit3A : i32 to vector<64x128xi32>
    %rem3A_99 = arith.remsi %iota3A_81, %rem3A : vector<64x128xi32>
    %ne3A_100 = arith.constant 0 : i32
    %ne3A_101 = vector.broadcast %ne3A_100 : i32 to vector<64x128xi32>
    %ne3A_102 = arith.cmpi ne, %rem3A_99, %ne3A_101 : vector<64x128xi32>
    %and3A = arith.andi %ne3A_98, %ne3A_102 : vector<64x128xi1>
    %sub3A_103 = arith.constant 1 : i32
    %sub3A_104 = vector.broadcast %sub3A_103 : i32 to vector<64x128xi32>
    %sub3A_105 = arith.subi %div3A_82, %sub3A_104 : vector<64x128xi32>
    %select_n3A_106 = arith.select %and3A, %sub3A_105, %div3A_82 : vector<64x128xi1>, vector<64x128xi32>
    %add3A_107 = arith.addi %mul3A_80, %select_n3A_106 : vector<64x128xi32>
    %lt3A_108 = vector.broadcast %get3A_2 : i32 to vector<64x128xi32>
    %lt3A_109 = arith.cmpi slt, %add3A_107, %lt3A_108 : vector<64x128xi32>
    %broadcast_in_dim3A_110 = arith.constant 0.000000e+00 : f32
    %broadcast_in_dim3A_111 = vector.broadcast %broadcast_in_dim3A_110 : f32 to vector<64x128xf32>
    %slice3A_112 = vector.extract_strided_slice %dot_general3A_22 {offsets = [0, 0], sizes = [64, 128], strides = [1, 1]} : vector<192x128xf32> to vector<64x128xf32>
    %slice3A_113 = vector.extract_strided_slice %dot_general3A_22 {offsets = [64, 0], sizes = [64, 128], strides = [1, 1]} : vector<192x128xf32> to vector<64x128xf32>
    %slice3A_114 = vector.extract_strided_slice %dot_general3A_22 {offsets = [128, 0], sizes = [64, 128], strides = [1, 1]} : vector<192x128xf32> to vector<64x128xf32>
    %mul3A_115 = arith.mulf %slice3A_112, %slice3A_112 : vector<64x128xf32>
    %select_n3A_116 = arith.select %lt3A_109, %mul3A_115, %broadcast_in_dim3A_111 : vector<64x128xi1>, vector<64x128xf32>
    %reduce_sum3A_117 = vector.shape_cast %select_n3A_116 : vector<64x128xf32> to vector<1x64x128xf32>
    %reduce_sum3A_118 = arith.constant dense<0.000000e+00> : vector<1xf32>
    %reduce_sum3A_119 = vector.multi_reduction <add>, %reduce_sum3A_117, %reduce_sum3A_118 [1, 2] : vector<1x64x128xf32> to vector<1xf32>
    %reduce_sum3A_120 = vector.shape_cast %reduce_sum3A_119 : vector<1xf32> to vector<1x1x1xf32>
    %reduce_sum3A_121 = vector.extract %reduce_sum3A_120[0, 0, 0] : f32 from vector<1x1x1xf32>
    %add3A_122 = arith.constant 0.000000e+00 : f32
    %add3A_123 = arith.addf %add3A_122, %reduce_sum3A_121 : f32
    %mul3A_124 = arith.mulf %slice3A_113, %slice3A_113 : vector<64x128xf32>
    %select_n3A_125 = arith.select %lt3A_109, %mul3A_124, %broadcast_in_dim3A_111 : vector<64x128xi1>, vector<64x128xf32>
    %reduce_sum3A_126 = vector.shape_cast %select_n3A_125 : vector<64x128xf32> to vector<1x64x128xf32>
    %reduce_sum3A_127 = arith.constant dense<0.000000e+00> : vector<1xf32>
    %reduce_sum3A_128 = vector.multi_reduction <add>, %reduce_sum3A_126, %reduce_sum3A_127 [1, 2] : vector<1x64x128xf32> to vector<1xf32>
    %reduce_sum3A_129 = vector.shape_cast %reduce_sum3A_128 : vector<1xf32> to vector<1x1x1xf32>
    %reduce_sum3A_130 = vector.extract %reduce_sum3A_129[0, 0, 0] : f32 from vector<1x1x1xf32>
    %add3A_131 = arith.constant 0.000000e+00 : f32
    %add3A_132 = arith.addf %add3A_131, %reduce_sum3A_130 : f32
    %mul3A_133 = arith.mulf %slice3A_114, %slice3A_114 : vector<64x128xf32>
    %select_n3A_134 = arith.select %lt3A_109, %mul3A_133, %broadcast_in_dim3A_111 : vector<64x128xi1>, vector<64x128xf32>
    %reduce_sum3A_135 = vector.shape_cast %select_n3A_134 : vector<64x128xf32> to vector<1x64x128xf32>
    %reduce_sum3A_136 = arith.constant dense<0.000000e+00> : vector<1xf32>
    %reduce_sum3A_137 = vector.multi_reduction <add>, %reduce_sum3A_135, %reduce_sum3A_136 [1, 2] : vector<1x64x128xf32> to vector<1xf32>
    %reduce_sum3A_138 = vector.shape_cast %reduce_sum3A_137 : vector<1xf32> to vector<1x1x1xf32>
    %reduce_sum3A_139 = vector.extract %reduce_sum3A_138[0, 0, 0] : f32 from vector<1x1x1xf32>
    %add3A_140 = arith.constant 0.000000e+00 : f32
    %add3A_141 = arith.addf %add3A_140, %reduce_sum3A_139 : f32
    %convert_element_type3A_142 = arith.sitofp %get3A_2 : i32 to f32
    %mul3A_143 = arith.mulf %get3A_27, %get3A_27 : vector<1x64xf32>
    %reduce_sum3A_144 = vector.shape_cast %mul3A_143 : vector<1x64xf32> to vector<1x1x64xf32>
    %reduce_sum3A_145 = arith.constant dense<0.000000e+00> : vector<1xf32>
    %reduce_sum3A_146 = vector.multi_reduction <add>, %reduce_sum3A_144, %reduce_sum3A_145 [1, 2] : vector<1x1x64xf32> to vector<1xf32>
    %reduce_sum3A_147 = vector.shape_cast %reduce_sum3A_146 : vector<1xf32> to vector<1x1x1xf32>
    %reduce_sum3A_148 = vector.extract %reduce_sum3A_147[0, 0, 0] : f32 from vector<1x1x1xf32>
    %mul3A_149 = arith.mulf %convert_element_type3A_142, %reduce_sum3A_148 : f32
    %add3A_150 = arith.constant 0.000000e+00 : f32
    %add3A_151 = arith.addf %add3A_150, %mul3A_149 : f32
    %mul3A_152 = arith.constant 4 : i32
    %mul3A_153 = arith.muli %arg0, %mul3A_152 : i32
    %add3A_154 = arith.constant 1 : i32
    %add3A_155 = arith.addi %mul3A_153, %add3A_154 : i32
    %get3A_156 = arith.index_cast %add3A_155 : i32 to index
    %get3A_157 = memref.load %arg2[%get3A_156] : memref<192xi32, #tpu.memory_space<smem>>
    %get3A_158 = arith.constant 0 : index
    %get3A_159 = arith.constant 0 : index
    %get3A_160 = arith.constant 0 : index
    %get3A_161 = vector.load %arg7[%get3A_158, %get3A_159, %get3A_160] : memref<1x64x64xf32, #tpu.memory_space<vmem>>, vector<1x64x64xf32>
    %get3A_162 = vector.shape_cast %get3A_161 : vector<1x64x64xf32> to vector<64x64xf32>
    %convert_element_type3A_163 = arith.truncf %get3A_162 : vector<64x64xf32> to vector<64x64xbf16>
    %broadcast_in_dim3A_164 = arith.constant 0.000000e+00 : bf16
    %broadcast_in_dim3A_165 = vector.broadcast %broadcast_in_dim3A_164 : bf16 to vector<64x64xbf16>
    %concatenate3A_166 = tpu.concatenate %convert_element_type3A_163, %broadcast_in_dim3A_165 in 1 : vector<64x64xbf16>, vector<64x64xbf16> -> vector<64x128xbf16>
    %concatenate3A_167 = tpu.concatenate %broadcast_in_dim3A_165, %convert_element_type3A_163 in 1 : vector<64x64xbf16>, vector<64x64xbf16> -> vector<64x128xbf16>
    %concatenate3A_168 = tpu.concatenate %concatenate3A_166, %concatenate3A_167 in 0 : vector<64x128xbf16>, vector<64x128xbf16> -> vector<128x128xbf16>
    %get3A_169 = arith.constant 64 : index
    %get3A_170 = arith.constant 0 : index
    %get3A_171 = vector.load %arg3[%get3A_169, %get3A_170] : memref<256x128xf32, #tpu.memory_space<vmem>>, vector<64x128xf32>
    %get3A_172 = arith.constant 64 : index
    %get3A_173 = arith.constant 0 : index
    %get3A_174 = vector.load %arg4[%get3A_172, %get3A_173] : memref<256x128xf32, #tpu.memory_space<vmem>>, vector<64x128xf32>
    %get3A_175 = arith.constant 64 : index
    %get3A_176 = arith.constant 0 : index
    %get3A_177 = vector.load %arg5[%get3A_175, %get3A_176] : memref<256x128xf32, #tpu.memory_space<vmem>>, vector<64x128xf32>
    %concatenate3A_178 = tpu.concatenate %get3A_171, %get3A_174, %get3A_177 in 0 : vector<64x128xf32>, vector<64x128xf32>, vector<64x128xf32> -> vector<192x128xf32>
    %convert_element_type3A_179 = arith.truncf %concatenate3A_178 : vector<192x128xf32> to vector<192x128xbf16>
    %dot_general3A_180 = arith.constant dense<0.000000e+00> : vector<192x128xf32>
    %dot_general3A_181 = tpu.matmul %convert_element_type3A_179, %concatenate3A_168, %dot_general3A_180 {dimension_numbers = #tpu.dot_dimension_numbers<[1], [0], [0], [1], [0, 0, 1, 1], [], []>, transpose_lhs_hint = false} : vector<192x128xbf16>, vector<128x128xbf16>, vector<192x128xf32> -> vector<192x128xf32>
    %get3A_182 = arith.constant 0 : index
    %get3A_183 = arith.constant 0 : index
    %get3A_184 = arith.constant 0 : index
    %get3A_185 = vector.load %arg11[%get3A_182, %get3A_183, %get3A_184] : memref<1x1x64xf32, #tpu.memory_space<vmem>>, vector<1x1x64xf32>
    %get3A_186 = vector.shape_cast %get3A_185 : vector<1x1x64xf32> to vector<1x64xf32>
    %concatenate3A_187 = tpu.concatenate %get3A_186, %get3A_186 in 1 : vector<1x64xf32>, vector<1x64xf32> -> vector<1x128xf32>
    %slice3A_188 = vector.extract_strided_slice %dot_general3A_181 {offsets = [0, 0], sizes = [64, 128], strides = [1, 1]} : vector<192x128xf32> to vector<64x128xf32>
    %add3A_189 = vector.broadcast %concatenate3A_187 : vector<1x128xf32> to vector<64x128xf32>
    %add3A_190 = arith.addf %slice3A_188, %add3A_189 : vector<64x128xf32>
    %slice3A_191 = vector.extract_strided_slice %dot_general3A_181 {offsets = [64, 0], sizes = [64, 128], strides = [1, 1]} : vector<192x128xf32> to vector<64x128xf32>
    %sub3A_192 = arith.subf %add3A_190, %slice3A_191 : vector<64x128xf32>
    %slice3A_193 = vector.extract_strided_slice %dot_general3A_181 {offsets = [128, 0], sizes = [64, 128], strides = [1, 1]} : vector<192x128xf32> to vector<64x128xf32>
    %sub3A_194 = arith.subf %add3A_190, %slice3A_193 : vector<64x128xf32>
    %mul3A_195 = arith.mulf %sub3A_192, %sub3A_192 : vector<64x128xf32>
    %mul3A_196 = arith.mulf %sub3A_194, %sub3A_194 : vector<64x128xf32>
    %slice3A_197 = vector.extract_strided_slice %mul3A_195 {offsets = [0, 0], sizes = [64, 64], strides = [1, 1]} : vector<64x128xf32> to vector<64x64xf32>
    %reduce_sum3A_198 = arith.constant dense<0.000000e+00> : vector<64xf32>
    %reduce_sum3A_199 = vector.multi_reduction <add>, %slice3A_197, %reduce_sum3A_198 [1] : vector<64x64xf32> to vector<64xf32>
    %broadcast_in_dim3A_200 = vector.shape_cast %reduce_sum3A_199 : vector<64xf32> to vector<64x1xf32>
    %slice3A_201 = vector.extract_strided_slice %mul3A_195 {offsets = [0, 64], sizes = [64, 64], strides = [1, 1]} : vector<64x128xf32> to vector<64x64xf32>
    %reduce_sum3A_202 = arith.constant dense<0.000000e+00> : vector<64xf32>
    %reduce_sum3A_203 = vector.multi_reduction <add>, %slice3A_201, %reduce_sum3A_202 [1] : vector<64x64xf32> to vector<64xf32>
    %broadcast_in_dim3A_204 = vector.shape_cast %reduce_sum3A_203 : vector<64xf32> to vector<64x1xf32>
    %slice3A_205 = vector.extract_strided_slice %mul3A_196 {offsets = [0, 0], sizes = [64, 64], strides = [1, 1]} : vector<64x128xf32> to vector<64x64xf32>
    %reduce_sum3A_206 = arith.constant dense<0.000000e+00> : vector<64xf32>
    %reduce_sum3A_207 = vector.multi_reduction <add>, %slice3A_205, %reduce_sum3A_206 [1] : vector<64x64xf32> to vector<64xf32>
    %broadcast_in_dim3A_208 = vector.shape_cast %reduce_sum3A_207 : vector<64xf32> to vector<64x1xf32>
    %slice3A_209 = vector.extract_strided_slice %mul3A_196 {offsets = [0, 64], sizes = [64, 64], strides = [1, 1]} : vector<64x128xf32> to vector<64x64xf32>
    %reduce_sum3A_210 = arith.constant dense<0.000000e+00> : vector<64xf32>
    %reduce_sum3A_211 = vector.multi_reduction <add>, %slice3A_209, %reduce_sum3A_210 [1] : vector<64x64xf32> to vector<64xf32>
    %broadcast_in_dim3A_212 = vector.shape_cast %reduce_sum3A_211 : vector<64xf32> to vector<64x1xf32>
    %concatenate3A_213 = tpu.concatenate %broadcast_in_dim3A_200, %broadcast_in_dim3A_204 in 1 : vector<64x1xf32>, vector<64x1xf32> -> vector<64x2xf32>
    %concatenate3A_214 = tpu.concatenate %broadcast_in_dim3A_208, %broadcast_in_dim3A_212 in 1 : vector<64x1xf32>, vector<64x1xf32> -> vector<64x2xf32>
    %sub3A_215 = arith.subf %concatenate3A_214, %concatenate3A_213 : vector<64x2xf32>
    %min3A_216 = arith.constant 0.000000e+00 : f32
    %min3A_217 = vector.broadcast %min3A_216 : f32 to vector<64x2xf32>
    %min3A_218 = arith.minimumf %sub3A_215, %min3A_217 : vector<64x2xf32>
    %abs3A_219 = math.absf %sub3A_215 : vector<64x2xf32>
    %neg3A_220 = arith.constant 0.000000e+00 : f32
    %neg3A_221 = vector.broadcast %neg3A_220 : f32 to vector<64x2xf32>
    %neg3A_222 = arith.subf %neg3A_221, %abs3A_219 : vector<64x2xf32>
    %exp3A_223 = math.exp %neg3A_222 : vector<64x2xf32>
    %add3A_224 = arith.constant 1.000000e+00 : f32
    %add3A_225 = vector.broadcast %add3A_224 : f32 to vector<64x2xf32>
    %add3A_226 = arith.addf %add3A_225, %exp3A_223 : vector<64x2xf32>
    %log3A_227 = math.log %add3A_226 : vector<64x2xf32>
    %sub3A_228 = arith.subf %min3A_218, %log3A_227 : vector<64x2xf32>
    %iota3A_229 = tpu.iota {dimensions = array<i32: 0>} : vector<64x2xi32>
    %mul3A_230 = arith.constant 2 : i32
    %mul3A_231 = vector.broadcast %mul3A_230 : i32 to vector<64x2xi32>
    %mul3A_232 = arith.muli %iota3A_229, %mul3A_231 : vector<64x2xi32>
    %iota3A_233 = tpu.iota {dimensions = array<i32: 1>} : vector<64x2xi32>
    %add3A_234 = arith.addi %mul3A_232, %iota3A_233 : vector<64x2xi32>
    %lt3A_235 = vector.broadcast %get3A_157 : i32 to vector<64x2xi32>
    %lt3A_236 = arith.cmpi slt, %add3A_234, %lt3A_235 : vector<64x2xi32>
    %broadcast_in_dim3A_237 = arith.constant 0.000000e+00 : f32
    %broadcast_in_dim3A_238 = vector.broadcast %broadcast_in_dim3A_237 : f32 to vector<64x2xf32>
    %select_n3A_239 = arith.select %lt3A_236, %sub3A_228, %broadcast_in_dim3A_238 : vector<64x2xi1>, vector<64x2xf32>
    %reduce_sum3A_240 = vector.shape_cast %select_n3A_239 : vector<64x2xf32> to vector<1x64x2xf32>
    %reduce_sum3A_241 = arith.constant dense<0.000000e+00> : vector<1xf32>
    %reduce_sum3A_242 = vector.multi_reduction <add>, %reduce_sum3A_240, %reduce_sum3A_241 [1, 2] : vector<1x64x2xf32> to vector<1xf32>
    %reduce_sum3A_243 = vector.shape_cast %reduce_sum3A_242 : vector<1xf32> to vector<1x1x1xf32>
    %reduce_sum3A_244 = vector.extract %reduce_sum3A_243[0, 0, 0] : f32 from vector<1x1x1xf32>
    %add3A_245 = arith.addf %add3A_76, %reduce_sum3A_244 : f32
    %iota3A_246 = tpu.iota {dimensions = array<i32: 0>} : vector<64x128xi32>
    %mul3A_247 = arith.constant 2 : i32
    %mul3A_248 = vector.broadcast %mul3A_247 : i32 to vector<64x128xi32>
    %mul3A_249 = arith.muli %iota3A_246, %mul3A_248 : vector<64x128xi32>
    %iota3A_250 = tpu.iota {dimensions = array<i32: 1>} : vector<64x128xi32>
    %jit3A_251 = arith.constant 64 : i32
    %div3A_252 = vector.broadcast %jit3A_251 : i32 to vector<64x128xi32>
    %div3A_253 = arith.divsi %iota3A_250, %div3A_252 : vector<64x128xi32>
    %sign3A_254 = arith.constant 0 : i32
    %sign3A_255 = vector.broadcast %sign3A_254 : i32 to vector<64x128xi32>
    %sign3A_256 = arith.cmpi sgt, %iota3A_250, %sign3A_255 : vector<64x128xi32>
    %sign3A_257 = arith.extui %sign3A_256 : vector<64x128xi1> to vector<64x128xi32>
    %sign3A_258 = arith.constant 0 : i32
    %sign3A_259 = vector.broadcast %sign3A_258 : i32 to vector<64x128xi32>
    %sign3A_260 = arith.cmpi slt, %iota3A_250, %sign3A_259 : vector<64x128xi32>
    %sign3A_261 = arith.extui %sign3A_260 : vector<64x128xi1> to vector<64x128xi32>
    %sign3A_262 = arith.subi %sign3A_257, %sign3A_261 : vector<64x128xi32>
    %sign3A_263 = arith.constant 0 : i32
    %sign3A_264 = arith.cmpi sgt, %jit3A_251, %sign3A_263 : i32
    %sign3A_265 = arith.extui %sign3A_264 : i1 to i32
    %sign3A_266 = arith.constant 0 : i32
    %sign3A_267 = arith.cmpi slt, %jit3A_251, %sign3A_266 : i32
    %sign3A_268 = arith.extui %sign3A_267 : i1 to i32
    %sign3A_269 = arith.subi %sign3A_265, %sign3A_268 : i32
    %ne3A_270 = vector.broadcast %sign3A_269 : i32 to vector<64x128xi32>
    %ne3A_271 = arith.cmpi ne, %sign3A_262, %ne3A_270 : vector<64x128xi32>
    %rem3A_272 = vector.broadcast %jit3A_251 : i32 to vector<64x128xi32>
    %rem3A_273 = arith.remsi %iota3A_250, %rem3A_272 : vector<64x128xi32>
    %ne3A_274 = arith.constant 0 : i32
    %ne3A_275 = vector.broadcast %ne3A_274 : i32 to vector<64x128xi32>
    %ne3A_276 = arith.cmpi ne, %rem3A_273, %ne3A_275 : vector<64x128xi32>
    %and3A_277 = arith.andi %ne3A_271, %ne3A_276 : vector<64x128xi1>
    %sub3A_278 = arith.constant 1 : i32
    %sub3A_279 = vector.broadcast %sub3A_278 : i32 to vector<64x128xi32>
    %sub3A_280 = arith.subi %div3A_253, %sub3A_279 : vector<64x128xi32>
    %select_n3A_281 = arith.select %and3A_277, %sub3A_280, %div3A_253 : vector<64x128xi1>, vector<64x128xi32>
    %add3A_282 = arith.addi %mul3A_249, %select_n3A_281 : vector<64x128xi32>
    %lt3A_283 = vector.broadcast %get3A_157 : i32 to vector<64x128xi32>
    %lt3A_284 = arith.cmpi slt, %add3A_282, %lt3A_283 : vector<64x128xi32>
    %broadcast_in_dim3A_285 = arith.constant 0.000000e+00 : f32
    %broadcast_in_dim3A_286 = vector.broadcast %broadcast_in_dim3A_285 : f32 to vector<64x128xf32>
    %slice3A_287 = vector.extract_strided_slice %dot_general3A_181 {offsets = [0, 0], sizes = [64, 128], strides = [1, 1]} : vector<192x128xf32> to vector<64x128xf32>
    %slice3A_288 = vector.extract_strided_slice %dot_general3A_181 {offsets = [64, 0], sizes = [64, 128], strides = [1, 1]} : vector<192x128xf32> to vector<64x128xf32>
    %slice3A_289 = vector.extract_strided_slice %dot_general3A_181 {offsets = [128, 0], sizes = [64, 128], strides = [1, 1]} : vector<192x128xf32> to vector<64x128xf32>
    %mul3A_290 = arith.mulf %slice3A_287, %slice3A_287 : vector<64x128xf32>
    %select_n3A_291 = arith.select %lt3A_284, %mul3A_290, %broadcast_in_dim3A_286 : vector<64x128xi1>, vector<64x128xf32>
    %reduce_sum3A_292 = vector.shape_cast %select_n3A_291 : vector<64x128xf32> to vector<1x64x128xf32>
    %reduce_sum3A_293 = arith.constant dense<0.000000e+00> : vector<1xf32>
    %reduce_sum3A_294 = vector.multi_reduction <add>, %reduce_sum3A_292, %reduce_sum3A_293 [1, 2] : vector<1x64x128xf32> to vector<1xf32>
    %reduce_sum3A_295 = vector.shape_cast %reduce_sum3A_294 : vector<1xf32> to vector<1x1x1xf32>
    %reduce_sum3A_296 = vector.extract %reduce_sum3A_295[0, 0, 0] : f32 from vector<1x1x1xf32>
    %add3A_297 = arith.addf %add3A_123, %reduce_sum3A_296 : f32
    %mul3A_298 = arith.mulf %slice3A_288, %slice3A_288 : vector<64x128xf32>
    %select_n3A_299 = arith.select %lt3A_284, %mul3A_298, %broadcast_in_dim3A_286 : vector<64x128xi1>, vector<64x128xf32>
    %reduce_sum3A_300 = vector.shape_cast %select_n3A_299 : vector<64x128xf32> to vector<1x64x128xf32>
    %reduce_sum3A_301 = arith.constant dense<0.000000e+00> : vector<1xf32>
    %reduce_sum3A_302 = vector.multi_reduction <add>, %reduce_sum3A_300, %reduce_sum3A_301 [1, 2] : vector<1x64x128xf32> to vector<1xf32>
    %reduce_sum3A_303 = vector.shape_cast %reduce_sum3A_302 : vector<1xf32> to vector<1x1x1xf32>
    %reduce_sum3A_304 = vector.extract %reduce_sum3A_303[0, 0, 0] : f32 from vector<1x1x1xf32>
    %add3A_305 = arith.addf %add3A_132, %reduce_sum3A_304 : f32
    %mul3A_306 = arith.mulf %slice3A_289, %slice3A_289 : vector<64x128xf32>
    %select_n3A_307 = arith.select %lt3A_284, %mul3A_306, %broadcast_in_dim3A_286 : vector<64x128xi1>, vector<64x128xf32>
    %reduce_sum3A_308 = vector.shape_cast %select_n3A_307 : vector<64x128xf32> to vector<1x64x128xf32>
    %reduce_sum3A_309 = arith.constant dense<0.000000e+00> : vector<1xf32>
    %reduce_sum3A_310 = vector.multi_reduction <add>, %reduce_sum3A_308, %reduce_sum3A_309 [1, 2] : vector<1x64x128xf32> to vector<1xf32>
    %reduce_sum3A_311 = vector.shape_cast %reduce_sum3A_310 : vector<1xf32> to vector<1x1x1xf32>
    %reduce_sum3A_312 = vector.extract %reduce_sum3A_311[0, 0, 0] : f32 from vector<1x1x1xf32>
    %add3A_313 = arith.addf %add3A_141, %reduce_sum3A_312 : f32
    %convert_element_type3A_314 = arith.sitofp %get3A_157 : i32 to f32
    %mul3A_315 = arith.mulf %get3A_186, %get3A_186 : vector<1x64xf32>
    %reduce_sum3A_316 = vector.shape_cast %mul3A_315 : vector<1x64xf32> to vector<1x1x64xf32>
    %reduce_sum3A_317 = arith.constant dense<0.000000e+00> : vector<1xf32>
    %reduce_sum3A_318 = vector.multi_reduction <add>, %reduce_sum3A_316, %reduce_sum3A_317 [1, 2] : vector<1x1x64xf32> to vector<1xf32>
    %reduce_sum3A_319 = vector.shape_cast %reduce_sum3A_318 : vector<1xf32> to vector<1x1x1xf32>
    %reduce_sum3A_320 = vector.extract %reduce_sum3A_319[0, 0, 0] : f32 from vector<1x1x1xf32>
    %mul3A_321 = arith.mulf %convert_element_type3A_314, %reduce_sum3A_320 : f32
    %add3A_322 = arith.addf %add3A_151, %mul3A_321 : f32
    %mul3A_323 = arith.constant 4 : i32
    %mul3A_324 = arith.muli %arg0, %mul3A_323 : i32
    %add3A_325 = arith.constant 2 : i32
    %add3A_326 = arith.addi %mul3A_324, %add3A_325 : i32
    %get3A_327 = arith.index_cast %add3A_326 : i32 to index
    %get3A_328 = memref.load %arg2[%get3A_327] : memref<192xi32, #tpu.memory_space<smem>>
    %get3A_329 = arith.constant 0 : index
    %get3A_330 = arith.constant 0 : index
    %get3A_331 = arith.constant 0 : index
    %get3A_332 = vector.load %arg8[%get3A_329, %get3A_330, %get3A_331] : memref<1x64x64xf32, #tpu.memory_space<vmem>>, vector<1x64x64xf32>
    %get3A_333 = vector.shape_cast %get3A_332 : vector<1x64x64xf32> to vector<64x64xf32>
    %convert_element_type3A_334 = arith.truncf %get3A_333 : vector<64x64xf32> to vector<64x64xbf16>
    %broadcast_in_dim3A_335 = arith.constant 0.000000e+00 : bf16
    %broadcast_in_dim3A_336 = vector.broadcast %broadcast_in_dim3A_335 : bf16 to vector<64x64xbf16>
    %concatenate3A_337 = tpu.concatenate %convert_element_type3A_334, %broadcast_in_dim3A_336 in 1 : vector<64x64xbf16>, vector<64x64xbf16> -> vector<64x128xbf16>
    %concatenate3A_338 = tpu.concatenate %broadcast_in_dim3A_336, %convert_element_type3A_334 in 1 : vector<64x64xbf16>, vector<64x64xbf16> -> vector<64x128xbf16>
    %concatenate3A_339 = tpu.concatenate %concatenate3A_337, %concatenate3A_338 in 0 : vector<64x128xbf16>, vector<64x128xbf16> -> vector<128x128xbf16>
    %get3A_340 = arith.constant 128 : index
    %get3A_341 = arith.constant 0 : index
    %get3A_342 = vector.load %arg3[%get3A_340, %get3A_341] : memref<256x128xf32, #tpu.memory_space<vmem>>, vector<64x128xf32>
    %get3A_343 = arith.constant 128 : index
    %get3A_344 = arith.constant 0 : index
    %get3A_345 = vector.load %arg4[%get3A_343, %get3A_344] : memref<256x128xf32, #tpu.memory_space<vmem>>, vector<64x128xf32>
    %get3A_346 = arith.constant 128 : index
    %get3A_347 = arith.constant 0 : index
    %get3A_348 = vector.load %arg5[%get3A_346, %get3A_347] : memref<256x128xf32, #tpu.memory_space<vmem>>, vector<64x128xf32>
    %concatenate3A_349 = tpu.concatenate %get3A_342, %get3A_345, %get3A_348 in 0 : vector<64x128xf32>, vector<64x128xf32>, vector<64x128xf32> -> vector<192x128xf32>
    %convert_element_type3A_350 = arith.truncf %concatenate3A_349 : vector<192x128xf32> to vector<192x128xbf16>
    %dot_general3A_351 = arith.constant dense<0.000000e+00> : vector<192x128xf32>
    %dot_general3A_352 = tpu.matmul %convert_element_type3A_350, %concatenate3A_339, %dot_general3A_351 {dimension_numbers = #tpu.dot_dimension_numbers<[1], [0], [0], [1], [0, 0, 1, 1], [], []>, transpose_lhs_hint = false} : vector<192x128xbf16>, vector<128x128xbf16>, vector<192x128xf32> -> vector<192x128xf32>
    %get3A_353 = arith.constant 0 : index
    %get3A_354 = arith.constant 0 : index
    %get3A_355 = arith.constant 0 : index
    %get3A_356 = vector.load %arg12[%get3A_353, %get3A_354, %get3A_355] : memref<1x1x64xf32, #tpu.memory_space<vmem>>, vector<1x1x64xf32>
    %get3A_357 = vector.shape_cast %get3A_356 : vector<1x1x64xf32> to vector<1x64xf32>
    %concatenate3A_358 = tpu.concatenate %get3A_357, %get3A_357 in 1 : vector<1x64xf32>, vector<1x64xf32> -> vector<1x128xf32>
    %slice3A_359 = vector.extract_strided_slice %dot_general3A_352 {offsets = [0, 0], sizes = [64, 128], strides = [1, 1]} : vector<192x128xf32> to vector<64x128xf32>
    %add3A_360 = vector.broadcast %concatenate3A_358 : vector<1x128xf32> to vector<64x128xf32>
    %add3A_361 = arith.addf %slice3A_359, %add3A_360 : vector<64x128xf32>
    %slice3A_362 = vector.extract_strided_slice %dot_general3A_352 {offsets = [64, 0], sizes = [64, 128], strides = [1, 1]} : vector<192x128xf32> to vector<64x128xf32>
    %sub3A_363 = arith.subf %add3A_361, %slice3A_362 : vector<64x128xf32>
    %slice3A_364 = vector.extract_strided_slice %dot_general3A_352 {offsets = [128, 0], sizes = [64, 128], strides = [1, 1]} : vector<192x128xf32> to vector<64x128xf32>
    %sub3A_365 = arith.subf %add3A_361, %slice3A_364 : vector<64x128xf32>
    %mul3A_366 = arith.mulf %sub3A_363, %sub3A_363 : vector<64x128xf32>
    %mul3A_367 = arith.mulf %sub3A_365, %sub3A_365 : vector<64x128xf32>
    %slice3A_368 = vector.extract_strided_slice %mul3A_366 {offsets = [0, 0], sizes = [64, 64], strides = [1, 1]} : vector<64x128xf32> to vector<64x64xf32>
    %reduce_sum3A_369 = arith.constant dense<0.000000e+00> : vector<64xf32>
    %reduce_sum3A_370 = vector.multi_reduction <add>, %slice3A_368, %reduce_sum3A_369 [1] : vector<64x64xf32> to vector<64xf32>
    %broadcast_in_dim3A_371 = vector.shape_cast %reduce_sum3A_370 : vector<64xf32> to vector<64x1xf32>
    %slice3A_372 = vector.extract_strided_slice %mul3A_366 {offsets = [0, 64], sizes = [64, 64], strides = [1, 1]} : vector<64x128xf32> to vector<64x64xf32>
    %reduce_sum3A_373 = arith.constant dense<0.000000e+00> : vector<64xf32>
    %reduce_sum3A_374 = vector.multi_reduction <add>, %slice3A_372, %reduce_sum3A_373 [1] : vector<64x64xf32> to vector<64xf32>
    %broadcast_in_dim3A_375 = vector.shape_cast %reduce_sum3A_374 : vector<64xf32> to vector<64x1xf32>
    %slice3A_376 = vector.extract_strided_slice %mul3A_367 {offsets = [0, 0], sizes = [64, 64], strides = [1, 1]} : vector<64x128xf32> to vector<64x64xf32>
    %reduce_sum3A_377 = arith.constant dense<0.000000e+00> : vector<64xf32>
    %reduce_sum3A_378 = vector.multi_reduction <add>, %slice3A_376, %reduce_sum3A_377 [1] : vector<64x64xf32> to vector<64xf32>
    %broadcast_in_dim3A_379 = vector.shape_cast %reduce_sum3A_378 : vector<64xf32> to vector<64x1xf32>
    %slice3A_380 = vector.extract_strided_slice %mul3A_367 {offsets = [0, 64], sizes = [64, 64], strides = [1, 1]} : vector<64x128xf32> to vector<64x64xf32>
    %reduce_sum3A_381 = arith.constant dense<0.000000e+00> : vector<64xf32>
    %reduce_sum3A_382 = vector.multi_reduction <add>, %slice3A_380, %reduce_sum3A_381 [1] : vector<64x64xf32> to vector<64xf32>
    %broadcast_in_dim3A_383 = vector.shape_cast %reduce_sum3A_382 : vector<64xf32> to vector<64x1xf32>
    %concatenate3A_384 = tpu.concatenate %broadcast_in_dim3A_371, %broadcast_in_dim3A_375 in 1 : vector<64x1xf32>, vector<64x1xf32> -> vector<64x2xf32>
    %concatenate3A_385 = tpu.concatenate %broadcast_in_dim3A_379, %broadcast_in_dim3A_383 in 1 : vector<64x1xf32>, vector<64x1xf32> -> vector<64x2xf32>
    %sub3A_386 = arith.subf %concatenate3A_385, %concatenate3A_384 : vector<64x2xf32>
    %min3A_387 = arith.constant 0.000000e+00 : f32
    %min3A_388 = vector.broadcast %min3A_387 : f32 to vector<64x2xf32>
    %min3A_389 = arith.minimumf %sub3A_386, %min3A_388 : vector<64x2xf32>
    %abs3A_390 = math.absf %sub3A_386 : vector<64x2xf32>
    %neg3A_391 = arith.constant 0.000000e+00 : f32
    %neg3A_392 = vector.broadcast %neg3A_391 : f32 to vector<64x2xf32>
    %neg3A_393 = arith.subf %neg3A_392, %abs3A_390 : vector<64x2xf32>
    %exp3A_394 = math.exp %neg3A_393 : vector<64x2xf32>
    %add3A_395 = arith.constant 1.000000e+00 : f32
    %add3A_396 = vector.broadcast %add3A_395 : f32 to vector<64x2xf32>
    %add3A_397 = arith.addf %add3A_396, %exp3A_394 : vector<64x2xf32>
    %log3A_398 = math.log %add3A_397 : vector<64x2xf32>
    %sub3A_399 = arith.subf %min3A_389, %log3A_398 : vector<64x2xf32>
    %iota3A_400 = tpu.iota {dimensions = array<i32: 0>} : vector<64x2xi32>
    %mul3A_401 = arith.constant 2 : i32
    %mul3A_402 = vector.broadcast %mul3A_401 : i32 to vector<64x2xi32>
    %mul3A_403 = arith.muli %iota3A_400, %mul3A_402 : vector<64x2xi32>
    %iota3A_404 = tpu.iota {dimensions = array<i32: 1>} : vector<64x2xi32>
    %add3A_405 = arith.addi %mul3A_403, %iota3A_404 : vector<64x2xi32>
    %lt3A_406 = vector.broadcast %get3A_328 : i32 to vector<64x2xi32>
    %lt3A_407 = arith.cmpi slt, %add3A_405, %lt3A_406 : vector<64x2xi32>
    %broadcast_in_dim3A_408 = arith.constant 0.000000e+00 : f32
    %broadcast_in_dim3A_409 = vector.broadcast %broadcast_in_dim3A_408 : f32 to vector<64x2xf32>
    %select_n3A_410 = arith.select %lt3A_407, %sub3A_399, %broadcast_in_dim3A_409 : vector<64x2xi1>, vector<64x2xf32>
    %reduce_sum3A_411 = vector.shape_cast %select_n3A_410 : vector<64x2xf32> to vector<1x64x2xf32>
    %reduce_sum3A_412 = arith.constant dense<0.000000e+00> : vector<1xf32>
    %reduce_sum3A_413 = vector.multi_reduction <add>, %reduce_sum3A_411, %reduce_sum3A_412 [1, 2] : vector<1x64x2xf32> to vector<1xf32>
    %reduce_sum3A_414 = vector.shape_cast %reduce_sum3A_413 : vector<1xf32> to vector<1x1x1xf32>
    %reduce_sum3A_415 = vector.extract %reduce_sum3A_414[0, 0, 0] : f32 from vector<1x1x1xf32>
    %add3A_416 = arith.addf %add3A_245, %reduce_sum3A_415 : f32
    %iota3A_417 = tpu.iota {dimensions = array<i32: 0>} : vector<64x128xi32>
    %mul3A_418 = arith.constant 2 : i32
    %mul3A_419 = vector.broadcast %mul3A_418 : i32 to vector<64x128xi32>
    %mul3A_420 = arith.muli %iota3A_417, %mul3A_419 : vector<64x128xi32>
    %iota3A_421 = tpu.iota {dimensions = array<i32: 1>} : vector<64x128xi32>
    %jit3A_422 = arith.constant 64 : i32
    %div3A_423 = vector.broadcast %jit3A_422 : i32 to vector<64x128xi32>
    %div3A_424 = arith.divsi %iota3A_421, %div3A_423 : vector<64x128xi32>
    %sign3A_425 = arith.constant 0 : i32
    %sign3A_426 = vector.broadcast %sign3A_425 : i32 to vector<64x128xi32>
    %sign3A_427 = arith.cmpi sgt, %iota3A_421, %sign3A_426 : vector<64x128xi32>
    %sign3A_428 = arith.extui %sign3A_427 : vector<64x128xi1> to vector<64x128xi32>
    %sign3A_429 = arith.constant 0 : i32
    %sign3A_430 = vector.broadcast %sign3A_429 : i32 to vector<64x128xi32>
    %sign3A_431 = arith.cmpi slt, %iota3A_421, %sign3A_430 : vector<64x128xi32>
    %sign3A_432 = arith.extui %sign3A_431 : vector<64x128xi1> to vector<64x128xi32>
    %sign3A_433 = arith.subi %sign3A_428, %sign3A_432 : vector<64x128xi32>
    %sign3A_434 = arith.constant 0 : i32
    %sign3A_435 = arith.cmpi sgt, %jit3A_422, %sign3A_434 : i32
    %sign3A_436 = arith.extui %sign3A_435 : i1 to i32
    %sign3A_437 = arith.constant 0 : i32
    %sign3A_438 = arith.cmpi slt, %jit3A_422, %sign3A_437 : i32
    %sign3A_439 = arith.extui %sign3A_438 : i1 to i32
    %sign3A_440 = arith.subi %sign3A_436, %sign3A_439 : i32
    %ne3A_441 = vector.broadcast %sign3A_440 : i32 to vector<64x128xi32>
    %ne3A_442 = arith.cmpi ne, %sign3A_433, %ne3A_441 : vector<64x128xi32>
    %rem3A_443 = vector.broadcast %jit3A_422 : i32 to vector<64x128xi32>
    %rem3A_444 = arith.remsi %iota3A_421, %rem3A_443 : vector<64x128xi32>
    %ne3A_445 = arith.constant 0 : i32
    %ne3A_446 = vector.broadcast %ne3A_445 : i32 to vector<64x128xi32>
    %ne3A_447 = arith.cmpi ne, %rem3A_444, %ne3A_446 : vector<64x128xi32>
    %and3A_448 = arith.andi %ne3A_442, %ne3A_447 : vector<64x128xi1>
    %sub3A_449 = arith.constant 1 : i32
    %sub3A_450 = vector.broadcast %sub3A_449 : i32 to vector<64x128xi32>
    %sub3A_451 = arith.subi %div3A_424, %sub3A_450 : vector<64x128xi32>
    %select_n3A_452 = arith.select %and3A_448, %sub3A_451, %div3A_424 : vector<64x128xi1>, vector<64x128xi32>
    %add3A_453 = arith.addi %mul3A_420, %select_n3A_452 : vector<64x128xi32>
    %lt3A_454 = vector.broadcast %get3A_328 : i32 to vector<64x128xi32>
    %lt3A_455 = arith.cmpi slt, %add3A_453, %lt3A_454 : vector<64x128xi32>
    %broadcast_in_dim3A_456 = arith.constant 0.000000e+00 : f32
    %broadcast_in_dim3A_457 = vector.broadcast %broadcast_in_dim3A_456 : f32 to vector<64x128xf32>
    %slice3A_458 = vector.extract_strided_slice %dot_general3A_352 {offsets = [0, 0], sizes = [64, 128], strides = [1, 1]} : vector<192x128xf32> to vector<64x128xf32>
    %slice3A_459 = vector.extract_strided_slice %dot_general3A_352 {offsets = [64, 0], sizes = [64, 128], strides = [1, 1]} : vector<192x128xf32> to vector<64x128xf32>
    %slice3A_460 = vector.extract_strided_slice %dot_general3A_352 {offsets = [128, 0], sizes = [64, 128], strides = [1, 1]} : vector<192x128xf32> to vector<64x128xf32>
    %mul3A_461 = arith.mulf %slice3A_458, %slice3A_458 : vector<64x128xf32>
    %select_n3A_462 = arith.select %lt3A_455, %mul3A_461, %broadcast_in_dim3A_457 : vector<64x128xi1>, vector<64x128xf32>
    %reduce_sum3A_463 = vector.shape_cast %select_n3A_462 : vector<64x128xf32> to vector<1x64x128xf32>
    %reduce_sum3A_464 = arith.constant dense<0.000000e+00> : vector<1xf32>
    %reduce_sum3A_465 = vector.multi_reduction <add>, %reduce_sum3A_463, %reduce_sum3A_464 [1, 2] : vector<1x64x128xf32> to vector<1xf32>
    %reduce_sum3A_466 = vector.shape_cast %reduce_sum3A_465 : vector<1xf32> to vector<1x1x1xf32>
    %reduce_sum3A_467 = vector.extract %reduce_sum3A_466[0, 0, 0] : f32 from vector<1x1x1xf32>
    %add3A_468 = arith.addf %add3A_297, %reduce_sum3A_467 : f32
    %mul3A_469 = arith.mulf %slice3A_459, %slice3A_459 : vector<64x128xf32>
    %select_n3A_470 = arith.select %lt3A_455, %mul3A_469, %broadcast_in_dim3A_457 : vector<64x128xi1>, vector<64x128xf32>
    %reduce_sum3A_471 = vector.shape_cast %select_n3A_470 : vector<64x128xf32> to vector<1x64x128xf32>
    %reduce_sum3A_472 = arith.constant dense<0.000000e+00> : vector<1xf32>
    %reduce_sum3A_473 = vector.multi_reduction <add>, %reduce_sum3A_471, %reduce_sum3A_472 [1, 2] : vector<1x64x128xf32> to vector<1xf32>
    %reduce_sum3A_474 = vector.shape_cast %reduce_sum3A_473 : vector<1xf32> to vector<1x1x1xf32>
    %reduce_sum3A_475 = vector.extract %reduce_sum3A_474[0, 0, 0] : f32 from vector<1x1x1xf32>
    %add3A_476 = arith.addf %add3A_305, %reduce_sum3A_475 : f32
    %mul3A_477 = arith.mulf %slice3A_460, %slice3A_460 : vector<64x128xf32>
    %select_n3A_478 = arith.select %lt3A_455, %mul3A_477, %broadcast_in_dim3A_457 : vector<64x128xi1>, vector<64x128xf32>
    %reduce_sum3A_479 = vector.shape_cast %select_n3A_478 : vector<64x128xf32> to vector<1x64x128xf32>
    %reduce_sum3A_480 = arith.constant dense<0.000000e+00> : vector<1xf32>
    %reduce_sum3A_481 = vector.multi_reduction <add>, %reduce_sum3A_479, %reduce_sum3A_480 [1, 2] : vector<1x64x128xf32> to vector<1xf32>
    %reduce_sum3A_482 = vector.shape_cast %reduce_sum3A_481 : vector<1xf32> to vector<1x1x1xf32>
    %reduce_sum3A_483 = vector.extract %reduce_sum3A_482[0, 0, 0] : f32 from vector<1x1x1xf32>
    %add3A_484 = arith.addf %add3A_313, %reduce_sum3A_483 : f32
    %convert_element_type3A_485 = arith.sitofp %get3A_328 : i32 to f32
    %mul3A_486 = arith.mulf %get3A_357, %get3A_357 : vector<1x64xf32>
    %reduce_sum3A_487 = vector.shape_cast %mul3A_486 : vector<1x64xf32> to vector<1x1x64xf32>
    %reduce_sum3A_488 = arith.constant dense<0.000000e+00> : vector<1xf32>
    %reduce_sum3A_489 = vector.multi_reduction <add>, %reduce_sum3A_487, %reduce_sum3A_488 [1, 2] : vector<1x1x64xf32> to vector<1xf32>
    %reduce_sum3A_490 = vector.shape_cast %reduce_sum3A_489 : vector<1xf32> to vector<1x1x1xf32>
    %reduce_sum3A_491 = vector.extract %reduce_sum3A_490[0, 0, 0] : f32 from vector<1x1x1xf32>
    %mul3A_492 = arith.mulf %convert_element_type3A_485, %reduce_sum3A_491 : f32
    %add3A_493 = arith.addf %add3A_322, %mul3A_492 : f32
    %mul3A_494 = arith.constant 4 : i32
    %mul3A_495 = arith.muli %arg0, %mul3A_494 : i32
    %add3A_496 = arith.constant 3 : i32
    %add3A_497 = arith.addi %mul3A_495, %add3A_496 : i32
    %get3A_498 = arith.index_cast %add3A_497 : i32 to index
    %get3A_499 = memref.load %arg2[%get3A_498] : memref<192xi32, #tpu.memory_space<smem>>
    %get3A_500 = arith.constant 0 : index
    %get3A_501 = arith.constant 0 : index
    %get3A_502 = arith.constant 0 : index
    %get3A_503 = vector.load %arg9[%get3A_500, %get3A_501, %get3A_502] : memref<1x64x64xf32, #tpu.memory_space<vmem>>, vector<1x64x64xf32>
    %get3A_504 = vector.shape_cast %get3A_503 : vector<1x64x64xf32> to vector<64x64xf32>
    %convert_element_type3A_505 = arith.truncf %get3A_504 : vector<64x64xf32> to vector<64x64xbf16>
    %broadcast_in_dim3A_506 = arith.constant 0.000000e+00 : bf16
    %broadcast_in_dim3A_507 = vector.broadcast %broadcast_in_dim3A_506 : bf16 to vector<64x64xbf16>
    %concatenate3A_508 = tpu.concatenate %convert_element_type3A_505, %broadcast_in_dim3A_507 in 1 : vector<64x64xbf16>, vector<64x64xbf16> -> vector<64x128xbf16>
    %concatenate3A_509 = tpu.concatenate %broadcast_in_dim3A_507, %convert_element_type3A_505 in 1 : vector<64x64xbf16>, vector<64x64xbf16> -> vector<64x128xbf16>
    %concatenate3A_510 = tpu.concatenate %concatenate3A_508, %concatenate3A_509 in 0 : vector<64x128xbf16>, vector<64x128xbf16> -> vector<128x128xbf16>
    %get3A_511 = arith.constant 192 : index
    %get3A_512 = arith.constant 0 : index
    %get3A_513 = vector.load %arg3[%get3A_511, %get3A_512] : memref<256x128xf32, #tpu.memory_space<vmem>>, vector<64x128xf32>
    %get3A_514 = arith.constant 192 : index
    %get3A_515 = arith.constant 0 : index
    %get3A_516 = vector.load %arg4[%get3A_514, %get3A_515] : memref<256x128xf32, #tpu.memory_space<vmem>>, vector<64x128xf32>
    %get3A_517 = arith.constant 192 : index
    %get3A_518 = arith.constant 0 : index
    %get3A_519 = vector.load %arg5[%get3A_517, %get3A_518] : memref<256x128xf32, #tpu.memory_space<vmem>>, vector<64x128xf32>
    %concatenate3A_520 = tpu.concatenate %get3A_513, %get3A_516, %get3A_519 in 0 : vector<64x128xf32>, vector<64x128xf32>, vector<64x128xf32> -> vector<192x128xf32>
    %convert_element_type3A_521 = arith.truncf %concatenate3A_520 : vector<192x128xf32> to vector<192x128xbf16>
    %dot_general3A_522 = arith.constant dense<0.000000e+00> : vector<192x128xf32>
    %dot_general3A_523 = tpu.matmul %convert_element_type3A_521, %concatenate3A_510, %dot_general3A_522 {dimension_numbers = #tpu.dot_dimension_numbers<[1], [0], [0], [1], [0, 0, 1, 1], [], []>, transpose_lhs_hint = false} : vector<192x128xbf16>, vector<128x128xbf16>, vector<192x128xf32> -> vector<192x128xf32>
    %get3A_524 = arith.constant 0 : index
    %get3A_525 = arith.constant 0 : index
    %get3A_526 = arith.constant 0 : index
    %get3A_527 = vector.load %arg13[%get3A_524, %get3A_525, %get3A_526] : memref<1x1x64xf32, #tpu.memory_space<vmem>>, vector<1x1x64xf32>
    %get3A_528 = vector.shape_cast %get3A_527 : vector<1x1x64xf32> to vector<1x64xf32>
    %concatenate3A_529 = tpu.concatenate %get3A_528, %get3A_528 in 1 : vector<1x64xf32>, vector<1x64xf32> -> vector<1x128xf32>
    %slice3A_530 = vector.extract_strided_slice %dot_general3A_523 {offsets = [0, 0], sizes = [64, 128], strides = [1, 1]} : vector<192x128xf32> to vector<64x128xf32>
    %add3A_531 = vector.broadcast %concatenate3A_529 : vector<1x128xf32> to vector<64x128xf32>
    %add3A_532 = arith.addf %slice3A_530, %add3A_531 : vector<64x128xf32>
    %slice3A_533 = vector.extract_strided_slice %dot_general3A_523 {offsets = [64, 0], sizes = [64, 128], strides = [1, 1]} : vector<192x128xf32> to vector<64x128xf32>
    %sub3A_534 = arith.subf %add3A_532, %slice3A_533 : vector<64x128xf32>
    %slice3A_535 = vector.extract_strided_slice %dot_general3A_523 {offsets = [128, 0], sizes = [64, 128], strides = [1, 1]} : vector<192x128xf32> to vector<64x128xf32>
    %sub3A_536 = arith.subf %add3A_532, %slice3A_535 : vector<64x128xf32>
    %mul3A_537 = arith.mulf %sub3A_534, %sub3A_534 : vector<64x128xf32>
    %mul3A_538 = arith.mulf %sub3A_536, %sub3A_536 : vector<64x128xf32>
    %slice3A_539 = vector.extract_strided_slice %mul3A_537 {offsets = [0, 0], sizes = [64, 64], strides = [1, 1]} : vector<64x128xf32> to vector<64x64xf32>
    %reduce_sum3A_540 = arith.constant dense<0.000000e+00> : vector<64xf32>
    %reduce_sum3A_541 = vector.multi_reduction <add>, %slice3A_539, %reduce_sum3A_540 [1] : vector<64x64xf32> to vector<64xf32>
    %broadcast_in_dim3A_542 = vector.shape_cast %reduce_sum3A_541 : vector<64xf32> to vector<64x1xf32>
    %slice3A_543 = vector.extract_strided_slice %mul3A_537 {offsets = [0, 64], sizes = [64, 64], strides = [1, 1]} : vector<64x128xf32> to vector<64x64xf32>
    %reduce_sum3A_544 = arith.constant dense<0.000000e+00> : vector<64xf32>
    %reduce_sum3A_545 = vector.multi_reduction <add>, %slice3A_543, %reduce_sum3A_544 [1] : vector<64x64xf32> to vector<64xf32>
    %broadcast_in_dim3A_546 = vector.shape_cast %reduce_sum3A_545 : vector<64xf32> to vector<64x1xf32>
    %slice3A_547 = vector.extract_strided_slice %mul3A_538 {offsets = [0, 0], sizes = [64, 64], strides = [1, 1]} : vector<64x128xf32> to vector<64x64xf32>
    %reduce_sum3A_548 = arith.constant dense<0.000000e+00> : vector<64xf32>
    %reduce_sum3A_549 = vector.multi_reduction <add>, %slice3A_547, %reduce_sum3A_548 [1] : vector<64x64xf32> to vector<64xf32>
    %broadcast_in_dim3A_550 = vector.shape_cast %reduce_sum3A_549 : vector<64xf32> to vector<64x1xf32>
    %slice3A_551 = vector.extract_strided_slice %mul3A_538 {offsets = [0, 64], sizes = [64, 64], strides = [1, 1]} : vector<64x128xf32> to vector<64x64xf32>
    %reduce_sum3A_552 = arith.constant dense<0.000000e+00> : vector<64xf32>
    %reduce_sum3A_553 = vector.multi_reduction <add>, %slice3A_551, %reduce_sum3A_552 [1] : vector<64x64xf32> to vector<64xf32>
    %broadcast_in_dim3A_554 = vector.shape_cast %reduce_sum3A_553 : vector<64xf32> to vector<64x1xf32>
    %concatenate3A_555 = tpu.concatenate %broadcast_in_dim3A_542, %broadcast_in_dim3A_546 in 1 : vector<64x1xf32>, vector<64x1xf32> -> vector<64x2xf32>
    %concatenate3A_556 = tpu.concatenate %broadcast_in_dim3A_550, %broadcast_in_dim3A_554 in 1 : vector<64x1xf32>, vector<64x1xf32> -> vector<64x2xf32>
    %sub3A_557 = arith.subf %concatenate3A_556, %concatenate3A_555 : vector<64x2xf32>
    %min3A_558 = arith.constant 0.000000e+00 : f32
    %min3A_559 = vector.broadcast %min3A_558 : f32 to vector<64x2xf32>
    %min3A_560 = arith.minimumf %sub3A_557, %min3A_559 : vector<64x2xf32>
    %abs3A_561 = math.absf %sub3A_557 : vector<64x2xf32>
    %neg3A_562 = arith.constant 0.000000e+00 : f32
    %neg3A_563 = vector.broadcast %neg3A_562 : f32 to vector<64x2xf32>
    %neg3A_564 = arith.subf %neg3A_563, %abs3A_561 : vector<64x2xf32>
    %exp3A_565 = math.exp %neg3A_564 : vector<64x2xf32>
    %add3A_566 = arith.constant 1.000000e+00 : f32
    %add3A_567 = vector.broadcast %add3A_566 : f32 to vector<64x2xf32>
    %add3A_568 = arith.addf %add3A_567, %exp3A_565 : vector<64x2xf32>
    %log3A_569 = math.log %add3A_568 : vector<64x2xf32>
    %sub3A_570 = arith.subf %min3A_560, %log3A_569 : vector<64x2xf32>
    %iota3A_571 = tpu.iota {dimensions = array<i32: 0>} : vector<64x2xi32>
    %mul3A_572 = arith.constant 2 : i32
    %mul3A_573 = vector.broadcast %mul3A_572 : i32 to vector<64x2xi32>
    %mul3A_574 = arith.muli %iota3A_571, %mul3A_573 : vector<64x2xi32>
    %iota3A_575 = tpu.iota {dimensions = array<i32: 1>} : vector<64x2xi32>
    %add3A_576 = arith.addi %mul3A_574, %iota3A_575 : vector<64x2xi32>
    %lt3A_577 = vector.broadcast %get3A_499 : i32 to vector<64x2xi32>
    %lt3A_578 = arith.cmpi slt, %add3A_576, %lt3A_577 : vector<64x2xi32>
    %broadcast_in_dim3A_579 = arith.constant 0.000000e+00 : f32
    %broadcast_in_dim3A_580 = vector.broadcast %broadcast_in_dim3A_579 : f32 to vector<64x2xf32>
    %select_n3A_581 = arith.select %lt3A_578, %sub3A_570, %broadcast_in_dim3A_580 : vector<64x2xi1>, vector<64x2xf32>
    %reduce_sum3A_582 = vector.shape_cast %select_n3A_581 : vector<64x2xf32> to vector<1x64x2xf32>
    %reduce_sum3A_583 = arith.constant dense<0.000000e+00> : vector<1xf32>
    %reduce_sum3A_584 = vector.multi_reduction <add>, %reduce_sum3A_582, %reduce_sum3A_583 [1, 2] : vector<1x64x2xf32> to vector<1xf32>
    %reduce_sum3A_585 = vector.shape_cast %reduce_sum3A_584 : vector<1xf32> to vector<1x1x1xf32>
    %reduce_sum3A_586 = vector.extract %reduce_sum3A_585[0, 0, 0] : f32 from vector<1x1x1xf32>
    %add3A_587 = arith.addf %add3A_416, %reduce_sum3A_586 : f32
    %iota3A_588 = tpu.iota {dimensions = array<i32: 0>} : vector<64x128xi32>
    %mul3A_589 = arith.constant 2 : i32
    %mul3A_590 = vector.broadcast %mul3A_589 : i32 to vector<64x128xi32>
    %mul3A_591 = arith.muli %iota3A_588, %mul3A_590 : vector<64x128xi32>
    %iota3A_592 = tpu.iota {dimensions = array<i32: 1>} : vector<64x128xi32>
    %jit3A_593 = arith.constant 64 : i32
    %div3A_594 = vector.broadcast %jit3A_593 : i32 to vector<64x128xi32>
    %div3A_595 = arith.divsi %iota3A_592, %div3A_594 : vector<64x128xi32>
    %sign3A_596 = arith.constant 0 : i32
    %sign3A_597 = vector.broadcast %sign3A_596 : i32 to vector<64x128xi32>
    %sign3A_598 = arith.cmpi sgt, %iota3A_592, %sign3A_597 : vector<64x128xi32>
    %sign3A_599 = arith.extui %sign3A_598 : vector<64x128xi1> to vector<64x128xi32>
    %sign3A_600 = arith.constant 0 : i32
    %sign3A_601 = vector.broadcast %sign3A_600 : i32 to vector<64x128xi32>
    %sign3A_602 = arith.cmpi slt, %iota3A_592, %sign3A_601 : vector<64x128xi32>
    %sign3A_603 = arith.extui %sign3A_602 : vector<64x128xi1> to vector<64x128xi32>
    %sign3A_604 = arith.subi %sign3A_599, %sign3A_603 : vector<64x128xi32>
    %sign3A_605 = arith.constant 0 : i32
    %sign3A_606 = arith.cmpi sgt, %jit3A_593, %sign3A_605 : i32
    %sign3A_607 = arith.extui %sign3A_606 : i1 to i32
    %sign3A_608 = arith.constant 0 : i32
    %sign3A_609 = arith.cmpi slt, %jit3A_593, %sign3A_608 : i32
    %sign3A_610 = arith.extui %sign3A_609 : i1 to i32
    %sign3A_611 = arith.subi %sign3A_607, %sign3A_610 : i32
    %ne3A_612 = vector.broadcast %sign3A_611 : i32 to vector<64x128xi32>
    %ne3A_613 = arith.cmpi ne, %sign3A_604, %ne3A_612 : vector<64x128xi32>
    %rem3A_614 = vector.broadcast %jit3A_593 : i32 to vector<64x128xi32>
    %rem3A_615 = arith.remsi %iota3A_592, %rem3A_614 : vector<64x128xi32>
    %ne3A_616 = arith.constant 0 : i32
    %ne3A_617 = vector.broadcast %ne3A_616 : i32 to vector<64x128xi32>
    %ne3A_618 = arith.cmpi ne, %rem3A_615, %ne3A_617 : vector<64x128xi32>
    %and3A_619 = arith.andi %ne3A_613, %ne3A_618 : vector<64x128xi1>
    %sub3A_620 = arith.constant 1 : i32
    %sub3A_621 = vector.broadcast %sub3A_620 : i32 to vector<64x128xi32>
    %sub3A_622 = arith.subi %div3A_595, %sub3A_621 : vector<64x128xi32>
    %select_n3A_623 = arith.select %and3A_619, %sub3A_622, %div3A_595 : vector<64x128xi1>, vector<64x128xi32>
    %add3A_624 = arith.addi %mul3A_591, %select_n3A_623 : vector<64x128xi32>
    %lt3A_625 = vector.broadcast %get3A_499 : i32 to vector<64x128xi32>
    %lt3A_626 = arith.cmpi slt, %add3A_624, %lt3A_625 : vector<64x128xi32>
    %broadcast_in_dim3A_627 = arith.constant 0.000000e+00 : f32
    %broadcast_in_dim3A_628 = vector.broadcast %broadcast_in_dim3A_627 : f32 to vector<64x128xf32>
    %slice3A_629 = vector.extract_strided_slice %dot_general3A_523 {offsets = [0, 0], sizes = [64, 128], strides = [1, 1]} : vector<192x128xf32> to vector<64x128xf32>
    %slice3A_630 = vector.extract_strided_slice %dot_general3A_523 {offsets = [64, 0], sizes = [64, 128], strides = [1, 1]} : vector<192x128xf32> to vector<64x128xf32>
    %slice3A_631 = vector.extract_strided_slice %dot_general3A_523 {offsets = [128, 0], sizes = [64, 128], strides = [1, 1]} : vector<192x128xf32> to vector<64x128xf32>
    %mul3A_632 = arith.mulf %slice3A_629, %slice3A_629 : vector<64x128xf32>
    %select_n3A_633 = arith.select %lt3A_626, %mul3A_632, %broadcast_in_dim3A_628 : vector<64x128xi1>, vector<64x128xf32>
    %reduce_sum3A_634 = vector.shape_cast %select_n3A_633 : vector<64x128xf32> to vector<1x64x128xf32>
    %reduce_sum3A_635 = arith.constant dense<0.000000e+00> : vector<1xf32>
    %reduce_sum3A_636 = vector.multi_reduction <add>, %reduce_sum3A_634, %reduce_sum3A_635 [1, 2] : vector<1x64x128xf32> to vector<1xf32>
    %reduce_sum3A_637 = vector.shape_cast %reduce_sum3A_636 : vector<1xf32> to vector<1x1x1xf32>
    %reduce_sum3A_638 = vector.extract %reduce_sum3A_637[0, 0, 0] : f32 from vector<1x1x1xf32>
    %add3A_639 = arith.addf %add3A_468, %reduce_sum3A_638 : f32
    %mul3A_640 = arith.mulf %slice3A_630, %slice3A_630 : vector<64x128xf32>
    %select_n3A_641 = arith.select %lt3A_626, %mul3A_640, %broadcast_in_dim3A_628 : vector<64x128xi1>, vector<64x128xf32>
    %reduce_sum3A_642 = vector.shape_cast %select_n3A_641 : vector<64x128xf32> to vector<1x64x128xf32>
    %reduce_sum3A_643 = arith.constant dense<0.000000e+00> : vector<1xf32>
    %reduce_sum3A_644 = vector.multi_reduction <add>, %reduce_sum3A_642, %reduce_sum3A_643 [1, 2] : vector<1x64x128xf32> to vector<1xf32>
    %reduce_sum3A_645 = vector.shape_cast %reduce_sum3A_644 : vector<1xf32> to vector<1x1x1xf32>
    %reduce_sum3A_646 = vector.extract %reduce_sum3A_645[0, 0, 0] : f32 from vector<1x1x1xf32>
    %add3A_647 = arith.addf %add3A_476, %reduce_sum3A_646 : f32
    %mul3A_648 = arith.mulf %slice3A_631, %slice3A_631 : vector<64x128xf32>
    %select_n3A_649 = arith.select %lt3A_626, %mul3A_648, %broadcast_in_dim3A_628 : vector<64x128xi1>, vector<64x128xf32>
    %reduce_sum3A_650 = vector.shape_cast %select_n3A_649 : vector<64x128xf32> to vector<1x64x128xf32>
    %reduce_sum3A_651 = arith.constant dense<0.000000e+00> : vector<1xf32>
    %reduce_sum3A_652 = vector.multi_reduction <add>, %reduce_sum3A_650, %reduce_sum3A_651 [1, 2] : vector<1x64x128xf32> to vector<1xf32>
    %reduce_sum3A_653 = vector.shape_cast %reduce_sum3A_652 : vector<1xf32> to vector<1x1x1xf32>
    %reduce_sum3A_654 = vector.extract %reduce_sum3A_653[0, 0, 0] : f32 from vector<1x1x1xf32>
    %add3A_655 = arith.addf %add3A_484, %reduce_sum3A_654 : f32
    %convert_element_type3A_656 = arith.sitofp %get3A_499 : i32 to f32
    %mul3A_657 = arith.mulf %get3A_528, %get3A_528 : vector<1x64xf32>
    %reduce_sum3A_658 = vector.shape_cast %mul3A_657 : vector<1x64xf32> to vector<1x1x64xf32>
    %reduce_sum3A_659 = arith.constant dense<0.000000e+00> : vector<1xf32>
    %reduce_sum3A_660 = vector.multi_reduction <add>, %reduce_sum3A_658, %reduce_sum3A_659 [1, 2] : vector<1x1x64xf32> to vector<1xf32>
    %reduce_sum3A_661 = vector.shape_cast %reduce_sum3A_660 : vector<1xf32> to vector<1x1x1xf32>
    %reduce_sum3A_662 = vector.extract %reduce_sum3A_661[0, 0, 0] : f32 from vector<1x1x1xf32>
    %mul3A_663 = arith.mulf %convert_element_type3A_656, %reduce_sum3A_662 : f32
    %add3A_664 = arith.addf %add3A_493, %mul3A_663 : f32
    %iota3A_665 = tpu.iota {dimensions = array<i32: 1>} : vector<8x128xi32>
    %iota3A_666 = tpu.iota {dimensions = array<i32: 0>} : vector<8x128xi32>
    %eq3A = arith.constant 0 : i32
    %eq3A_667 = vector.broadcast %eq3A : i32 to vector<8x128xi32>
    %eq3A_668 = arith.cmpi eq, %iota3A_666, %eq3A_667 : vector<8x128xi32>
    %eq3A_669 = arith.constant 0 : i32
    %eq3A_670 = vector.broadcast %eq3A_669 : i32 to vector<8x128xi32>
    %eq3A_671 = arith.cmpi eq, %iota3A_665, %eq3A_670 : vector<8x128xi32>
    %and3A_672 = arith.andi %eq3A_668, %eq3A_671 : vector<8x128xi1>
    %jit3A_673 = arith.constant 0.000000e+00 : f32
    %broadcast_in_dim3A_674 = vector.broadcast %add3A_587 : f32 to vector<8x128xf32>
    %broadcast_in_dim3A_675 = vector.broadcast %jit3A_673 : f32 to vector<8x128xf32>
    %select_n3A_676 = arith.select %and3A_672, %broadcast_in_dim3A_674, %broadcast_in_dim3A_675 : vector<8x128xi1>, vector<8x128xf32>
    %eq3A_677 = arith.constant 1 : i32
    %eq3A_678 = vector.broadcast %eq3A_677 : i32 to vector<8x128xi32>
    %eq3A_679 = arith.cmpi eq, %iota3A_665, %eq3A_678 : vector<8x128xi32>
    %and3A_680 = arith.andi %eq3A_668, %eq3A_679 : vector<8x128xi1>
    %jit3A_681 = arith.constant 0.000000e+00 : f32
    %broadcast_in_dim3A_682 = vector.broadcast %add3A_639 : f32 to vector<8x128xf32>
    %broadcast_in_dim3A_683 = vector.broadcast %jit3A_681 : f32 to vector<8x128xf32>
    %select_n3A_684 = arith.select %and3A_680, %broadcast_in_dim3A_682, %broadcast_in_dim3A_683 : vector<8x128xi1>, vector<8x128xf32>
    %add3A_685 = arith.addf %select_n3A_676, %select_n3A_684 : vector<8x128xf32>
    %eq3A_686 = arith.constant 2 : i32
    %eq3A_687 = vector.broadcast %eq3A_686 : i32 to vector<8x128xi32>
    %eq3A_688 = arith.cmpi eq, %iota3A_665, %eq3A_687 : vector<8x128xi32>
    %and3A_689 = arith.andi %eq3A_668, %eq3A_688 : vector<8x128xi1>
    %jit3A_690 = arith.constant 0.000000e+00 : f32
    %broadcast_in_dim3A_691 = vector.broadcast %add3A_664 : f32 to vector<8x128xf32>
    %broadcast_in_dim3A_692 = vector.broadcast %jit3A_690 : f32 to vector<8x128xf32>
    %select_n3A_693 = arith.select %and3A_689, %broadcast_in_dim3A_691, %broadcast_in_dim3A_692 : vector<8x128xi1>, vector<8x128xf32>
    %add3A_694 = arith.addf %add3A_685, %select_n3A_693 : vector<8x128xf32>
    %eq3A_695 = arith.constant 3 : i32
    %eq3A_696 = vector.broadcast %eq3A_695 : i32 to vector<8x128xi32>
    %eq3A_697 = arith.cmpi eq, %iota3A_665, %eq3A_696 : vector<8x128xi32>
    %and3A_698 = arith.andi %eq3A_668, %eq3A_697 : vector<8x128xi1>
    %jit3A_699 = arith.constant 0.000000e+00 : f32
    %broadcast_in_dim3A_700 = vector.broadcast %add3A_647 : f32 to vector<8x128xf32>
    %broadcast_in_dim3A_701 = vector.broadcast %jit3A_699 : f32 to vector<8x128xf32>
    %select_n3A_702 = arith.select %and3A_698, %broadcast_in_dim3A_700, %broadcast_in_dim3A_701 : vector<8x128xi1>, vector<8x128xf32>
    %add3A_703 = arith.addf %add3A_694, %select_n3A_702 : vector<8x128xf32>
    %eq3A_704 = arith.constant 4 : i32
    %eq3A_705 = vector.broadcast %eq3A_704 : i32 to vector<8x128xi32>
    %eq3A_706 = arith.cmpi eq, %iota3A_665, %eq3A_705 : vector<8x128xi32>
    %and3A_707 = arith.andi %eq3A_668, %eq3A_706 : vector<8x128xi1>
    %jit3A_708 = arith.constant 0.000000e+00 : f32
    %broadcast_in_dim3A_709 = vector.broadcast %add3A_655 : f32 to vector<8x128xf32>
    %broadcast_in_dim3A_710 = vector.broadcast %jit3A_708 : f32 to vector<8x128xf32>
    %select_n3A_711 = arith.select %and3A_707, %broadcast_in_dim3A_709, %broadcast_in_dim3A_710 : vector<8x128xi1>, vector<8x128xf32>
    %add3A_712 = arith.addf %add3A_703, %select_n3A_711 : vector<8x128xf32>
    %eq3A_713 = arith.constant 0 : i32
    %eq3A_714 = arith.cmpi eq, %arg0, %eq3A_713 : i32
    %convert_element_type3A_715 = arith.extui %eq3A_714 : i1 to i32
    %cond3A = arith.constant 0 : i32
    %cond3A_716 = arith.cmpi ne, %convert_element_type3A_715, %cond3A : i32
    scf.if %cond3A_716 {
      %broadcast_in_dim3A_728 = arith.constant 0.000000e+00 : f32
      %broadcast_in_dim3A_729 = vector.broadcast %broadcast_in_dim3A_728 : f32 to vector<8x128xf32>
      %swap3A_730 = arith.constant 0 : index
      %swap3A_731 = arith.constant 0 : index
      %swap3A_732 = vector.load %arg14[%swap3A_730, %swap3A_731] : memref<8x128xf32, #tpu.memory_space<vmem>>, vector<8x128xf32>
      tpu.vector_store %arg14[%swap3A_730, %swap3A_731], %broadcast_in_dim3A_729 {strides = array<i32>} : memref<8x128xf32, #tpu.memory_space<vmem>>, vector<8x128xf32>,
    } else {
    }
    %get3A_717 = arith.constant 0 : index
    %get3A_718 = arith.constant 0 : index
    %get3A_719 = vector.load %arg14[%get3A_717, %get3A_718] : memref<8x128xf32, #tpu.memory_space<vmem>>, vector<8x128xf32>
    %add3A_720 = arith.addf %get3A_719, %add3A_712 : vector<8x128xf32>
    %swap3A = arith.constant 0 : index
    %swap3A_721 = arith.constant 0 : index
    %swap3A_722 = vector.load %arg14[%swap3A, %swap3A_721] : memref<8x128xf32, #tpu.memory_space<vmem>>, vector<8x128xf32>
    tpu.vector_store %arg14[%swap3A, %swap3A_721], %add3A_720 {strides = array<i32>} : memref<8x128xf32, #tpu.memory_space<vmem>>, vector<8x128xf32>,
    %eq3A_723 = arith.constant 47 : i32
    %eq3A_724 = arith.cmpi eq, %arg0, %eq3A_723 : i32
    %convert_element_type3A_725 = arith.extui %eq3A_724 : i1 to i32
    %cond3A_726 = arith.constant 0 : i32
    %cond3A_727 = arith.cmpi ne, %convert_element_type3A_725, %cond3A_726 : i32
    scf.if %cond3A_727 {
      %get3A_728 = arith.constant 0 : index
      %get3A_729 = arith.constant 0 : index
      %get3A_730 = vector.load %arg14[%get3A_728, %get3A_729] : memref<8x128xf32, #tpu.memory_space<vmem>>, vector<8x128xf32>
      %eq3A_731 = arith.constant 0 : i32
      %eq3A_732 = vector.broadcast %eq3A_731 : i32 to vector<8x128xi32>
      %eq3A_733 = arith.cmpi eq, %iota3A_665, %eq3A_732 : vector<8x128xi32>
      %and3A_734 = arith.andi %eq3A_668, %eq3A_733 : vector<8x128xi1>
      %jit3A_735 = arith.constant 0.000000e+00 : f32
      %broadcast_in_dim3A_736 = vector.broadcast %jit3A_735 : f32 to vector<8x128xf32>
      %select_n3A_737 = arith.select %and3A_734, %get3A_730, %broadcast_in_dim3A_736 : vector<8x128xi1>, vector<8x128xf32>
      %reduce_sum3A_738 = vector.shape_cast %select_n3A_737 : vector<8x128xf32> to vector<1x8x128xf32>
      %reduce_sum3A_739 = arith.constant dense<0.000000e+00> : vector<1xf32>
      %reduce_sum3A_740 = vector.multi_reduction <add>, %reduce_sum3A_738, %reduce_sum3A_739 [1, 2] : vector<1x8x128xf32> to vector<1xf32>
      %reduce_sum3A_741 = vector.shape_cast %reduce_sum3A_740 : vector<1xf32> to vector<1x1x1xf32>
      %reduce_sum3A_742 = vector.extract %reduce_sum3A_741[0, 0, 0] : f32 from vector<1x1x1xf32>
      %ge3A = arith.constant 1 : i32
      %ge3A_743 = vector.broadcast %ge3A : i32 to vector<8x128xi32>
      %ge3A_744 = arith.cmpi sge, %iota3A_665, %ge3A_743 : vector<8x128xi32>
      %and3A_745 = arith.andi %eq3A_668, %ge3A_744 : vector<8x128xi1>
      %le3A = arith.constant 4 : i32
      %le3A_746 = vector.broadcast %le3A : i32 to vector<8x128xi32>
      %le3A_747 = arith.cmpi sle, %iota3A_665, %le3A_746 : vector<8x128xi32>
      %and3A_748 = arith.andi %and3A_745, %le3A_747 : vector<8x128xi1>
      %jit3A_749 = arith.constant 0.000000e+00 : f32
      %broadcast_in_dim3A_750 = vector.broadcast %jit3A_749 : f32 to vector<8x128xf32>
      %select_n3A_751 = arith.select %and3A_748, %get3A_730, %broadcast_in_dim3A_750 : vector<8x128xi1>, vector<8x128xf32>
      %reduce_sum3A_752 = vector.shape_cast %select_n3A_751 : vector<8x128xf32> to vector<1x8x128xf32>
      %reduce_sum3A_753 = arith.constant dense<0.000000e+00> : vector<1xf32>
      %reduce_sum3A_754 = vector.multi_reduction <add>, %reduce_sum3A_752, %reduce_sum3A_753 [1, 2] : vector<1x8x128xf32> to vector<1xf32>
      %reduce_sum3A_755 = vector.shape_cast %reduce_sum3A_754 : vector<1xf32> to vector<1x1x1xf32>
      %reduce_sum3A_756 = vector.extract %reduce_sum3A_755[0, 0, 0] : f32 from vector<1x1x1xf32>
      %div3A_757 = arith.constant 1.638400e+04 : f32
      %div3A_758 = arith.divf %reduce_sum3A_742, %div3A_757 : f32
      %neg3A_759 = arith.constant 0.000000e+00 : f32
      %neg3A_760 = arith.subf %neg3A_759, %div3A_758 : f32
      %div3A_761 = arith.constant 3.276800e+04 : f32
      %div3A_762 = arith.divf %reduce_sum3A_756, %div3A_761 : f32
      %mul3A_763 = arith.constant 9.99999974E-6 : f32
      %mul3A_764 = arith.mulf %mul3A_763, %div3A_762 : f32
      %add3A_765 = arith.addf %neg3A_760, %mul3A_764 : f32
      %broadcast_in_dim3A_766 = arith.constant 1.000000e+00 : f32
      %broadcast_in_dim3A_767 = vector.broadcast %broadcast_in_dim3A_766 : f32 to vector<1x1xf32>
      %mul3A_768 = vector.broadcast %add3A_765 : f32 to vector<1x1xf32>
      %mul3A_769 = arith.mulf %mul3A_768, %broadcast_in_dim3A_767 : vector<1x1xf32>
      %swap3A_770 = arith.constant 0 : index
      %swap3A_771 = arith.constant 0 : index
      %swap3A_772 = vector.load %arg15[%swap3A_770, %swap3A_771] : memref<1x1xf32, #tpu.memory_space<vmem>>, vector<1x1xf32>
      tpu.vector_store %arg15[%swap3A_770, %swap3A_771], %mul3A_769 {strides = array<i32>} : memref<1x1xf32, #tpu.memory_space<vmem>>, vector<1x1xf32>,
    } else {
    }
    return
  }
  func.func @transform_0(%arg0: i32, %arg1: memref<192xi32, #tpu.memory_space<smem>>, %arg2: memref<192xi32, #tpu.memory_space<smem>>) -> (i32, i32) {
    %c0_i32 = arith.constant 0 : i32
    %c0_i32_0 = arith.constant 0 : i32
    return %arg0, %c0_i32 : i32, i32
  }
  func.func @transform_1(%arg0: i32, %arg1: memref<192xi32, #tpu.memory_space<smem>>, %arg2: memref<192xi32, #tpu.memory_space<smem>>) -> (i32, i32) {
    %add3A = arith.constant 48 : i32
    %add3A_0 = arith.addi %arg0, %add3A : i32
    %c0_i32 = arith.constant 0 : i32
    %c0_i32_1 = arith.constant 0 : i32
    return %add3A_0, %c0_i32 : i32, i32
  }
  func.func @transform_2(%arg0: i32, %arg1: memref<192xi32, #tpu.memory_space<smem>>, %arg2: memref<192xi32, #tpu.memory_space<smem>>) -> (i32, i32) {
    %add3A = arith.constant 96 : i32
    %add3A_0 = arith.addi %arg0, %add3A : i32
    %c0_i32 = arith.constant 0 : i32
    %c0_i32_1 = arith.constant 0 : i32
    return %add3A_0, %c0_i32 : i32, i32
  }
  func.func @transform_3(%arg0: i32, %arg1: memref<192xi32, #tpu.memory_space<smem>>, %arg2: memref<192xi32, #tpu.memory_space<smem>>) -> (i32, i32, i32) {
    %mul3A = arith.constant 4 : i32
    %mul3A_0 = arith.muli %arg0, %mul3A : i32
    %add3A = arith.constant 0 : i32
    %add3A_1 = arith.addi %mul3A_0, %add3A : i32
    %get3A = arith.index_cast %add3A_1 : i32 to index
    %get3A_2 = memref.load %arg1[%get3A] : memref<192xi32, #tpu.memory_space<smem>>
    %c0_i32 = arith.constant 0 : i32
    %c0_i32_3 = arith.constant 0 : i32
    %c0_i32_4 = arith.constant 0 : i32
    return %get3A_2, %c0_i32, %c0_i32_3 : i32, i32, i32
  }
  func.func @transform_4(%arg0: i32, %arg1: memref<192xi32, #tpu.memory_space<smem>>, %arg2: memref<192xi32, #tpu.memory_space<smem>>) -> (i32, i32, i32) {
    %mul3A = arith.constant 4 : i32
    %mul3A_0 = arith.muli %arg0, %mul3A : i32
    %add3A = arith.constant 1 : i32
    %add3A_1 = arith.addi %mul3A_0, %add3A : i32
    %get3A = arith.index_cast %add3A_1 : i32 to index
    %get3A_2 = memref.load %arg1[%get3A] : memref<192xi32, #tpu.memory_space<smem>>
    %c0_i32 = arith.constant 0 : i32
    %c0_i32_3 = arith.constant 0 : i32
    %c0_i32_4 = arith.constant 0 : i32
    return %get3A_2, %c0_i32, %c0_i32_3 : i32, i32, i32
  }
  func.func @transform_5(%arg0: i32, %arg1: memref<192xi32, #tpu.memory_space<smem>>, %arg2: memref<192xi32, #tpu.memory_space<smem>>) -> (i32, i32, i32) {
    %mul3A = arith.constant 4 : i32
    %mul3A_0 = arith.muli %arg0, %mul3A : i32
    %add3A = arith.constant 2 : i32
    %add3A_1 = arith.addi %mul3A_0, %add3A : i32
    %get3A = arith.index_cast %add3A_1 : i32 to index
    %get3A_2 = memref.load %arg1[%get3A] : memref<192xi32, #tpu.memory_space<smem>>
    %c0_i32 = arith.constant 0 : i32
    %c0_i32_3 = arith.constant 0 : i32
    %c0_i32_4 = arith.constant 0 : i32
    return %get3A_2, %c0_i32, %c0_i32_3 : i32, i32, i32
  }
  func.func @transform_6(%arg0: i32, %arg1: memref<192xi32, #tpu.memory_space<smem>>, %arg2: memref<192xi32, #tpu.memory_space<smem>>) -> (i32, i32, i32) {
    %mul3A = arith.constant 4 : i32
    %mul3A_0 = arith.muli %arg0, %mul3A : i32
    %add3A = arith.constant 3 : i32
    %add3A_1 = arith.addi %mul3A_0, %add3A : i32
    %get3A = arith.index_cast %add3A_1 : i32 to index
    %get3A_2 = memref.load %arg1[%get3A] : memref<192xi32, #tpu.memory_space<smem>>
    %c0_i32 = arith.constant 0 : i32
    %c0_i32_3 = arith.constant 0 : i32
    %c0_i32_4 = arith.constant 0 : i32
    return %get3A_2, %c0_i32, %c0_i32_3 : i32, i32, i32
  }
  func.func @transform_7(%arg0: i32, %arg1: memref<192xi32, #tpu.memory_space<smem>>, %arg2: memref<192xi32, #tpu.memory_space<smem>>) -> (i32, i32, i32) {
    %mul3A = arith.constant 4 : i32
    %mul3A_0 = arith.muli %arg0, %mul3A : i32
    %add3A = arith.constant 0 : i32
    %add3A_1 = arith.addi %mul3A_0, %add3A : i32
    %get3A = arith.index_cast %add3A_1 : i32 to index
    %get3A_2 = memref.load %arg1[%get3A] : memref<192xi32, #tpu.memory_space<smem>>
    %c0_i32 = arith.constant 0 : i32
    %c0_i32_3 = arith.constant 0 : i32
    %c0_i32_4 = arith.constant 0 : i32
    return %get3A_2, %c0_i32, %c0_i32_3 : i32, i32, i32
  }
  func.func @transform_8(%arg0: i32, %arg1: memref<192xi32, #tpu.memory_space<smem>>, %arg2: memref<192xi32, #tpu.memory_space<smem>>) -> (i32, i32, i32) {
    %mul3A = arith.constant 4 : i32
    %mul3A_0 = arith.muli %arg0, %mul3A : i32
    %add3A = arith.constant 1 : i32
    %add3A_1 = arith.addi %mul3A_0, %add3A : i32
    %get3A = arith.index_cast %add3A_1 : i32 to index
    %get3A_2 = memref.load %arg1[%get3A] : memref<192xi32, #tpu.memory_space<smem>>
    %c0_i32 = arith.constant 0 : i32
    %c0_i32_3 = arith.constant 0 : i32
    %c0_i32_4 = arith.constant 0 : i32
    return %get3A_2, %c0_i32, %c0_i32_3 : i32, i32, i32
  }
  func.func @transform_9(%arg0: i32, %arg1: memref<192xi32, #tpu.memory_space<smem>>, %arg2: memref<192xi32, #tpu.memory_space<smem>>) -> (i32, i32, i32) {
    %mul3A = arith.constant 4 : i32
    %mul3A_0 = arith.muli %arg0, %mul3A : i32
    %add3A = arith.constant 2 : i32
    %add3A_1 = arith.addi %mul3A_0, %add3A : i32
    %get3A = arith.index_cast %add3A_1 : i32 to index
    %get3A_2 = memref.load %arg1[%get3A] : memref<192xi32, #tpu.memory_space<smem>>
    %c0_i32 = arith.constant 0 : i32
    %c0_i32_3 = arith.constant 0 : i32
    %c0_i32_4 = arith.constant 0 : i32
    return %get3A_2, %c0_i32, %c0_i32_3 : i32, i32, i32
  }
  func.func @transform_10(%arg0: i32, %arg1: memref<192xi32, #tpu.memory_space<smem>>, %arg2: memref<192xi32, #tpu.memory_space<smem>>) -> (i32, i32, i32) {
    %mul3A = arith.constant 4 : i32
    %mul3A_0 = arith.muli %arg0, %mul3A : i32
    %add3A = arith.constant 3 : i32
    %add3A_1 = arith.addi %mul3A_0, %add3A : i32
    %get3A = arith.index_cast %add3A_1 : i32 to index
    %get3A_2 = memref.load %arg1[%get3A] : memref<192xi32, #tpu.memory_space<smem>>
    %c0_i32 = arith.constant 0 : i32
    %c0_i32_3 = arith.constant 0 : i32
    %c0_i32_4 = arith.constant 0 : i32
    return %get3A_2, %c0_i32, %c0_i32_3 : i32, i32, i32
  }
  func.func @transform_11(%arg0: i32, %arg1: memref<192xi32, #tpu.memory_space<smem>>, %arg2: memref<192xi32, #tpu.memory_space<smem>>) -> (i32, i32) {
    %c0_i32 = arith.constant 0 : i32
    %c0_i32_0 = arith.constant 0 : i32
    %c0_i32_1 = arith.constant 0 : i32
    return %c0_i32, %c0_i32_0 : i32, i32
  }
  func.func @transform_12(%arg0: i32, %arg1: memref<192xi32, #tpu.memory_space<smem>>, %arg2: memref<192xi32, #tpu.memory_space<smem>>) -> (i32, i32) {
    %c0_i32 = arith.constant 0 : i32
    %c0_i32_0 = arith.constant 0 : i32
    %c0_i32_1 = arith.constant 0 : i32
    return %c0_i32, %c0_i32_0 : i32, i32
  }
}

</mosaic_0001>

<sc_bundles>
// kernel: kernel.5.cloned.1.call-start
scs
__scs_entry_jumppad:
0x0: {  	(pc) =	sbr.rel $0x88, $3  }
0x1: {  	(tag) =	ssettag $0x0;
	lr =	simm.s32 $0x1  }
0x2: {  	[smem:$0x3F9A] =	sst lr;
	_ =	strace $0xD0000000  }
0x3: {  	_ = 	snop  }
0x4: {  	_ = 	snop  }
0x5: {  	_ = 	snop  }
0x6: {  	_ = 	snop  }
0x7: {  	_ = 	snop  }
__scs_overlays_trampoline_lowered:
0x8: {  	[smem:$0x3FA9] =	sst s0  }
0x9: {  	[smem:$0x3FAA] =	sst s1  }
0xa: {  	[smem:$0x3FAB] =	sst s2  }
0xb: {  	[smem:$0x3FAC] =	sst s3  }
0xc: {  	[smem:$0x3FAD] =	sst s4  }
0xd: {  	[smem:$0x3FAE] =	sst s5  }
0xe: {  	[smem:$0x3FAF] =	sst s6  }
0xf: {  	[smem:$0x3FB0] =	sst s7  }
0x10: {  	[smem:$0x3FB1] =	sst s8  }
0x11: {  	[smem:$0x3FB2] =	sst s9;
	s0 =	simm.s32 @!p0 $0x0  }
0x12: {  	s1 =	sld [smem:$0x3F98];
	s0 =	simm.s32 @p0 $0x1  }
0x13: {  	[smem:$0x3FB3] =	sst s0;
	s0 =	simm.s32 @!p1 $0x0  }
0x14: {  	s2 =	sld [smem:$0x3F97];
	s0 =	simm.s32 @p1 $0x1  }
0x15: {  	[smem:$0x3FB4] =	sst s0;
	s0 =	simm.s32 @!p2 $0x0  }
0x16: {  	s3 =	sld [smem:$0x3FDB];
	s0 =	simm.s32 @p2 $0x1  }
0x17: {  	s4 =	simm.s32 $0x1BF5;
	[smem:$0x3FB6] =	sst s0  }
0x18: {  	s0 =	sld [smem:$0x3F99];
	_ =	swait.ge [sflag:s4], $0x0  }
0x19: {  	s7 =	sld [smem:$0x3F9A]  }
0x1a: {  	s8 =	sadd.s32 $0xFFFFE003, lr  }
0x1b: {  	s9 =	sadd.s32 $0xFFFFFEF7, lr;
	s5 =	simm.s32 $0xFFFFFFFF;
	p2 =	slt.u32 s8, $0xFFFFF086  }
0x1c: {  	p1 =	slt.u32 s9, $0xF7A;
	s5 =	simm.s32 @!p2 $0x0  }
0x1d: {  	s5 =	simm.s32 @p1 $0x1;
	p0 =	seq.s32 s7, s2  }
0x1e: {  	s7 =	smul.u32 @!p0 $0xF7A, s2;
	p2 =	seq.s32 @!p0 s5, $0x0  }
0x1f: {  	s9 =	smul.u32 $0xF7A, s1;
	s8 =	simm.s32 @!p0 $0x1BF5;
	p2 =	por !p2, p0  }
0x20: {  	[sflag:s8] =	ssyncset.s32 @!p0 $0xFFFFF086;
	s6 =	sadd.s32 @!p0 s3, s7;
	s7 =	simm.s32 @!p0 $0x108  }
0x21: {  	s3 =	sadd.s32 s3, s9;
	s6 =	sadd.s32 @!p0 $0x88, s6;
	s7 =	simm.s32 @p2 $0x1082  }
0x22: {  	[simem:s7], [sflag:s8] =	dma.local @!p0 [hbm:s6], $0xF7A  }
0x23: {  	s9 =	sor.u32 $0xD0000000, s2;
	s6 =	simm.s32 $0x108;
	_ =	swait.ge @!p0 [sflag:s8], $0x0  }
0x24: {  	s3 =	sadd.s32 $0x88, s3;
	s6 =	simm.s32 @!p1 $0x1082;
	[sflag:s4] =	ssyncset.s32 $0xFFFFF086  }
0x25: {  	[simem:s6], [sflag:s4] =	dma.local [hbm:s3], $0xF7A  }
0x26: {  	[smem:$0x3F9A] =	sst s1;
	(tag) =	ssettag s2;
	_ =	strace s9  }
0x27: {  	s1 =	sld [smem:$0x3FAA]  }
0x28: {  	s2 =	sld [smem:$0x3FAB]  }
0x29: {  	s4 =	sld [smem:$0x3FAD]  }
0x2a: {  	p0 =	seq.s32 s5, $0x0;
	s5 =	sld [smem:$0x3FAE]  }
0x2b: {  	s6 =	sld [smem:$0x3FAF]  }
0x2c: {  	s7 =	sld [smem:$0x3FB0]  }
0x2d: {  	s3 =	simm.s32 $0x108;
	s8 =	sld [smem:$0x3FB1]  }
0x2e: {  	s3 =	simm.s32 @!p0 $0x1082;
	s9 =	sld [smem:$0x3FB2]  }
0x2f: {  	lr =	sadd.s32 s0, s3;
	s0 =	sld [smem:$0x3FA9]  }
0x30: {  	s3 =	sld [smem:$0x3FAC]  }
0x31: {  	[smem:$0x3FB5] =	sst s10  }
0x32: {  	s10 =	sld [smem:$0x3FB3];
	_ =	sdelay $0x3  }
0x33: {  	p0 =	seq.s32 s10, $0x1;
	s10 =	sld [smem:$0x3FB5];
	_ =	sdelay $0x3  }
0x34: {  	[smem:$0x3FB5] =	sst s10  }
0x35: {  	s10 =	sld [smem:$0x3FB4];
	_ =	sdelay $0x3  }
0x36: {  	p1 =	seq.s32 s10, $0x1;
	s10 =	sld [smem:$0x3FB5];
	_ =	sdelay $0x3  }
0x37: {  	[smem:$0x3FB5] =	sst s10  }
0x38: {  	s10 =	sld [smem:$0x3FB6]  }
0x39: {  	_ = 	snop;
	(pc) =	sbr.ind lr, $3  }
0x3a: {  	_ = 	snop  }
0x3b: {  	_ = 	snop  }
0x3c: {  	p2 =	seq.s32 s10, $0x1;
	s10 =	sld [smem:$0x3FB5]  }
0x3d: {  	_ =	shalt  }
0x3e: {  	_ =	shalt  }
0x3f: {  	_ =	shalt  }
0x40: {  	_ =	shalt  }
0x41: {  	_ =	shalt  }
0x42: {  	_ =	shalt  }
0x43: {  	_ =	shalt  }
0x44: {  	_ =	shalt  }
0x45: {  	_ =	shalt  }
0x46: {  	_ =	shalt  }
0x47: {  	_ =	shalt  }
0x48: {  	_ =	shalt  }
0x49: {  	_ =	shalt  }
0x4a: {  	_ =	shalt  }
0x4b: {  	_ =	shalt  }
0x4c: {  	_ =	shalt  }
0x4d: {  	_ =	shalt  }
0x4e: {  	_ =	shalt  }
0x4f: {  	_ =	shalt  }
0x50: {  	_ =	shalt  }
0x51: {  	_ =	shalt  }
0x52: {  	_ =	shalt  }
0x53: {  	_ =	shalt  }
0x54: {  	_ =	shalt  }
0x55: {  	_ =	shalt  }
0x56: {  	_ =	shalt  }
0x57: {  	_ =	shalt  }
0x58: {  	_ =	shalt  }
0x59: {  	_ =	shalt  }
0x5a: {  	_ =	shalt  }
0x5b: {  	_ =	shalt  }
0x5c: {  	_ =	shalt  }
0x5d: {  	_ =	shalt  }
0x5e: {  	_ =	shalt  }
0x5f: {  	_ =	shalt  }
0x60: {  	_ =	shalt  }
0x61: {  	_ =	shalt  }
0x62: {  	_ =	shalt  }
0x63: {  	_ =	shalt  }
0x64: {  	_ =	shalt  }
0x65: {  	_ =	shalt  }
0x66: {  	_ =	shalt  }
0x67: {  	_ =	shalt  }
0x68: {  	_ =	shalt  }
0x69: {  	_ =	shalt  }
0x6a: {  	_ =	shalt  }
0x6b: {  	_ =	shalt  }
0x6c: {  	_ =	shalt  }
0x6d: {  	_ =	shalt  }
0x6e: {  	_ =	shalt  }
0x6f: {  	_ =	shalt  }
0x70: {  	_ =	shalt  }
0x71: {  	_ =	shalt  }
0x72: {  	_ =	shalt  }
0x73: {  	_ =	shalt  }
0x74: {  	_ =	shalt  }
0x75: {  	_ =	shalt  }
0x76: {  	_ =	shalt  }
0x77: {  	_ =	shalt  }
0x78: {  	_ =	shalt  }
0x79: {  	_ =	shalt  }
0x7a: {  	_ =	shalt  }
0x7b: {  	_ =	shalt  }
0x7c: {  	_ =	shalt  }
0x7d: {  	_ =	shalt  }
0x7e: {  	_ =	shalt  }
0x7f: {  	_ =	shalt  }
0x80: {  	_ =	shalt  }
0x81: {  	_ =	shalt  }
0x82: {  	_ =	shalt  }
0x83: {  	_ =	shalt  }
0x84: {  	_ =	shalt  }
0x85: {  	_ =	shalt  }
0x86: {  	_ =	shalt  }
0x87: {  	_ =	shalt  }
.Lfunc_end0:
.L_simem_size_0:
called_computation_lowered:
.L_overlay_start_0:
0x88: {  	s2 =	sld [smem:$0x3FD9]  }
0x89: {  	s3 =	sld [smem:$0x3FFE];
	_ =	sdelay $0x1  }
0x8a: {  	s1 =	srdreg.scid  }
0x8b: {  	s0 =	sand.u32 $0x1, s1  }
0x8c: {  	s17 =	sshll.u32 s0, $0xA;
	s2 =	sadd.s32 s3, s2  }
0x8d: {  	s2 =	sadd.s32 s2, s17  }
0x8e: {  	[smem:$0x3FC1] =	sst s2  }
0x8f: {  	_ = 	snop  }
0x90: {  	s2 =	sld [smem:$0x3FC9]  }
0x91: {  	s18 =	sld [smem:$0x3FC7]  }
0x92: {  	s4 =	sld [smem:$0x3FC6];
	(tm) =	ssettm $0x1  }
0x93: {  	s5 =	sld [smem:$0x3FFB];
	_ =	sdelay $0x3  }
0x94: {  	_ =	strace s5  }
0x95: {  	s5 =	sld [smem:$0x3FFC];
	_ =	sdelay $0x3  }
0x96: {  	_ =	strace s5  }
0x97: {  	s5 =	sld [smem:$0x3FFD];
	_ =	sdelay $0x3  }
0x98: {  	_ =	strace s5  }
0x99: {  	_ =	strace $0x8FFFFFFF  }
0x9a: {  	s19 =	sld [smem:$0x3FDB];
	_ =	sdelay $0x1  }
0x9b: {  	s6 =	simm.s32 $_scs_section_size  }
0x9c: {  	s7 =	simm.s32 $_size__tile_overlayer_lowered;
	s8 =	simm.s32 $_tile_overlayer_lowered  }
0x9d: {  	s22 =	simm.s32 $0x1BFF;
	s21 =	sshll.u32 s8, $0x1;
	s5 =	sadd.s32 s6, s19  }
0x9e: {  	s9 =	simm.s32 $0x0;
	s20 =	sshll.u32 s7, $0x1;
	s7 =	sadd.s32 s21, s5  }
0x9f: {  	[timem:s9], [sflag:s22] =	dma.local [hbm:s7], s20  }
0xa0: {  	_ =	swait.ge [sflag:s22], s20  }
0xa1: {  	s6 =	ssub.s32 $0x0, s20;
	[sflag:s22] =	ssyncset.done $0x0  }
0xa2: {  	[sflag:s22] =	ssyncadd.s32 s6;
	_ =	sdelay $0x1  }
0xa3: {  	s23 =	simm.s32 $0x1B8B  }
0xa4: {  	_ =	swait.ge [sflag:s23], $0x1  }
0xa5: {  	[sflag:s23] =	ssyncset.done $0x0  }
0xa6: {  	s25 =	simm.s32 $0x1B8E;
	s24 =	sld [smem:$0x3FFE];
	[sflag:s23] =	ssyncadd.s32 $0xFFFFFFFF  }
0xa7: {  	s26 =	simm.s32 $execute0_lowered;
	[smem:$0x3FD2] =	sst s25  }
0xa8: {  	s7 =	sshll.u32 s26, $0x1;
	_ =	strace $0x80000046;
	[dreg:$0x1] =	wrdreg $0xFFFFFFFF  }
0xa9: {  	s28 =	simm.s32 $_size_execute0_lowered;
	s5 =	sadd.s32 s5, s7;
	[dreg:$0x0] =	wrdreg $0x0  }
0xaa: {  	s7 =	sshll.u32 s28, $0x1;
	[dreg:$0x2] =	wrdreg s5  }
0xab: {  	[dreg:$0x3] =	wrdreg s7  }
0xac: {  	[dreg:$0x4] =	wrdreg $0xC0  }
0xad: {  	_ =	task [dreg:s9], $0x5FFFF  }
0xae: {  	[dreg:$0x1] =	wrdreg $0xFFFFFFFF  }
0xaf: {  	[dreg:$0x0] =	wrdreg $0x60  }
0xb0: {  	[dreg:$0x2] =	wrdreg s24  }
0xb1: {  	[dreg:$0x3] =	wrdreg s2  }
0xb2: {  	[dreg:$0x4] =	wrdreg s18  }
0xb3: {  	[dreg:$0x5] =	wrdreg s4  }
0xb4: {  	[dreg:$0x6] =	wrdreg $0x9  }
0xb5: {  	_ =	task.clear_ibuf [dreg:s9], $0x7FFFF;
	_ =	strace $0x90000046  }
0xb6: {  	s29 =	simm.s32 $0x9;
	_ =	strace $0x80000048  }
0xb7: {  	_ =	swait.ge [sflag:s29], $0x1  }
0xb8: {  	[sflag:s29] =	ssyncadd.s32 $0xFFFFFFFF  }
0xb9: {  	_ =	strace $0x90000048  }
0xba: {  	_ =	sfence  }
0xbb: {  	s30 =	sld [smem:$0x0];
	_ =	sdelay $0x2  }
0xbc: {  	s31 =	sshll.u32 s1, $0xD;
	s1 =	sshrl.u32 s1, $0x2  }
0xbd: {  	s3 =	sand.u32 $0x4000, s31;
	s1 =	sadd.s32 s1, s30  }
0xbe: {  	s0 =	sor.u32 s3, s0;
	s1 =	sshll.u32 s1, $0x11  }
0xbf: {  	s0 =	sor.u32 s1, s0  }
0xc0: {  	s0 =	sadd.s32 $0x8F2B, s0  }
0xc1: {  	[sflag:s0] =	ssyncadd.remote.s32 $0x1  }
0xc2: {  	_ =	sfence.sel $0xFFFF  }
0xc3: {  	[dreg:$0x0] =	wrdreg $0xFFFFFFFF;
	(pc) =	sbr.abs _section_cstart, $3  }
0xc4: {  	[dreg:$0x1] =	wrdreg $0xFFFFFFFF  }
0xc5: {  	_ =	task.clear_ibuf [dreg:s9], $0x2FFFF;
	_ =	strace $0x9FFFFFFF  }
0xc6: {  	(tm) =	ssettm $0x7FFFFFFF  }
0xc7: {  	_ =	shalt  }
tec
execute0_lowered:
.L_overlay_start_1:
0x0: {  	(tag) =	ssettag $0x1  }
0x1: {  	s0 =	rddreg [dreg:$0x0]  }
0x2: {  	s1 =	rddreg [dreg:$0x1]  }
0x3: {  	s2 =	rddreg [dreg:$0x2]  }
0x4: {  	s3 =	rddreg [dreg:$0x3]  }
0x5: {  	s4 =	srdreg.scid;
	s22 =	rddreg [dreg:$0x4]  }
0x6: {  	s5 =	stileid.u32;
	s21 =	simm.s32 $0x0;
	s31 =	simm.s32 $0x3  }
0x7: {  	s30 =	simm.s32 $0x200;
	s29 =	simm.s32 $0x400;
	s8 =	simm.s32 $0xC00  }
0x8: {  	s12 =	simm.s32 $0x100;
	s9 =	simm.s32 $0x2C00;
	s13 =	simm.s32 $0x180  }
0x9: {  	s10 =	simm.s32 $0x4C00;
	s14 =	simm.s32 $0x280;
	s11 =	simm.s32 $0x6C00  }
0xa: {  	s15 =	simm.s32 $0x300;
	s16 =	simm.s32 $0x380;
	[smem:$0x7FF] =	sst s21  }
0xb: {  	s17 =	simm.s32 $0x480;
	_ =	strace $0x80000047;
	[dreg:$0xb] =	wrdreg s12  }
0xc: {  	s19 =	simm.s32 $0x500;
	s20 =	simm.s32 $0x580;
	[dreg:$0xc] =	wrdreg s13  }
0xd: {  	s28 =	simm.s32 $0x1;
	p0 =	por $0x0, $0x0;
	[dreg:$0xd] =	wrdreg s14  }
0xe: {  	s4 =	sand.u32 $0x1, s4;
	s5 =	sshll.u32 s5, $0x7;
	[dreg:$0xe] =	wrdreg s15  }
0xf: {  	s18 =	sadd.s32 $0x310600, s0;
	s6 =	sshll.u32 s4, $0x6;
	[dreg:$0xf] =	wrdreg s16  }
0x10: {  	s25 =	ssub.s32 $0x2, s4;
	s12 =	simm.s32 $0x8C00;
	[dreg:$0x10] =	wrdreg s17  }
0x11: {  	s13 =	simm.s32 $0xAC00;
	s14 =	simm.s32 $0xCC00;
	[dreg:$0x11] =	wrdreg s19  }
0x12: {  	s15 =	simm.s32 $0xEC00;
	s16 =	simm.s32 $0x10C00;
	[dreg:$0x12] =	wrdreg s20  }
0x13: {  	s17 =	simm.s32 $0x12C00;
	s19 =	simm.s32 $0x14C00;
	s5 =	sor.u32 s6, s5  }
0x14: {  	s20 =	simm.s32 $0x16C00;
	s4 =	sshrl.u32 s25, $0x1;
	s6 =	sadd.s32 s5, s0  }
0x15: {  	s1 =	sadd.s32 s1, s5;
	s24 =	sadd.s32 s2, s5;
	s3 =	sadd.s32 s3, s5  }
0x16: {  	s5 =	ssub.s32 s25, s4;
	s2 =	sadd.s32 $0x3200, s0;
	[dreg:$0x5] =	wrdreg s1  }
0x17: {  	s4 =	simm.s32 $0xA00;
	s25 =	simm.s32 $0x780;
	[dreg:$0x7] =	wrdreg s24  }
0x18: {  	s23 =	sadd.s32 $0x1A00, s6;
	s26 =	sadd.s32 $0x2200, s6;
	[dreg:$0x9] =	wrdreg s3  }
0x19: {  	s6 =	sadd.s32 $0x2A00, s6;
	s7 =	smax.u32 s5, $0x1;
	[dreg:$0x15] =	wrdreg s25  }
0x1a: {  	s5 =	simm.s32 $0x800;
	s3 =	simm.s32 $0x80;
	[dreg:$0x6] =	wrdreg s23  }
0x1b: {  	s24 =	simm.s32 $0x700;
	[dreg:$0x8] =	wrdreg s26;
	p1 =	sne.s32 s7, $0x1  }
.Ltmp0:
0x1c: {  	s25 =	simm.s32 $0xB80;
	[dreg:$0xa] =	wrdreg s6;
	(pc) =	sbr.rel @!p1 .LBB2_1-.Ltmp0, $4  }
0x1d: {  	s6 =	simm.s32 $0x600;
	s23 =	simm.s32 $0x680;
	[dreg:$0x14] =	wrdreg s24  }
0x1e: {  	s26 =	simm.s32 $0x880;
	s0 =	sadd.s32 $0xFFFFFFFF, s7;
	s1 =	rddreg [dreg:$0x5]  }
0x1f: {  	s24 =	simm.s32 $0xB00;
	s7 =	simm.s32 $0x2;
	[dreg:$0x13] =	wrdreg s23  }
0x20: {  	[dreg:$0x16] =	wrdreg s26;
	s26 =	simm.s32 $0x980;
	s23 =	simm.s32 $0xA80  }
0x21: {  	[tilespmem:s21], [sflag:$0x3] =	stream.linear.gather [hbm4b:s1+s21], $0x200, $0x38;
	[tilespmem:$0x18C00] =	vst v63  }
0x22: {  	_ =	swait.ge [sflag:s31], $0x200  }
0x23: {  	[sflag:s31] =	ssyncset.done $0x0  }
0x24: {  	s22 =	rddreg [dreg:$0x6];
	[sflag:s31] =	ssyncadd.s32 $0xFFFFFE00  }
0x25: {  	[tilespmem:s6], [sflag:$0x3] =	stream.linear.gather [hbm4b:s22+s21], $0x200, $0x38;
	[tilespmem:$0x18C00] =	vst v63  }
0x26: {  	_ =	swait.ge [sflag:s31], $0x200  }
0x27: {  	[sflag:s31] =	ssyncset.done $0x0  }
0x28: {  	s22 =	rddreg [dreg:$0x7];
	[sflag:s31] =	ssyncadd.s32 $0xFFFFFE00  }
0x29: {  	[tilespmem:s30], [sflag:$0x3] =	stream.linear.gather [hbm4b:s22+s21], $0x200, $0x38;
	[tilespmem:$0x18C00] =	vst v63  }
0x2a: {  	_ =	swait.ge [sflag:s31], $0x200  }
0x2b: {  	[sflag:s31] =	ssyncset.done $0x0  }
0x2c: {  	s22 =	rddreg [dreg:$0x8];
	[sflag:s31] =	ssyncadd.s32 $0xFFFFFE00  }
0x2d: {  	[tilespmem:s5], [sflag:$0x3] =	stream.linear.gather [hbm4b:s22+s21], $0x200, $0x38;
	[tilespmem:$0x18C00] =	vst v63  }
0x2e: {  	_ =	swait.ge [sflag:s31], $0x200  }
0x2f: {  	[sflag:s31] =	ssyncset.done $0x0  }
0x30: {  	s22 =	rddreg [dreg:$0x9];
	[sflag:s31] =	ssyncadd.s32 $0xFFFFFE00  }
0x31: {  	[tilespmem:s29], [sflag:$0x3] =	stream.linear.gather [hbm4b:s22+s21], $0x200, $0x38;
	[tilespmem:$0x18C00] =	vst v63  }
0x32: {  	_ =	swait.ge [sflag:s31], $0x200  }
0x33: {  	[sflag:s31] =	ssyncset.done $0x0  }
0x34: {  	s22 =	rddreg [dreg:$0xa];
	[sflag:s31] =	ssyncadd.s32 $0xFFFFFE00  }
0x35: {  	[tilespmem:s4], [sflag:$0x3] =	stream.linear.gather [hbm4b:s22+s21], $0x200, $0x38;
	[tilespmem:$0x18C00] =	vst v63  }
0x36: {  	_ =	swait.ge [sflag:s31], $0x200  }
0x37: {  	[sflag:s31] =	ssyncset.done $0x0  }
0x38: {  	[sflag:s31] =	ssyncadd.s32 $0xFFFFFE00  }
0x39: {  	[tilespmem:s8], [sflag:$0x1] =	stream.indirect.gather [hbm4b:s18+s3], $0x40, s21, s3, $0xb8;
	[tilespmem:$0x18C00] =	vst v63  }
0x3a: {  	_ = 	snop  }
0x3b: {  	[tilespmem:s9], [sflag:$0x1] =	stream.indirect.gather [hbm4b:s18+s3], $0x40, s3, s3, $0xb8;
	[tilespmem:$0x18C00] =	vst v63  }
0x3c: {  	s1 =	rddreg [dreg:$0xb]  }
0x3d: {  	[tilespmem:s10], [sflag:$0x1] =	stream.indirect.gather [hbm4b:s18+s3], $0x40, s1, s3, $0xb8;
	[tilespmem:$0x18C00] =	vst v63  }
0x3e: {  	s22 =	smov.u32 s0;
	s0 =	rddreg [dreg:$0xc]  }
0x3f: {  	[tilespmem:s11], [sflag:$0x1] =	stream.indirect.gather [hbm4b:s18+s3], $0x40, s0, s3, $0xb8;
	[tilespmem:$0x18C00] =	vst v63  }
0x40: {  	_ = 	snop  }
0x41: {  	[tilespmem:s12], [sflag:$0x1] =	stream.indirect.gather [hbm4b:s18+s3], $0x40, s30, s3, $0xb8;
	[tilespmem:$0x18C00] =	vst v63  }
0x42: {  	s0 =	rddreg [dreg:$0xd]  }
0x43: {  	[tilespmem:s13], [sflag:$0x1] =	stream.indirect.gather [hbm4b:s18+s3], $0x40, s0, s3, $0xb8;
	[tilespmem:$0x18C00] =	vst v63  }
0x44: {  	s1 =	rddreg [dreg:$0xe]  }
0x45: {  	[tilespmem:s14], [sflag:$0x1] =	stream.indirect.gather [hbm4b:s18+s3], $0x40, s1, s3, $0xb8;
	[tilespmem:$0x18C00] =	vst v63  }
0x46: {  	s0 =	rddreg [dreg:$0xf]  }
0x47: {  	[tilespmem:s15], [sflag:$0x1] =	stream.indirect.gather [hbm4b:s18+s3], $0x40, s0, s3, $0xb8;
	[tilespmem:$0x18C00] =	vst v63  }
0x48: {  	_ = 	snop  }
0x49: {  	[tilespmem:s16], [sflag:$0x1] =	stream.indirect.gather [hbm4b:s18+s3], $0x40, s29, s3, $0xb8;
	[tilespmem:$0x18C00] =	vst v63  }
0x4a: {  	s0 =	rddreg [dreg:$0x10]  }
0x4b: {  	[tilespmem:s17], [sflag:$0x1] =	stream.indirect.gather [hbm4b:s18+s3], $0x40, s0, s3, $0xb8;
	[tilespmem:$0x18C00] =	vst v63  }
0x4c: {  	s1 =	rddreg [dreg:$0x11]  }
0x4d: {  	[tilespmem:s19], [sflag:$0x1] =	stream.indirect.gather [hbm4b:s18+s3], $0x40, s1, s3, $0xb8;
	[tilespmem:$0x18C00] =	vst v63  }
0x4e: {  	s0 =	rddreg [dreg:$0x12]  }
0x4f: {  	[tilespmem:s20], [sflag:$0x1] =	stream.indirect.gather [hbm4b:s18+s3], $0x40, s0, s3, $0xb8;
	[tilespmem:$0x18C00] =	vst v63  }
0x50: {  	_ =	swait.ge [sflag:s28], $0x2000  }
0x51: {  	[sflag:s28] =	ssyncset.done $0x0  }
0x52: {  	[sflag:s28] =	ssyncadd.s32 $0xFFFFE000  }
0x53: {  	_ =	swait.ge [sflag:s28], $0x2000  }
0x54: {  	[sflag:s28] =	ssyncset.done $0x0  }
0x55: {  	[sflag:s28] =	ssyncadd.s32 $0xFFFFE000  }
0x56: {  	_ =	swait.ge [sflag:s28], $0x2000  }
0x57: {  	[sflag:s28] =	ssyncset.done $0x0  }
0x58: {  	[sflag:s28] =	ssyncadd.s32 $0xFFFFE000  }
0x59: {  	_ =	swait.ge [sflag:s28], $0x2000  }
0x5a: {  	[sflag:s28] =	ssyncset.done $0x0  }
0x5b: {  	[sflag:s28] =	ssyncadd.s32 $0xFFFFE000  }
0x5c: {  	_ =	swait.ge [sflag:s28], $0x2000  }
0x5d: {  	[sflag:s28] =	ssyncset.done $0x0  }
0x5e: {  	[sflag:s28] =	ssyncadd.s32 $0xFFFFE000  }
0x5f: {  	_ =	swait.ge [sflag:s28], $0x2000  }
0x60: {  	[sflag:s28] =	ssyncset.done $0x0  }
0x61: {  	[sflag:s28] =	ssyncadd.s32 $0xFFFFE000  }
0x62: {  	_ =	swait.ge [sflag:s28], $0x2000  }
0x63: {  	[sflag:s28] =	ssyncset.done $0x0  }
0x64: {  	[sflag:s28] =	ssyncadd.s32 $0xFFFFE000  }
0x65: {  	_ =	swait.ge [sflag:s28], $0x2000  }
0x66: {  	[sflag:s28] =	ssyncset.done $0x0  }
0x67: {  	[sflag:s28] =	ssyncadd.s32 $0xFFFFE000  }
0x68: {  	_ =	swait.ge [sflag:s28], $0x2000  }
0x69: {  	[sflag:s28] =	ssyncset.done $0x0  }
0x6a: {  	[sflag:s28] =	ssyncadd.s32 $0xFFFFE000  }
0x6b: {  	_ =	swait.ge [sflag:s28], $0x2000  }
0x6c: {  	[sflag:s28] =	ssyncset.done $0x0  }
0x6d: {  	[sflag:s28] =	ssyncadd.s32 $0xFFFFE000  }
0x6e: {  	_ =	swait.ge [sflag:s28], $0x2000  }
0x6f: {  	[sflag:s28] =	ssyncset.done $0x0  }
0x70: {  	[sflag:s28] =	ssyncadd.s32 $0xFFFFE000  }
0x71: {  	_ =	swait.ge [sflag:s28], $0x2000  }
0x72: {  	[sflag:s28] =	ssyncset.done $0x0  }
0x73: {  	[sflag:s28] =	ssyncadd.s32 $0xFFFFE000  }
0x74: {  	[hbm4b:s2+s3] =	stream.indirect.scatter [tilespmem:s8], [sflag:$0x2], $0x40, s6, s3, $0xb8;
	[tilespmem:$0x18C00] =	vst v63  }
0x75: {  	s0 =	rddreg [dreg:$0x13]  }
0x76: {  	[hbm4b:s2+s3] =	stream.indirect.scatter [tilespmem:s9], [sflag:$0x2], $0x40, s0, s3, $0xb8;
	[tilespmem:$0x18C00] =	vst v63  }
0x77: {  	s1 =	rddreg [dreg:$0x14]  }
0x78: {  	[hbm4b:s2+s3] =	stream.indirect.scatter [tilespmem:s10], [sflag:$0x2], $0x40, s1, s3, $0xb8;
	[tilespmem:$0x18C00] =	vst v63  }
0x79: {  	s0 =	rddreg [dreg:$0x15]  }
0x7a: {  	[hbm4b:s2+s3] =	stream.indirect.scatter [tilespmem:s11], [sflag:$0x2], $0x40, s0, s3, $0xb8;
	[tilespmem:$0x18C00] =	vst v63  }
0x7b: {  	_ = 	snop  }
0x7c: {  	[hbm4b:s2+s3] =	stream.indirect.scatter [tilespmem:s12], [sflag:$0x2], $0x40, s5, s3, $0xb8;
	[tilespmem:$0x18C00] =	vst v63  }
0x7d: {  	s1 =	rddreg [dreg:$0x16]  }
0x7e: {  	[hbm4b:s2+s3] =	stream.indirect.scatter [tilespmem:s13], [sflag:$0x2], $0x40, s1, s3, $0xb8;
	[tilespmem:$0x18C00] =	vst v63  }
0x7f: {  	s1 =	simm.s32 $0x900  }
0x80: {  	[hbm4b:s2+s3] =	stream.indirect.scatter [tilespmem:s14], [sflag:$0x2], $0x40, s1, s3, $0xb8;
	[tilespmem:$0x18C00] =	vst v63  }
0x81: {  	_ = 	snop  }
0x82: {  	[hbm4b:s2+s3] =	stream.indirect.scatter [tilespmem:s15], [sflag:$0x2], $0x40, s26, s3, $0xb8;
	[tilespmem:$0x18C00] =	vst v63  }
0x83: {  	_ = 	snop  }
0x84: {  	[hbm4b:s2+s3] =	stream.indirect.scatter [tilespmem:s16], [sflag:$0x2], $0x40, s4, s3, $0xb8;
	[tilespmem:$0x18C00] =	vst v63  }
0x85: {  	_ = 	snop  }
0x86: {  	[hbm4b:s2+s3] =	stream.indirect.scatter [tilespmem:s17], [sflag:$0x2], $0x40, s23, s3, $0xb8;
	[tilespmem:$0x18C00] =	vst v63  }
0x87: {  	_ = 	snop  }
0x88: {  	[hbm4b:s2+s3] =	stream.indirect.scatter [tilespmem:s19], [sflag:$0x2], $0x40, s24, s3, $0xb8;
	[tilespmem:$0x18C00] =	vst v63  }
0x89: {  	_ = 	snop  }
0x8a: {  	[hbm4b:s2+s3] =	stream.indirect.scatter [tilespmem:s20], [sflag:$0x2], $0x40, s25, s3, $0xb8;
	[tilespmem:$0x18C00] =	vst v63  }
0x8b: {  	_ =	swait.ge [sflag:s7], $0x2000  }
0x8c: {  	[sflag:s7] =	ssyncset.done $0x0  }
0x8d: {  	[sflag:s7] =	ssyncadd.s32 $0xFFFFE000  }
0x8e: {  	_ =	swait.ge [sflag:s7], $0x2000  }
0x8f: {  	[sflag:s7] =	ssyncset.done $0x0  }
0x90: {  	[sflag:s7] =	ssyncadd.s32 $0xFFFFE000  }
0x91: {  	_ =	swait.ge [sflag:s7], $0x2000  }
0x92: {  	[sflag:s7] =	ssyncset.done $0x0  }
0x93: {  	[sflag:s7] =	ssyncadd.s32 $0xFFFFE000  }
0x94: {  	_ =	swait.ge [sflag:s7], $0x2000  }
0x95: {  	[sflag:s7] =	ssyncset.done $0x0  }
0x96: {  	[sflag:s7] =	ssyncadd.s32 $0xFFFFE000  }
0x97: {  	_ =	swait.ge [sflag:s7], $0x2000  }
0x98: {  	[sflag:s7] =	ssyncset.done $0x0  }
0x99: {  	[sflag:s7] =	ssyncadd.s32 $0xFFFFE000  }
0x9a: {  	_ =	swait.ge [sflag:s7], $0x2000  }
0x9b: {  	[sflag:s7] =	ssyncset.done $0x0  }
0x9c: {  	[sflag:s7] =	ssyncadd.s32 $0xFFFFE000  }
0x9d: {  	_ =	swait.ge [sflag:s7], $0x2000  }
0x9e: {  	[sflag:s7] =	ssyncset.done $0x0  }
0x9f: {  	[sflag:s7] =	ssyncadd.s32 $0xFFFFE000  }
0xa0: {  	_ =	swait.ge [sflag:s7], $0x2000  }
0xa1: {  	[sflag:s7] =	ssyncset.done $0x0  }
0xa2: {  	[sflag:s7] =	ssyncadd.s32 $0xFFFFE000  }
0xa3: {  	_ =	swait.ge [sflag:s7], $0x2000  }
0xa4: {  	[sflag:s7] =	ssyncset.done $0x0  }
0xa5: {  	[sflag:s7] =	ssyncadd.s32 $0xFFFFE000  }
0xa6: {  	_ =	swait.ge [sflag:s7], $0x2000  }
0xa7: {  	[sflag:s7] =	ssyncset.done $0x0  }
0xa8: {  	p1 =	sne.s32 s22, $0x1;
	[sflag:s7] =	ssyncadd.s32 $0xFFFFE000  }
.Ltmp1:
0xa9: {  	_ =	swait.ge [sflag:s7], $0x2000;
	(pc) =	sbr.rel @!p1 .LBB2_3-.Ltmp1, $4  }
0xaa: {  	[sflag:s7] =	ssyncset.done $0x0  }
0xab: {  	[sflag:s7] =	ssyncadd.s32 $0xFFFFE000  }
0xac: {  	p0 =	por $0x1, $0x1;
	_ =	swait.ge [sflag:s7], $0x2000  }
0xad: {  	s0 =	sadd.s32 $0xFFFFFFFF, s22;
	s1 =	rddreg [dreg:$0x5];
	[sflag:s7] =	ssyncset.done $0x0  }
.LBB2_4:
0xae: {  	[sflag:s7] =	ssyncadd.s32 $0xFFFFE000  }
0xaf: {  	[tilespmem:s21], [sflag:$0x3] =	stream.linear.gather [hbm4b:s1+s21], $0x200, $0x38;
	[tilespmem:$0x18C00] =	vst v63  }
0xb0: {  	_ =	swait.ge [sflag:s31], $0x200  }
0xb1: {  	[sflag:s31] =	ssyncset.done $0x0  }
0xb2: {  	s22 =	rddreg [dreg:$0x6];
	[sflag:s31] =	ssyncadd.s32 $0xFFFFFE00  }
0xb3: {  	[tilespmem:s6], [sflag:$0x3] =	stream.linear.gather [hbm4b:s22+s21], $0x200, $0x38;
	[tilespmem:$0x18C00] =	vst v63  }
0xb4: {  	_ =	swait.ge [sflag:s31], $0x200  }
0xb5: {  	[sflag:s31] =	ssyncset.done $0x0  }
0xb6: {  	s22 =	rddreg [dreg:$0x7];
	[sflag:s31] =	ssyncadd.s32 $0xFFFFFE00  }
0xb7: {  	[tilespmem:s30], [sflag:$0x3] =	stream.linear.gather [hbm4b:s22+s21], $0x200, $0x38;
	[tilespmem:$0x18C00] =	vst v63  }
0xb8: {  	_ =	swait.ge [sflag:s31], $0x200  }
0xb9: {  	[sflag:s31] =	ssyncset.done $0x0  }
0xba: {  	s22 =	rddreg [dreg:$0x8];
	[sflag:s31] =	ssyncadd.s32 $0xFFFFFE00  }
0xbb: {  	[tilespmem:s5], [sflag:$0x3] =	stream.linear.gather [hbm4b:s22+s21], $0x200, $0x38;
	[tilespmem:$0x18C00] =	vst v63  }
0xbc: {  	_ =	swait.ge [sflag:s31], $0x200  }
0xbd: {  	[sflag:s31] =	ssyncset.done $0x0  }
0xbe: {  	s22 =	rddreg [dreg:$0x9];
	[sflag:s31] =	ssyncadd.s32 $0xFFFFFE00  }
0xbf: {  	[tilespmem:s29], [sflag:$0x3] =	stream.linear.gather [hbm4b:s22+s21], $0x200, $0x38;
	[tilespmem:$0x18C00] =	vst v63  }
0xc0: {  	_ =	swait.ge [sflag:s31], $0x200  }
0xc1: {  	[sflag:s31] =	ssyncset.done $0x0  }
0xc2: {  	s22 =	rddreg [dreg:$0xa];
	[sflag:s31] =	ssyncadd.s32 $0xFFFFFE00  }
0xc3: {  	[tilespmem:s4], [sflag:$0x3] =	stream.linear.gather [hbm4b:s22+s21], $0x200, $0x38;
	[tilespmem:$0x18C00] =	vst v63  }
0xc4: {  	_ =	swait.ge [sflag:s31], $0x200  }
0xc5: {  	[sflag:s31] =	ssyncset.done $0x0  }
0xc6: {  	[sflag:s31] =	ssyncadd.s32 $0xFFFFFE00  }
0xc7: {  	[tilespmem:s8], [sflag:$0x1] =	stream.indirect.gather [hbm4b:s18+s3], $0x40, s21, s3, $0xb8;
	[tilespmem:$0x18C00] =	vst v63  }
0xc8: {  	_ = 	snop  }
0xc9: {  	[tilespmem:s9], [sflag:$0x1] =	stream.indirect.gather [hbm4b:s18+s3], $0x40, s3, s3, $0xb8;
	[tilespmem:$0x18C00] =	vst v63  }
0xca: {  	s1 =	rddreg [dreg:$0xb]  }
0xcb: {  	[tilespmem:s10], [sflag:$0x1] =	stream.indirect.gather [hbm4b:s18+s3], $0x40, s1, s3, $0xb8;
	[tilespmem:$0x18C00] =	vst v63  }
0xcc: {  	s22 =	rddreg [dreg:$0xc]  }
0xcd: {  	[tilespmem:s11], [sflag:$0x1] =	stream.indirect.gather [hbm4b:s18+s3], $0x40, s22, s3, $0xb8;
	[tilespmem:$0x18C00] =	vst v63  }
0xce: {  	_ = 	snop  }
0xcf: {  	[tilespmem:s12], [sflag:$0x1] =	stream.indirect.gather [hbm4b:s18+s3], $0x40, s30, s3, $0xb8;
	[tilespmem:$0x18C00] =	vst v63  }
0xd0: {  	s1 =	rddreg [dreg:$0xd]  }
0xd1: {  	[tilespmem:s13], [sflag:$0x1] =	stream.indirect.gather [hbm4b:s18+s3], $0x40, s1, s3, $0xb8;
	[tilespmem:$0x18C00] =	vst v63  }
0xd2: {  	s22 =	rddreg [dreg:$0xe]  }
0xd3: {  	[tilespmem:s14], [sflag:$0x1] =	stream.indirect.gather [hbm4b:s18+s3], $0x40, s22, s3, $0xb8;
	[tilespmem:$0x18C00] =	vst v63  }
0xd4: {  	s1 =	rddreg [dreg:$0xf]  }
0xd5: {  	[tilespmem:s15], [sflag:$0x1] =	stream.indirect.gather [hbm4b:s18+s3], $0x40, s1, s3, $0xb8;
	[tilespmem:$0x18C00] =	vst v63  }
0xd6: {  	_ = 	snop  }
0xd7: {  	[tilespmem:s16], [sflag:$0x1] =	stream.indirect.gather [hbm4b:s18+s3], $0x40, s29, s3, $0xb8;
	[tilespmem:$0x18C00] =	vst v63  }
0xd8: {  	s1 =	rddreg [dreg:$0x10]  }
0xd9: {  	[tilespmem:s17], [sflag:$0x1] =	stream.indirect.gather [hbm4b:s18+s3], $0x40, s1, s3, $0xb8;
	[tilespmem:$0x18C00] =	vst v63  }
0xda: {  	s22 =	rddreg [dreg:$0x11]  }
0xdb: {  	[tilespmem:s19], [sflag:$0x1] =	stream.indirect.gather [hbm4b:s18+s3], $0x40, s22, s3, $0xb8;
	[tilespmem:$0x18C00] =	vst v63  }
0xdc: {  	s1 =	rddreg [dreg:$0x12]  }
0xdd: {  	[tilespmem:s20], [sflag:$0x1] =	stream.indirect.gather [hbm4b:s18+s3], $0x40, s1, s3, $0xb8;
	[tilespmem:$0x18C00] =	vst v63  }
0xde: {  	_ =	swait.ge [sflag:s28], $0x2000  }
0xdf: {  	[sflag:s28] =	ssyncset.done $0x0  }
0xe0: {  	[sflag:s28] =	ssyncadd.s32 $0xFFFFE000  }
0xe1: {  	_ =	swait.ge [sflag:s28], $0x2000  }
0xe2: {  	[sflag:s28] =	ssyncset.done $0x0  }
0xe3: {  	[sflag:s28] =	ssyncadd.s32 $0xFFFFE000  }
0xe4: {  	_ =	swait.ge [sflag:s28], $0x2000  }
0xe5: {  	[sflag:s28] =	ssyncset.done $0x0  }
0xe6: {  	[sflag:s28] =	ssyncadd.s32 $0xFFFFE000  }
0xe7: {  	_ =	swait.ge [sflag:s28], $0x2000  }
0xe8: {  	[sflag:s28] =	ssyncset.done $0x0  }
0xe9: {  	[sflag:s28] =	ssyncadd.s32 $0xFFFFE000  }
0xea: {  	_ =	swait.ge [sflag:s28], $0x2000  }
0xeb: {  	[sflag:s28] =	ssyncset.done $0x0  }
0xec: {  	[sflag:s28] =	ssyncadd.s32 $0xFFFFE000  }
0xed: {  	_ =	swait.ge [sflag:s28], $0x2000  }
0xee: {  	[sflag:s28] =	ssyncset.done $0x0  }
0xef: {  	[sflag:s28] =	ssyncadd.s32 $0xFFFFE000  }
0xf0: {  	_ =	swait.ge [sflag:s28], $0x2000  }
0xf1: {  	[sflag:s28] =	ssyncset.done $0x0  }
0xf2: {  	[sflag:s28] =	ssyncadd.s32 $0xFFFFE000  }
0xf3: {  	_ =	swait.ge [sflag:s28], $0x2000  }
0xf4: {  	[sflag:s28] =	ssyncset.done $0x0  }
0xf5: {  	[sflag:s28] =	ssyncadd.s32 $0xFFFFE000  }
0xf6: {  	_ =	swait.ge [sflag:s28], $0x2000  }
0xf7: {  	[sflag:s28] =	ssyncset.done $0x0  }
0xf8: {  	[sflag:s28] =	ssyncadd.s32 $0xFFFFE000  }
0xf9: {  	_ =	swait.ge [sflag:s28], $0x2000  }
0xfa: {  	[sflag:s28] =	ssyncset.done $0x0  }
0xfb: {  	[sflag:s28] =	ssyncadd.s32 $0xFFFFE000  }
0xfc: {  	_ =	swait.ge [sflag:s28], $0x2000  }
0xfd: {  	[sflag:s28] =	ssyncset.done $0x0  }
0xfe: {  	[sflag:s28] =	ssyncadd.s32 $0xFFFFE000  }
0xff: {  	_ =	swait.ge [sflag:s28], $0x2000  }
0x100: {  	[sflag:s28] =	ssyncset.done $0x0  }
0x101: {  	[sflag:s28] =	ssyncadd.s32 $0xFFFFE000  }
0x102: {  	[hbm4b:s2+s3] =	stream.indirect.scatter [tilespmem:s8], [sflag:$0x2], $0x40, s6, s3, $0xb8;
	[tilespmem:$0x18C00] =	vst v63  }
0x103: {  	s1 =	rddreg [dreg:$0x13]  }
0x104: {  	[hbm4b:s2+s3] =	stream.indirect.scatter [tilespmem:s9], [sflag:$0x2], $0x40, s1, s3, $0xb8;
	[tilespmem:$0x18C00] =	vst v63  }
0x105: {  	s22 =	rddreg [dreg:$0x14]  }
0x106: {  	[hbm4b:s2+s3] =	stream.indirect.scatter [tilespmem:s10], [sflag:$0x2], $0x40, s22, s3, $0xb8;
	[tilespmem:$0x18C00] =	vst v63  }
0x107: {  	s1 =	rddreg [dreg:$0x15]  }
0x108: {  	[hbm4b:s2+s3] =	stream.indirect.scatter [tilespmem:s11], [sflag:$0x2], $0x40, s1, s3, $0xb8;
	[tilespmem:$0x18C00] =	vst v63  }
0x109: {  	_ = 	snop  }
0x10a: {  	[hbm4b:s2+s3] =	stream.indirect.scatter [tilespmem:s12], [sflag:$0x2], $0x40, s5, s3, $0xb8;
	[tilespmem:$0x18C00] =	vst v63  }
0x10b: {  	s22 =	rddreg [dreg:$0x16]  }
0x10c: {  	[hbm4b:s2+s3] =	stream.indirect.scatter [tilespmem:s13], [sflag:$0x2], $0x40, s22, s3, $0xb8;
	[tilespmem:$0x18C00] =	vst v63  }
0x10d: {  	s22 =	simm.s32 $0x900  }
0x10e: {  	[hbm4b:s2+s3] =	stream.indirect.scatter [tilespmem:s14], [sflag:$0x2], $0x40, s22, s3, $0xb8;
	[tilespmem:$0x18C00] =	vst v63  }
0x10f: {  	_ = 	snop  }
0x110: {  	[hbm4b:s2+s3] =	stream.indirect.scatter [tilespmem:s15], [sflag:$0x2], $0x40, s26, s3, $0xb8;
	[tilespmem:$0x18C00] =	vst v63  }
0x111: {  	_ = 	snop  }
0x112: {  	[hbm4b:s2+s3] =	stream.indirect.scatter [tilespmem:s16], [sflag:$0x2], $0x40, s4, s3, $0xb8;
	[tilespmem:$0x18C00] =	vst v63  }
0x113: {  	_ = 	snop  }
0x114: {  	[hbm4b:s2+s3] =	stream.indirect.scatter [tilespmem:s17], [sflag:$0x2], $0x40, s23, s3, $0xb8;
	[tilespmem:$0x18C00] =	vst v63  }
0x115: {  	_ = 	snop  }
0x116: {  	[hbm4b:s2+s3] =	stream.indirect.scatter [tilespmem:s19], [sflag:$0x2], $0x40, s24, s3, $0xb8;
	[tilespmem:$0x18C00] =	vst v63  }
0x117: {  	_ = 	snop  }
0x118: {  	[hbm4b:s2+s3] =	stream.indirect.scatter [tilespmem:s20], [sflag:$0x2], $0x40, s25, s3, $0xb8;
	[tilespmem:$0x18C00] =	vst v63  }
0x119: {  	_ =	swait.ge [sflag:s7], $0x2000  }
0x11a: {  	[sflag:s7] =	ssyncset.done $0x0  }
0x11b: {  	[sflag:s7] =	ssyncadd.s32 $0xFFFFE000  }
0x11c: {  	_ =	swait.ge [sflag:s7], $0x2000  }
0x11d: {  	[sflag:s7] =	ssyncset.done $0x0  }
0x11e: {  	[sflag:s7] =	ssyncadd.s32 $0xFFFFE000  }
0x11f: {  	_ =	swait.ge [sflag:s7], $0x2000  }
0x120: {  	[sflag:s7] =	ssyncset.done $0x0  }
0x121: {  	[sflag:s7] =	ssyncadd.s32 $0xFFFFE000  }
0x122: {  	_ =	swait.ge [sflag:s7], $0x2000  }
0x123: {  	[sflag:s7] =	ssyncset.done $0x0  }
0x124: {  	[sflag:s7] =	ssyncadd.s32 $0xFFFFE000  }
0x125: {  	_ =	swait.ge [sflag:s7], $0x2000  }
0x126: {  	[sflag:s7] =	ssyncset.done $0x0  }
0x127: {  	[sflag:s7] =	ssyncadd.s32 $0xFFFFE000  }
0x128: {  	_ =	swait.ge [sflag:s7], $0x2000  }
0x129: {  	[sflag:s7] =	ssyncset.done $0x0  }
0x12a: {  	[sflag:s7] =	ssyncadd.s32 $0xFFFFE000  }
0x12b: {  	_ =	swait.ge [sflag:s7], $0x2000  }
0x12c: {  	[sflag:s7] =	ssyncset.done $0x0  }
0x12d: {  	[sflag:s7] =	ssyncadd.s32 $0xFFFFE000  }
0x12e: {  	_ =	swait.ge [sflag:s7], $0x2000  }
0x12f: {  	[sflag:s7] =	ssyncset.done $0x0  }
0x130: {  	[sflag:s7] =	ssyncadd.s32 $0xFFFFE000  }
0x131: {  	_ =	swait.ge [sflag:s7], $0x2000  }
0x132: {  	[sflag:s7] =	ssyncset.done $0x0  }
0x133: {  	[sflag:s7] =	ssyncadd.s32 $0xFFFFE000  }
0x134: {  	_ =	swait.ge [sflag:s7], $0x2000  }
0x135: {  	[sflag:s7] =	ssyncset.done $0x0  }
0x136: {  	p1 =	sne.s32 s0, $0x1;
	[sflag:s7] =	ssyncadd.s32 $0xFFFFE000  }
.Ltmp2:
0x137: {  	_ =	swait.ge [sflag:s7], $0x2000;
	(pc) =	sbr.rel @p1 .LBB2_4-.Ltmp2, $4  }
0x138: {  	[sflag:s7] =	ssyncset.done $0x0  }
0x139: {  	[sflag:s7] =	ssyncadd.s32 $0xFFFFE000  }
0x13a: {  	_ =	swait.ge [sflag:s7], $0x2000  }
0x13b: {  	s0 =	sadd.s32 $0xFFFFFFFF, s0;
	s1 =	rddreg [dreg:$0x5];
	[sflag:s7] =	ssyncset.done $0x0  }
0x13c: {  	s25 =	simm.s32 $0x980;
	s26 =	simm.s32 $0x900  }
0x13d: {  	s24 =	simm.s32 $0xB00;
	s23 =	simm.s32 $0xA80;
	s22 =	rddreg [dreg:$0x4]  }
.LBB2_6:
0x13e: {  	[sflag:s7] =	ssyncadd.s32 @p0 $0xFFFFE000  }
0x13f: {  	[tilespmem:s21], [sflag:$0x3] =	stream.linear.gather [hbm4b:s1+s21], $0x200, $0x38;
	[tilespmem:$0x18C00] =	vst v63  }
0x140: {  	_ =	swait.ge [sflag:s31], $0x200  }
0x141: {  	[sflag:s31] =	ssyncset.done $0x0  }
0x142: {  	s0 =	rddreg [dreg:$0x6];
	[sflag:s31] =	ssyncadd.s32 $0xFFFFFE00  }
0x143: {  	[tilespmem:s6], [sflag:$0x3] =	stream.linear.gather [hbm4b:s0+s21], $0x200, $0x38;
	[tilespmem:$0x18C00] =	vst v63  }
0x144: {  	_ =	swait.ge [sflag:s31], $0x200  }
0x145: {  	[sflag:s31] =	ssyncset.done $0x0  }
0x146: {  	s1 =	rddreg [dreg:$0x7];
	[sflag:s31] =	ssyncadd.s32 $0xFFFFFE00  }
0x147: {  	[tilespmem:s30], [sflag:$0x3] =	stream.linear.gather [hbm4b:s1+s21], $0x200, $0x38;
	[tilespmem:$0x18C00] =	vst v63  }
0x148: {  	_ =	swait.ge [sflag:s31], $0x200  }
0x149: {  	[sflag:s31] =	ssyncset.done $0x0  }
0x14a: {  	s1 =	rddreg [dreg:$0x8];
	[sflag:s31] =	ssyncadd.s32 $0xFFFFFE00  }
0x14b: {  	[tilespmem:s5], [sflag:$0x3] =	stream.linear.gather [hbm4b:s1+s21], $0x200, $0x38;
	[tilespmem:$0x18C00] =	vst v63  }
0x14c: {  	_ =	swait.ge [sflag:s31], $0x200  }
0x14d: {  	[sflag:s31] =	ssyncset.done $0x0  }
0x14e: {  	s1 =	rddreg [dreg:$0x9];
	[sflag:s31] =	ssyncadd.s32 $0xFFFFFE00  }
0x14f: {  	[tilespmem:s29], [sflag:$0x3] =	stream.linear.gather [hbm4b:s1+s21], $0x200, $0x38;
	[tilespmem:$0x18C00] =	vst v63  }
0x150: {  	_ =	swait.ge [sflag:s31], $0x200  }
0x151: {  	[sflag:s31] =	ssyncset.done $0x0  }
0x152: {  	s1 =	rddreg [dreg:$0xa];
	[sflag:s31] =	ssyncadd.s32 $0xFFFFFE00  }
0x153: {  	[tilespmem:s4], [sflag:$0x3] =	stream.linear.gather [hbm4b:s1+s21], $0x200, $0x38;
	[tilespmem:$0x18C00] =	vst v63  }
0x154: {  	_ =	swait.ge [sflag:s31], $0x200  }
0x155: {  	[sflag:s31] =	ssyncset.done $0x0  }
0x156: {  	[sflag:s31] =	ssyncadd.s32 $0xFFFFFE00  }
0x157: {  	[tilespmem:s8], [sflag:$0x1] =	stream.indirect.gather [hbm4b:s18+s3], $0x40, s21, s3, $0xb8;
	[tilespmem:$0x18C00] =	vst v63  }
0x158: {  	_ = 	snop  }
0x159: {  	[tilespmem:s9], [sflag:$0x1] =	stream.indirect.gather [hbm4b:s18+s3], $0x40, s3, s3, $0xb8;
	[tilespmem:$0x18C00] =	vst v63  }
0x15a: {  	s21 =	rddreg [dreg:$0xb]  }
0x15b: {  	[tilespmem:s10], [sflag:$0x1] =	stream.indirect.gather [hbm4b:s18+s3], $0x40, s21, s3, $0xb8;
	[tilespmem:$0x18C00] =	vst v63  }
0x15c: {  	s31 =	rddreg [dreg:$0xc]  }
0x15d: {  	[tilespmem:s11], [sflag:$0x1] =	stream.indirect.gather [hbm4b:s18+s3], $0x40, s31, s3, $0xb8;
	[tilespmem:$0x18C00] =	vst v63  }
0x15e: {  	_ = 	snop  }
0x15f: {  	[tilespmem:s12], [sflag:$0x1] =	stream.indirect.gather [hbm4b:s18+s3], $0x40, s30, s3, $0xb8;
	[tilespmem:$0x18C00] =	vst v63  }
0x160: {  	s21 =	rddreg [dreg:$0xd]  }
0x161: {  	[tilespmem:s13], [sflag:$0x1] =	stream.indirect.gather [hbm4b:s18+s3], $0x40, s21, s3, $0xb8;
	[tilespmem:$0x18C00] =	vst v63  }
0x162: {  	s30 =	rddreg [dreg:$0xe]  }
0x163: {  	[tilespmem:s14], [sflag:$0x1] =	stream.indirect.gather [hbm4b:s18+s3], $0x40, s30, s3, $0xb8;
	[tilespmem:$0x18C00] =	vst v63  }
0x164: {  	s31 =	rddreg [dreg:$0xf]  }
0x165: {  	[tilespmem:s15], [sflag:$0x1] =	stream.indirect.gather [hbm4b:s18+s3], $0x40, s31, s3, $0xb8;
	[tilespmem:$0x18C00] =	vst v63  }
0x166: {  	_ = 	snop  }
0x167: {  	[tilespmem:s16], [sflag:$0x1] =	stream.indirect.gather [hbm4b:s18+s3], $0x40, s29, s3, $0xb8;
	[tilespmem:$0x18C00] =	vst v63  }
0x168: {  	s21 =	rddreg [dreg:$0x10]  }
0x169: {  	[tilespmem:s17], [sflag:$0x1] =	stream.indirect.gather [hbm4b:s18+s3], $0x40, s21, s3, $0xb8;
	[tilespmem:$0x18C00] =	vst v63  }
0x16a: {  	s30 =	rddreg [dreg:$0x11]  }
0x16b: {  	[tilespmem:s19], [sflag:$0x1] =	stream.indirect.gather [hbm4b:s18+s3], $0x40, s30, s3, $0xb8;
	[tilespmem:$0x18C00] =	vst v63  }
0x16c: {  	s31 =	rddreg [dreg:$0x12]  }
0x16d: {  	[tilespmem:s20], [sflag:$0x1] =	stream.indirect.gather [hbm4b:s18+s3], $0x40, s31, s3, $0xb8;
	[tilespmem:$0x18C00] =	vst v63  }
0x16e: {  	_ =	swait.ge [sflag:s28], $0x2000  }
0x16f: {  	[sflag:s28] =	ssyncset.done $0x0  }
0x170: {  	[sflag:s28] =	ssyncadd.s32 $0xFFFFE000  }
0x171: {  	_ =	swait.ge [sflag:s28], $0x2000  }
0x172: {  	[sflag:s28] =	ssyncset.done $0x0  }
0x173: {  	[sflag:s28] =	ssyncadd.s32 $0xFFFFE000  }
0x174: {  	_ =	swait.ge [sflag:s28], $0x2000  }
0x175: {  	[sflag:s28] =	ssyncset.done $0x0  }
0x176: {  	[sflag:s28] =	ssyncadd.s32 $0xFFFFE000  }
0x177: {  	_ =	swait.ge [sflag:s28], $0x2000  }
0x178: {  	[sflag:s28] =	ssyncset.done $0x0  }
0x179: {  	[sflag:s28] =	ssyncadd.s32 $0xFFFFE000  }
0x17a: {  	_ =	swait.ge [sflag:s28], $0x2000  }
0x17b: {  	[sflag:s28] =	ssyncset.done $0x0  }
0x17c: {  	[sflag:s28] =	ssyncadd.s32 $0xFFFFE000  }
0x17d: {  	_ =	swait.ge [sflag:s28], $0x2000  }
0x17e: {  	[sflag:s28] =	ssyncset.done $0x0  }
0x17f: {  	[sflag:s28] =	ssyncadd.s32 $0xFFFFE000  }
0x180: {  	_ =	swait.ge [sflag:s28], $0x2000  }
0x181: {  	[sflag:s28] =	ssyncset.done $0x0  }
0x182: {  	[sflag:s28] =	ssyncadd.s32 $0xFFFFE000  }
0x183: {  	_ =	swait.ge [sflag:s28], $0x2000  }
0x184: {  	[sflag:s28] =	ssyncset.done $0x0  }
0x185: {  	[sflag:s28] =	ssyncadd.s32 $0xFFFFE000  }
0x186: {  	_ =	swait.ge [sflag:s28], $0x2000  }
0x187: {  	[sflag:s28] =	ssyncset.done $0x0  }
0x188: {  	[sflag:s28] =	ssyncadd.s32 $0xFFFFE000  }
0x189: {  	_ =	swait.ge [sflag:s28], $0x2000  }
0x18a: {  	[sflag:s28] =	ssyncset.done $0x0  }
0x18b: {  	[sflag:s28] =	ssyncadd.s32 $0xFFFFE000  }
0x18c: {  	_ =	swait.ge [sflag:s28], $0x2000  }
0x18d: {  	[sflag:s28] =	ssyncset.done $0x0  }
0x18e: {  	[sflag:s28] =	ssyncadd.s32 $0xFFFFE000  }
0x18f: {  	_ =	swait.ge [sflag:s28], $0x2000  }
0x190: {  	[sflag:s28] =	ssyncset.done $0x0  }
0x191: {  	[sflag:s28] =	ssyncadd.s32 $0xFFFFE000  }
0x192: {  	[hbm4b:s2+s3] =	stream.indirect.scatter [tilespmem:s8], [sflag:$0x2], $0x40, s6, s3, $0xb8;
	[tilespmem:$0x18C00] =	vst v63  }
0x193: {  	s18 =	rddreg [dreg:$0x13]  }
0x194: {  	[hbm4b:s2+s3] =	stream.indirect.scatter [tilespmem:s9], [sflag:$0x2], $0x40, s18, s3, $0xb8;
	[tilespmem:$0x18C00] =	vst v63  }
0x195: {  	s21 =	rddreg [dreg:$0x14]  }
0x196: {  	[hbm4b:s2+s3] =	stream.indirect.scatter [tilespmem:s10], [sflag:$0x2], $0x40, s21, s3, $0xb8;
	[tilespmem:$0x18C00] =	vst v63  }
0x197: {  	s28 =	rddreg [dreg:$0x15]  }
0x198: {  	[hbm4b:s2+s3] =	stream.indirect.scatter [tilespmem:s11], [sflag:$0x2], $0x40, s28, s3, $0xb8;
	[tilespmem:$0x18C00] =	vst v63  }
0x199: {  	_ = 	snop  }
0x19a: {  	[hbm4b:s2+s3] =	stream.indirect.scatter [tilespmem:s12], [sflag:$0x2], $0x40, s5, s3, $0xb8;
	[tilespmem:$0x18C00] =	vst v63  }
0x19b: {  	s29 =	rddreg [dreg:$0x16]  }
0x19c: {  	[hbm4b:s2+s3] =	stream.indirect.scatter [tilespmem:s13], [sflag:$0x2], $0x40, s29, s3, $0xb8;
	[tilespmem:$0x18C00] =	vst v63  }
0x19d: {  	_ = 	snop  }
0x19e: {  	[hbm4b:s2+s3] =	stream.indirect.scatter [tilespmem:s14], [sflag:$0x2], $0x40, s26, s3, $0xb8;
	[tilespmem:$0x18C00] =	vst v63  }
0x19f: {  	_ = 	snop  }
0x1a0: {  	[hbm4b:s2+s3] =	stream.indirect.scatter [tilespmem:s15], [sflag:$0x2], $0x40, s25, s3, $0xb8;
	[tilespmem:$0x18C00] =	vst v63  }
0x1a1: {  	_ = 	snop  }
0x1a2: {  	[hbm4b:s2+s3] =	stream.indirect.scatter [tilespmem:s16], [sflag:$0x2], $0x40, s4, s3, $0xb8;
	[tilespmem:$0x18C00] =	vst v63  }
0x1a3: {  	_ = 	snop  }
0x1a4: {  	[hbm4b:s2+s3] =	stream.indirect.scatter [tilespmem:s17], [sflag:$0x2], $0x40, s23, s3, $0xb8;
	[tilespmem:$0x18C00] =	vst v63  }
0x1a5: {  	_ = 	snop  }
0x1a6: {  	[hbm4b:s2+s3] =	stream.indirect.scatter [tilespmem:s19], [sflag:$0x2], $0x40, s24, s3, $0xb8;
	[tilespmem:$0x18C00] =	vst v63  }
0x1a7: {  	s30 =	simm.s32 $0xB80  }
0x1a8: {  	[hbm4b:s2+s3] =	stream.indirect.scatter [tilespmem:s20], [sflag:$0x2], $0x40, s30, s3, $0xb8;
	[tilespmem:$0x18C00] =	vst v63  }
0x1a9: {  	_ =	swait.ge [sflag:s7], $0x2000  }
0x1aa: {  	[sflag:s7] =	ssyncset.done $0x0  }
0x1ab: {  	[sflag:s7] =	ssyncadd.s32 $0xFFFFE000  }
0x1ac: {  	_ =	swait.ge [sflag:s7], $0x2000  }
0x1ad: {  	[sflag:s7] =	ssyncset.done $0x0  }
0x1ae: {  	[sflag:s7] =	ssyncadd.s32 $0xFFFFE000  }
0x1af: {  	_ =	swait.ge [sflag:s7], $0x2000  }
0x1b0: {  	[sflag:s7] =	ssyncset.done $0x0  }
0x1b1: {  	[sflag:s7] =	ssyncadd.s32 $0xFFFFE000  }
0x1b2: {  	_ =	swait.ge [sflag:s7], $0x2000  }
0x1b3: {  	[sflag:s7] =	ssyncset.done $0x0  }
0x1b4: {  	[sflag:s7] =	ssyncadd.s32 $0xFFFFE000  }
0x1b5: {  	_ =	swait.ge [sflag:s7], $0x2000  }
0x1b6: {  	[sflag:s7] =	ssyncset.done $0x0  }
0x1b7: {  	[sflag:s7] =	ssyncadd.s32 $0xFFFFE000  }
0x1b8: {  	_ =	swait.ge [sflag:s7], $0x2000  }
0x1b9: {  	[sflag:s7] =	ssyncset.done $0x0  }
0x1ba: {  	[sflag:s7] =	ssyncadd.s32 $0xFFFFE000  }
0x1bb: {  	_ =	swait.ge [sflag:s7], $0x2000  }
0x1bc: {  	[sflag:s7] =	ssyncset.done $0x0  }
0x1bd: {  	[sflag:s7] =	ssyncadd.s32 $0xFFFFE000  }
0x1be: {  	_ =	swait.ge [sflag:s7], $0x2000  }
0x1bf: {  	[sflag:s7] =	ssyncset.done $0x0  }
0x1c0: {  	[sflag:s7] =	ssyncadd.s32 $0xFFFFE000  }
0x1c1: {  	_ =	swait.ge [sflag:s7], $0x2000  }
0x1c2: {  	[sflag:s7] =	ssyncset.done $0x0  }
0x1c3: {  	[sflag:s7] =	ssyncadd.s32 $0xFFFFE000  }
0x1c4: {  	_ =	swait.ge [sflag:s7], $0x2000  }
0x1c5: {  	[sflag:s7] =	ssyncset.done $0x0  }
0x1c6: {  	[sflag:s7] =	ssyncadd.s32 $0xFFFFE000  }
0x1c7: {  	_ =	swait.ge [sflag:s7], $0x2000  }
0x1c8: {  	[sflag:s7] =	ssyncset.done $0x0  }
0x1c9: {  	[sflag:s7] =	ssyncadd.s32 $0xFFFFE000  }
0x1ca: {  	_ =	swait.ge [sflag:s7], $0x2000  }
0x1cb: {  	[sflag:s7] =	ssyncset.done $0x0  }
0x1cc: {  	[sflag:s7] =	ssyncadd.s32 $0xFFFFE000  }
0x1cd: {  	_ =	sfence.sel $0x180000  }
0x1ce: {  	s31 =	stileid.u32;
	[bflag:$0x0] =	sbarrier.arrive $0xFFFF  }
0x1cf: {  	p0 =	sne.s32 s31, $0x0;
	_ =	strace $0x90000047  }
0x1d0: {  	s0 =	sadd.s32 @!p0 $0x100000, s22;
	[bflag:$0x2] =	sbarrier.arrive $0xFFFF  }
0x1d1: {  	[sflag:s0] =	ssyncadd.tile.s32 @!p0 $0x1;
	_ =	shalt  }
.LBB2_1:
.Ltmp3:
0x1d2: {  	(pc) =	sbr.rel .LBB2_6-.Ltmp3, $3  }
0x1d3: {  	_ =	sdelay $0x1  }
0x1d4: {  	s25 =	simm.s32 $0x980  }
0x1d5: {  	s26 =	simm.s32 $0x900;
	s24 =	simm.s32 $0xB00;
	s23 =	simm.s32 $0xA80  }
.LBB2_3:
.Ltmp4:
0x1d6: {  	(pc) =	sbr.rel .LBB2_6-.Ltmp4, $3  }
0x1d7: {  	_ =	sdelay $0x1  }
0x1d8: {  	s25 =	simm.s32 $0x980;
	s26 =	simm.s32 $0x900  }
0x1d9: {  	s24 =	simm.s32 $0xB00;
	s23 =	simm.s32 $0xA80;
	s22 =	rddreg [dreg:$0x4]  }
.Lfunc_end2:
_tile_overlayer_lowered:
.L_overlay_start_2:
0x1da: {  	(tag) =	ssettag $0x2  }
0x1db: {  	s0 =	rddreg [dreg:$0x0];
	s2 =	stileid.u32  }
0x1dc: {  	s1 =	rddreg [dreg:$0x1];
	p0 =	sne.s32 s2, $0x0  }
0x1dd: {  	s3 =	rddreg [dreg:$0x2];
	[bflag:$0x3] =	sbarrier.arrive $0xFFFF;
	s2 =	simm.s32 @!p0 $0x1C03  }
0x1de: {  	[timem:s3], [sflag:s2] =	dma.local @!p0 [hbm:s0], s1  }
0x1df: {  	s0 =	simm.s32 @!p0 $0x3  }
0x1e0: {  	_ =	swait.ge @!p0 [sflag:s0], s1  }
0x1e1: {  	s1 =	ssub.s32 @!p0 $0x0, s1;
	[sflag:s0] =	ssyncset.done @!p0 $0x0  }
0x1e2: {  	[sflag:s0] =	ssyncadd.s32 @!p0 s1  }
0x1e3: {  	[bflag:$0x3] =	sbarrier.arrive $0xFFFF  }
0x1e4: {  	_ =	shalt  }

</sc_bundles>
